<compile_context>
chip_gen: v7x
topology: tpu7x:2x2x1
jax: 0.10.2.dev20260603
libtpu: 0.0.44.dev20260713+nightly
codegen_flags: <defaults>
</compile_context>

<pallas_src>
import jax
import jax.numpy as jnp
from jax import lax
from jax.experimental import pallas as pl
from jax.experimental.pallas import tpu as pltpu
from jax.experimental.pallas import tpu_sc as plsc

BATCH = 16384
LANES = 16
NUM_WORKERS = 32
B_PER_W = BATCH // NUM_WORKERS
CHUNKS = (256, 256)

TWO_LN2 = 2.0 * 0.6931471805599453
BIAS_K = 127.0 * TWO_LN2
E0 = 2.0 * 0.99744885
E1 = 2.0 * -0.47130057
E2 = 2.0 * 0.22568444
E3 = 2.0 * -0.05875647


def _reward(t, r, av):
    bits = lax.bitcast_convert_type(r + 1e-05, jnp.int32)
    ef = (bits >> 23).astype(jnp.float32)
    z = lax.bitcast_convert_type(
        (bits & 0x007FFFFF) | 0x3F800000, jnp.float32) - 1.0
    p = z * (E0 + z * (E1 + z * (E2 + z * E3)))
    move = jnp.where(av != 0, jnp.float32(0.1), jnp.float32(0.0))
    return (100.0 * t + BIAS_K - move) - ef * TWO_LN2 - p


def _sc_body(x_hbm, a_hbm, rho_hbm, theta_hbm, out_hbm,
             idx_v, a_v, tm_v, r_v, sem_a, sem_out, sems_g):
    wid = lax.axis_index("s") * 2 + lax.axis_index("c")
    base = wid * B_PER_W
    pltpu.sync_copy(x_hbm.at[pl.ds(base, B_PER_W)], idx_v)
    gathers = []
    off = 0
    for h, ch in enumerate(CHUNKS):
        sl = pl.ds(off, ch)
        gt = pltpu.async_copy(theta_hbm.at[idx_v.at[sl]], tm_v.at[sl],
                              sems_g.at[h])
        gr = pltpu.async_copy(rho_hbm.at[idx_v.at[sl]], r_v.at[sl],
                              sems_g.at[h])
        gathers.append((gt, gr))
        off += ch
    ca = pltpu.async_copy(a_hbm.at[pl.ds(base, B_PER_W)], a_v, sem_a)
    ca.wait()
    out_copies = []
    off = 0
    for h, ch in enumerate(CHUNKS):
        gt, gr = gathers[h]
        gt.wait()
        gr.wait()
        for i in range(ch // LANES):
            sl = pl.ds(off + i * LANES, LANES)
            r_v[sl] = _reward(tm_v[sl], r_v[sl], a_v[sl])
        out_copies.append(
            pltpu.async_copy(r_v.at[pl.ds(off, ch)],
                             out_hbm.at[pl.ds(base + off, ch)], sem_out))
        off += ch
    for c in out_copies:
        c.wait()


@jax.jit
def kernel(x, a, rho, theta_map):
    mesh = plsc.VectorSubcoreMesh(core_axis_name="c", subcore_axis_name="s")
    run = pl.kernel(
        _sc_body,
        mesh=mesh,
        out_type=jax.ShapeDtypeStruct((BATCH,), jnp.float32),
        scratch_types=[
            pltpu.VMEM((B_PER_W,), jnp.int32),
            pltpu.VMEM((B_PER_W,), jnp.int32),
            pltpu.VMEM((B_PER_W,), jnp.float32),
            pltpu.VMEM((B_PER_W,), jnp.float32),
            pltpu.SemaphoreType.DMA,
            pltpu.SemaphoreType.DMA,
            pltpu.SemaphoreType.DMA((2,)),
        ],
    )
    return run(x, a, rho, theta_map)

# --- scband reference (transcript-rebuilt; emitter-appended) ---
"""Pipeline reference for scband-city-relocation-82944408421017 (READ-ONLY COPY).

The authoritative reference and input builder live on the scoring server;
editing this copy changes nothing except your own understanding.
"""

import jax, jax.numpy as jnp
import numpy as np

NB_STATES = 1000000  # perfect square: grid_size = 1000
BATCH = 16384
THETA_CONG = 2.0
THETA_MOVE = 0.1


def setup_inputs(seed: int = 0) -> dict:
    key = jax.random.key(seed)
    k1, k2, k3, k4 = jax.random.split(key, 4)
    x = jax.random.randint(k1, (BATCH,), 0, NB_STATES)
    a = jax.random.randint(k2, (BATCH,), 0, 5)
    rho = jax.random.uniform(k3, (NB_STATES,), dtype=jnp.float32)
    # learned parameter theta_map (zeros at init in the module; randomized here
    # so the gather is nontrivial)
    theta_map = jax.random.normal(k4, (NB_STATES,), dtype=jnp.float32)
    return {"x": x, "a": a, "rho": rho, "theta_map": theta_map}


def reference(x, a, rho, theta_map):
    # CityRelocation.reward batched over agents:
    # r = 100*theta_map[x] - theta_cong*log(rho[x]+1e-5) - theta_move*1_{a!=0}
    attraction = theta_map[x]                      # gather (embedding lookup)
    congestion = THETA_CONG * jnp.log(rho[x] + 1e-05)  # gather (embedding lookup)
    moving_cost = jnp.where(a != 0, THETA_MOVE, 0.0)
    return 100 * attraction - congestion - moving_cost

if __name__ == "__main__":
    import jax
    _d = setup_inputs()
    print(jax.jit(kernel)(*tuple(_d.values())))

</pallas_src>

<mosaic_0001>
#map = affine_map<(d0, d1) -> (0)>
module attributes {stable_mosaic.version = 14 : i64} {
  func.func @_sc_body(%arg0: i32, %arg1: i32, %arg2: memref<16384xi32, #tpu.memory_space<hbm>>, %arg3: memref<16384xi32, #tpu.memory_space<hbm>>, %arg4: memref<1000000xf32, #tpu.memory_space<hbm>>, %arg5: memref<1000000xf32, #tpu.memory_space<hbm>>, %arg6: memref<16384xf32, #tpu.memory_space<hbm>>, %arg7: memref<512xi32, #tpu.memory_space<vmem>>, %arg8: memref<512xi32, #tpu.memory_space<vmem>>, %arg9: memref<512xf32, #tpu.memory_space<vmem>>, %arg10: memref<512xf32, #tpu.memory_space<vmem>>, %arg11: memref<!tpu.dma_semaphore, #tpu.memory_space<semaphore_mem>>, %arg12: memref<!tpu.dma_semaphore, #tpu.memory_space<semaphore_mem>>, %arg13: memref<2x!tpu.dma_semaphore, #tpu.memory_space<semaphore_mem>>) attributes {dimension_semantics = [#tpu.dimension_semantics<core_parallel>, #tpu.dimension_semantics<subcore_parallel>], iteration_bounds = array<i64: 2, 16>, scalar_prefetch = 0 : i64, scratch_operands = 7 : i64, tpu.core_type = #tpu.core_type<sc_vector_subcore>, window_params = [{transform_indices = #map}, {transform_indices = #map}, {transform_indices = #map}, {transform_indices = #map}, {transform_indices = #map}]} {
    %mul3A = arith.constant 2 : i32
    %mul3A_0 = arith.muli %arg1, %mul3A : i32
    %add3A = arith.addi %mul3A_0, %arg0 : i32
    %mul3A_1 = arith.constant 512 : i32
    %mul3A_2 = arith.muli %add3A, %mul3A_1 : i32
    "tpu.region"() ({
      %run_scoped3A = tpu.sem_alloc : memref<!tpu.dma_semaphore, #tpu.memory_space<semaphore_mem>>
      %dma_start3A_2205 = tpu.memref_slice %arg2[%mul3A_2] : memref<16384xi32, #tpu.memory_space<hbm>> -> memref<512xi32, #tpu.memory_space<hbm>>
      %dma_start3A_2206 = tpu.memref_slice %arg2[%mul3A_2] : memref<16384xi32, #tpu.memory_space<hbm>> -> memref<512xi32, #tpu.memory_space<hbm>>
      tpu.enqueue_dma source(%dma_start3A_2206 : memref<512xi32, #tpu.memory_space<hbm>>) target(%arg7 : memref<512xi32, #tpu.memory_space<vmem>>) target_semaphore(%run_scoped3A : memref<!tpu.dma_semaphore, #tpu.memory_space<semaphore_mem>>)
      %dma_wait3A_2207 = tpu.memref_slice %arg2[%mul3A_2] : memref<16384xi32, #tpu.memory_space<hbm>> -> memref<512xi32, #tpu.memory_space<hbm>>
      %dma_wait3A_2208 = tpu.memref_slice %arg2[%mul3A_2] : memref<16384xi32, #tpu.memory_space<hbm>> -> memref<512xi32, #tpu.memory_space<hbm>>
      tpu.wait_dma2 semaphore(%run_scoped3A : memref<!tpu.dma_semaphore, #tpu.memory_space<semaphore_mem>>) src(%dma_wait3A_2208 : memref<512xi32, #tpu.memory_space<hbm>>) dst(%arg7 : memref<512xi32, #tpu.memory_space<vmem>>)
      tpu.yield
    }) : () -> ()
    %dma_start3A = arith.constant 0 : i32
    %dma_start3A_3 = arith.constant 0 : i32
    %dma_start3A_4 = tpu.memref_slice %arg9[%dma_start3A_3] : memref<512xf32, #tpu.memory_space<vmem>> -> memref<256xf32, #tpu.memory_space<vmem>>
    %dma_start3A_5 = arith.constant 0 : i32
    %dma_start3A_6 = tpu.memref_slice %arg7[%dma_start3A_5] : memref<512xi32, #tpu.memory_space<vmem>> -> memref<256xi32, #tpu.memory_space<vmem>>
    %dma_start3A_7 = arith.constant 0 : i32
    %dma_start3A_8 = tpu.memref_slice %arg5[%dma_start3A_7] : memref<1000000xf32, #tpu.memory_space<hbm>> -> memref<1000000xf32, #tpu.memory_space<hbm>>
    %dma_start3A_9 = tpu.memref_slice %arg13[%dma_start3A] : memref<2x!tpu.dma_semaphore, #tpu.memory_space<semaphore_mem>> -> memref<1x!tpu.dma_semaphore, #tpu.memory_space<semaphore_mem>>
    %dma_start3A_10 = tpu.memref_squeeze %dma_start3A_9 : memref<1x!tpu.dma_semaphore, #tpu.memory_space<semaphore_mem>> -> memref<!tpu.dma_semaphore, #tpu.memory_space<semaphore_mem>>
    tpu.enqueue_indirect_dma source(%dma_start3A_8 : memref<1000000xf32, #tpu.memory_space<hbm>>) target(%dma_start3A_4 : memref<256xf32, #tpu.memory_space<vmem>>) offsets(%dma_start3A_6 : memref<256xi32, #tpu.memory_space<vmem>>) semaphore(%dma_start3A_10 : memref<!tpu.dma_semaphore, #tpu.memory_space<semaphore_mem>>)
    %dma_start3A_11 = arith.constant 0 : i32
    %dma_start3A_12 = arith.constant 0 : i32
    %dma_start3A_13 = tpu.memref_slice %arg10[%dma_start3A_12] : memref<512xf32, #tpu.memory_space<vmem>> -> memref<256xf32, #tpu.memory_space<vmem>>
    %dma_start3A_14 = arith.constant 0 : i32
    %dma_start3A_15 = tpu.memref_slice %arg7[%dma_start3A_14] : memref<512xi32, #tpu.memory_space<vmem>> -> memref<256xi32, #tpu.memory_space<vmem>>
    %dma_start3A_16 = arith.constant 0 : i32
    %dma_start3A_17 = tpu.memref_slice %arg4[%dma_start3A_16] : memref<1000000xf32, #tpu.memory_space<hbm>> -> memref<1000000xf32, #tpu.memory_space<hbm>>
    %dma_start3A_18 = tpu.memref_slice %arg13[%dma_start3A_11] : memref<2x!tpu.dma_semaphore, #tpu.memory_space<semaphore_mem>> -> memref<1x!tpu.dma_semaphore, #tpu.memory_space<semaphore_mem>>
    %dma_start3A_19 = tpu.memref_squeeze %dma_start3A_18 : memref<1x!tpu.dma_semaphore, #tpu.memory_space<semaphore_mem>> -> memref<!tpu.dma_semaphore, #tpu.memory_space<semaphore_mem>>
    tpu.enqueue_indirect_dma source(%dma_start3A_17 : memref<1000000xf32, #tpu.memory_space<hbm>>) target(%dma_start3A_13 : memref<256xf32, #tpu.memory_space<vmem>>) offsets(%dma_start3A_15 : memref<256xi32, #tpu.memory_space<vmem>>) semaphore(%dma_start3A_19 : memref<!tpu.dma_semaphore, #tpu.memory_space<semaphore_mem>>)
    %dma_start3A_20 = arith.constant 1 : i32
    %dma_start3A_21 = arith.constant 256 : i32
    %dma_start3A_22 = tpu.memref_slice %arg9[%dma_start3A_21] : memref<512xf32, #tpu.memory_space<vmem>> -> memref<256xf32, #tpu.memory_space<vmem>>
    %dma_start3A_23 = arith.constant 256 : i32
    %dma_start3A_24 = tpu.memref_slice %arg7[%dma_start3A_23] : memref<512xi32, #tpu.memory_space<vmem>> -> memref<256xi32, #tpu.memory_space<vmem>>
    %dma_start3A_25 = arith.constant 0 : i32
    %dma_start3A_26 = tpu.memref_slice %arg5[%dma_start3A_25] : memref<1000000xf32, #tpu.memory_space<hbm>> -> memref<1000000xf32, #tpu.memory_space<hbm>>
    %dma_start3A_27 = tpu.memref_slice %arg13[%dma_start3A_20] : memref<2x!tpu.dma_semaphore, #tpu.memory_space<semaphore_mem>> -> memref<1x!tpu.dma_semaphore, #tpu.memory_space<semaphore_mem>>
    %dma_start3A_28 = tpu.memref_squeeze %dma_start3A_27 : memref<1x!tpu.dma_semaphore, #tpu.memory_space<semaphore_mem>> -> memref<!tpu.dma_semaphore, #tpu.memory_space<semaphore_mem>>
    tpu.enqueue_indirect_dma source(%dma_start3A_26 : memref<1000000xf32, #tpu.memory_space<hbm>>) target(%dma_start3A_22 : memref<256xf32, #tpu.memory_space<vmem>>) offsets(%dma_start3A_24 : memref<256xi32, #tpu.memory_space<vmem>>) semaphore(%dma_start3A_28 : memref<!tpu.dma_semaphore, #tpu.memory_space<semaphore_mem>>)
    %dma_start3A_29 = arith.constant 1 : i32
    %dma_start3A_30 = arith.constant 256 : i32
    %dma_start3A_31 = tpu.memref_slice %arg10[%dma_start3A_30] : memref<512xf32, #tpu.memory_space<vmem>> -> memref<256xf32, #tpu.memory_space<vmem>>
    %dma_start3A_32 = arith.constant 256 : i32
    %dma_start3A_33 = tpu.memref_slice %arg7[%dma_start3A_32] : memref<512xi32, #tpu.memory_space<vmem>> -> memref<256xi32, #tpu.memory_space<vmem>>
    %dma_start3A_34 = arith.constant 0 : i32
    %dma_start3A_35 = tpu.memref_slice %arg4[%dma_start3A_34] : memref<1000000xf32, #tpu.memory_space<hbm>> -> memref<1000000xf32, #tpu.memory_space<hbm>>
    %dma_start3A_36 = tpu.memref_slice %arg13[%dma_start3A_29] : memref<2x!tpu.dma_semaphore, #tpu.memory_space<semaphore_mem>> -> memref<1x!tpu.dma_semaphore, #tpu.memory_space<semaphore_mem>>
    %dma_start3A_37 = tpu.memref_squeeze %dma_start3A_36 : memref<1x!tpu.dma_semaphore, #tpu.memory_space<semaphore_mem>> -> memref<!tpu.dma_semaphore, #tpu.memory_space<semaphore_mem>>
    tpu.enqueue_indirect_dma source(%dma_start3A_35 : memref<1000000xf32, #tpu.memory_space<hbm>>) target(%dma_start3A_31 : memref<256xf32, #tpu.memory_space<vmem>>) offsets(%dma_start3A_33 : memref<256xi32, #tpu.memory_space<vmem>>) semaphore(%dma_start3A_37 : memref<!tpu.dma_semaphore, #tpu.memory_space<semaphore_mem>>)
    %dma_start3A_38 = tpu.memref_slice %arg3[%mul3A_2] : memref<16384xi32, #tpu.memory_space<hbm>> -> memref<512xi32, #tpu.memory_space<hbm>>
    %dma_start3A_39 = tpu.memref_slice %arg3[%mul3A_2] : memref<16384xi32, #tpu.memory_space<hbm>> -> memref<512xi32, #tpu.memory_space<hbm>>
    tpu.enqueue_dma source(%dma_start3A_39 : memref<512xi32, #tpu.memory_space<hbm>>) target(%arg8 : memref<512xi32, #tpu.memory_space<vmem>>) target_semaphore(%arg11 : memref<!tpu.dma_semaphore, #tpu.memory_space<semaphore_mem>>)
    %dma_wait3A = tpu.memref_slice %arg3[%mul3A_2] : memref<16384xi32, #tpu.memory_space<hbm>> -> memref<512xi32, #tpu.memory_space<hbm>>
    %dma_wait3A_40 = tpu.memref_slice %arg3[%mul3A_2] : memref<16384xi32, #tpu.memory_space<hbm>> -> memref<512xi32, #tpu.memory_space<hbm>>
    tpu.wait_dma2 semaphore(%arg11 : memref<!tpu.dma_semaphore, #tpu.memory_space<semaphore_mem>>) src(%dma_wait3A_40 : memref<512xi32, #tpu.memory_space<hbm>>) dst(%arg8 : memref<512xi32, #tpu.memory_space<vmem>>)
    %dma_wait3A_41 = arith.constant 0 : i32
    %dma_wait3A_42 = arith.constant 0 : i32
    %dma_wait3A_43 = tpu.memref_slice %arg9[%dma_wait3A_42] : memref<512xf32, #tpu.memory_space<vmem>> -> memref<256xf32, #tpu.memory_space<vmem>>
    %dma_wait3A_44 = arith.constant 0 : i32
    %dma_wait3A_45 = tpu.memref_slice %arg7[%dma_wait3A_44] : memref<512xi32, #tpu.memory_space<vmem>> -> memref<256xi32, #tpu.memory_space<vmem>>
    %dma_wait3A_46 = arith.constant 0 : i32
    %dma_wait3A_47 = tpu.memref_slice %arg5[%dma_wait3A_46] : memref<1000000xf32, #tpu.memory_space<hbm>> -> memref<1000000xf32, #tpu.memory_space<hbm>>
    %dma_wait3A_48 = tpu.memref_slice %arg13[%dma_wait3A_41] : memref<2x!tpu.dma_semaphore, #tpu.memory_space<semaphore_mem>> -> memref<1x!tpu.dma_semaphore, #tpu.memory_space<semaphore_mem>>
    %dma_wait3A_49 = tpu.memref_squeeze %dma_wait3A_48 : memref<1x!tpu.dma_semaphore, #tpu.memory_space<semaphore_mem>> -> memref<!tpu.dma_semaphore, #tpu.memory_space<semaphore_mem>>
    tpu.wait_indirect_dma semaphore(%dma_wait3A_49 : memref<!tpu.dma_semaphore, #tpu.memory_space<semaphore_mem>>) src(%dma_wait3A_47 : memref<1000000xf32, #tpu.memory_space<hbm>>) dst(%dma_wait3A_43 : memref<256xf32, #tpu.memory_space<vmem>>)
    %dma_wait3A_50 = arith.constant 0 : i32
    %dma_wait3A_51 = arith.constant 0 : i32
    %dma_wait3A_52 = tpu.memref_slice %arg10[%dma_wait3A_51] : memref<512xf32, #tpu.memory_space<vmem>> -> memref<256xf32, #tpu.memory_space<vmem>>
    %dma_wait3A_53 = arith.constant 0 : i32
    %dma_wait3A_54 = tpu.memref_slice %arg7[%dma_wait3A_53] : memref<512xi32, #tpu.memory_space<vmem>> -> memref<256xi32, #tpu.memory_space<vmem>>
    %dma_wait3A_55 = arith.constant 0 : i32
    %dma_wait3A_56 = tpu.memref_slice %arg4[%dma_wait3A_55] : memref<1000000xf32, #tpu.memory_space<hbm>> -> memref<1000000xf32, #tpu.memory_space<hbm>>
    %dma_wait3A_57 = tpu.memref_slice %arg13[%dma_wait3A_50] : memref<2x!tpu.dma_semaphore, #tpu.memory_space<semaphore_mem>> -> memref<1x!tpu.dma_semaphore, #tpu.memory_space<semaphore_mem>>
    %dma_wait3A_58 = tpu.memref_squeeze %dma_wait3A_57 : memref<1x!tpu.dma_semaphore, #tpu.memory_space<semaphore_mem>> -> memref<!tpu.dma_semaphore, #tpu.memory_space<semaphore_mem>>
    tpu.wait_indirect_dma semaphore(%dma_wait3A_58 : memref<!tpu.dma_semaphore, #tpu.memory_space<semaphore_mem>>) src(%dma_wait3A_56 : memref<1000000xf32, #tpu.memory_space<hbm>>) dst(%dma_wait3A_52 : memref<256xf32, #tpu.memory_space<vmem>>)
    %get3A = arith.constant 0 : index
    %get3A_59 = tpu.vector_load %arg9[%get3A] {strides = array<i32>} : memref<512xf32, #tpu.memory_space<vmem>>, vector<16xf32>,
    %get3A_60 = vector.shape_cast %get3A_59 : vector<16xf32> to vector<16xf32>
    %get3A_61 = arith.constant 0 : index
    %get3A_62 = tpu.vector_load %arg10[%get3A_61] {strides = array<i32>} : memref<512xf32, #tpu.memory_space<vmem>>, vector<16xf32>,
    %get3A_63 = vector.shape_cast %get3A_62 : vector<16xf32> to vector<16xf32>
    %get3A_64 = arith.constant 0 : index
    %get3A_65 = tpu.vector_load %arg8[%get3A_64] {strides = array<i32>} : memref<512xi32, #tpu.memory_space<vmem>>, vector<16xi32>,
    %get3A_66 = vector.shape_cast %get3A_65 : vector<16xi32> to vector<16xi32>
    %add3A_67 = arith.constant 9.99999974E-6 : f32
    %add3A_68 = vector.broadcast %add3A_67 : f32 to vector<16xf32>
    %add3A_69 = arith.addf %get3A_63, %add3A_68 : vector<16xf32>
    %bitcast_convert_type3A = tpu.bitcast %add3A_69 : vector<16xf32> -> vector<16xi32>
    %shift_right_arithmetic3A = arith.constant 23 : i32
    %shift_right_arithmetic3A_70 = vector.broadcast %shift_right_arithmetic3A : i32 to vector<16xi32>
    %shift_right_arithmetic3A_71 = arith.shrsi %bitcast_convert_type3A, %shift_right_arithmetic3A_70 : vector<16xi32>
    %convert_element_type3A = arith.sitofp %shift_right_arithmetic3A_71 : vector<16xi32> to vector<16xf32>
    %and3A = arith.constant 8388607 : i32
    %and3A_72 = vector.broadcast %and3A : i32 to vector<16xi32>
    %and3A_73 = arith.andi %bitcast_convert_type3A, %and3A_72 : vector<16xi32>
    %or3A = arith.constant 1065353216 : i32
    %or3A_74 = vector.broadcast %or3A : i32 to vector<16xi32>
    %or3A_75 = arith.ori %and3A_73, %or3A_74 : vector<16xi32>
    %bitcast_convert_type3A_76 = tpu.bitcast %or3A_75 : vector<16xi32> -> vector<16xf32>
    %sub3A = arith.constant 1.000000e+00 : f32
    %sub3A_77 = vector.broadcast %sub3A : f32 to vector<16xf32>
    %sub3A_78 = arith.subf %bitcast_convert_type3A_76, %sub3A_77 : vector<16xf32>
    %mul3A_79 = arith.constant -0.117512941 : f32
    %mul3A_80 = vector.broadcast %mul3A_79 : f32 to vector<16xf32>
    %mul3A_81 = arith.mulf %sub3A_78, %mul3A_80 : vector<16xf32>
    %add3A_82 = arith.constant 0.451368868 : f32
    %add3A_83 = vector.broadcast %add3A_82 : f32 to vector<16xf32>
    %add3A_84 = arith.addf %add3A_83, %mul3A_81 : vector<16xf32>
    %mul3A_85 = arith.mulf %sub3A_78, %add3A_84 : vector<16xf32>
    %add3A_86 = arith.constant -0.942601144 : f32
    %add3A_87 = vector.broadcast %add3A_86 : f32 to vector<16xf32>
    %add3A_88 = arith.addf %add3A_87, %mul3A_85 : vector<16xf32>
    %mul3A_89 = arith.mulf %sub3A_78, %add3A_88 : vector<16xf32>
    %add3A_90 = arith.constant 1.99489772 : f32
    %add3A_91 = vector.broadcast %add3A_90 : f32 to vector<16xf32>
    %add3A_92 = arith.addf %add3A_91, %mul3A_89 : vector<16xf32>
    %mul3A_93 = arith.mulf %sub3A_78, %add3A_92 : vector<16xf32>
    %ne3A = arith.constant 0 : i32
    %ne3A_94 = vector.broadcast %ne3A : i32 to vector<16xi32>
    %ne3A_95 = arith.cmpi ne, %get3A_66, %ne3A_94 : vector<16xi32>
    %jit3A = arith.constant 1.000000e-01 : f32
    %jit3A_96 = arith.constant 0.000000e+00 : f32
    %broadcast_in_dim3A = vector.broadcast %jit3A : f32 to vector<16xf32>
    %broadcast_in_dim3A_97 = vector.broadcast %jit3A_96 : f32 to vector<16xf32>
    %select_n3A = arith.select %ne3A_95, %broadcast_in_dim3A, %broadcast_in_dim3A_97 : vector<16xi1>, vector<16xf32>
    %mul3A_98 = arith.constant 1.000000e+02 : f32
    %mul3A_99 = vector.broadcast %mul3A_98 : f32 to vector<16xf32>
    %mul3A_100 = arith.mulf %mul3A_99, %get3A_60 : vector<16xf32>
    %add3A_101 = arith.constant 176.059387 : f32
    %add3A_102 = vector.broadcast %add3A_101 : f32 to vector<16xf32>
    %add3A_103 = arith.addf %mul3A_100, %add3A_102 : vector<16xf32>
    %sub3A_104 = arith.subf %add3A_103, %select_n3A : vector<16xf32>
    %mul3A_105 = arith.constant 1.38629436 : f32
    %mul3A_106 = vector.broadcast %mul3A_105 : f32 to vector<16xf32>
    %mul3A_107 = arith.mulf %convert_element_type3A, %mul3A_106 : vector<16xf32>
    %sub3A_108 = arith.subf %sub3A_104, %mul3A_107 : vector<16xf32>
    %sub3A_109 = arith.subf %sub3A_108, %mul3A_93 : vector<16xf32>
    %swap3A = arith.constant 0 : index
    %swap3A_110 = tpu.vector_load %arg10[%swap3A] {strides = array<i32>} : memref<512xf32, #tpu.memory_space<vmem>>, vector<16xf32>,
    %swap3A_111 = vector.shape_cast %swap3A_110 : vector<16xf32> to vector<16xf32>
    %swap3A_112 = vector.shape_cast %sub3A_109 : vector<16xf32> to vector<16xf32>
    tpu.vector_store %arg10[%swap3A], %swap3A_112 {strides = array<i32>} : memref<512xf32, #tpu.memory_space<vmem>>, vector<16xf32>,
    %get3A_113 = arith.constant 16 : index
    %get3A_114 = tpu.vector_load %arg9[%get3A_113] {strides = array<i32>} : memref<512xf32, #tpu.memory_space<vmem>>, vector<16xf32>,
    %get3A_115 = vector.shape_cast %get3A_114 : vector<16xf32> to vector<16xf32>
    %get3A_116 = arith.constant 16 : index
    %get3A_117 = tpu.vector_load %arg10[%get3A_116] {strides = array<i32>} : memref<512xf32, #tpu.memory_space<vmem>>, vector<16xf32>,
    %get3A_118 = vector.shape_cast %get3A_117 : vector<16xf32> to vector<16xf32>
    %get3A_119 = arith.constant 16 : index
    %get3A_120 = tpu.vector_load %arg8[%get3A_119] {strides = array<i32>} : memref<512xi32, #tpu.memory_space<vmem>>, vector<16xi32>,
    %get3A_121 = vector.shape_cast %get3A_120 : vector<16xi32> to vector<16xi32>
    %add3A_122 = arith.constant 9.99999974E-6 : f32
    %add3A_123 = vector.broadcast %add3A_122 : f32 to vector<16xf32>
    %add3A_124 = arith.addf %get3A_118, %add3A_123 : vector<16xf32>
    %bitcast_convert_type3A_125 = tpu.bitcast %add3A_124 : vector<16xf32> -> vector<16xi32>
    %shift_right_arithmetic3A_126 = arith.constant 23 : i32
    %shift_right_arithmetic3A_127 = vector.broadcast %shift_right_arithmetic3A_126 : i32 to vector<16xi32>
    %shift_right_arithmetic3A_128 = arith.shrsi %bitcast_convert_type3A_125, %shift_right_arithmetic3A_127 : vector<16xi32>
    %convert_element_type3A_129 = arith.sitofp %shift_right_arithmetic3A_128 : vector<16xi32> to vector<16xf32>
    %and3A_130 = arith.constant 8388607 : i32
    %and3A_131 = vector.broadcast %and3A_130 : i32 to vector<16xi32>
    %and3A_132 = arith.andi %bitcast_convert_type3A_125, %and3A_131 : vector<16xi32>
    %or3A_133 = arith.constant 1065353216 : i32
    %or3A_134 = vector.broadcast %or3A_133 : i32 to vector<16xi32>
    %or3A_135 = arith.ori %and3A_132, %or3A_134 : vector<16xi32>
    %bitcast_convert_type3A_136 = tpu.bitcast %or3A_135 : vector<16xi32> -> vector<16xf32>
    %sub3A_137 = arith.constant 1.000000e+00 : f32
    %sub3A_138 = vector.broadcast %sub3A_137 : f32 to vector<16xf32>
    %sub3A_139 = arith.subf %bitcast_convert_type3A_136, %sub3A_138 : vector<16xf32>
    %mul3A_140 = arith.constant -0.117512941 : f32
    %mul3A_141 = vector.broadcast %mul3A_140 : f32 to vector<16xf32>
    %mul3A_142 = arith.mulf %sub3A_139, %mul3A_141 : vector<16xf32>
    %add3A_143 = arith.constant 0.451368868 : f32
    %add3A_144 = vector.broadcast %add3A_143 : f32 to vector<16xf32>
    %add3A_145 = arith.addf %add3A_144, %mul3A_142 : vector<16xf32>
    %mul3A_146 = arith.mulf %sub3A_139, %add3A_145 : vector<16xf32>
    %add3A_147 = arith.constant -0.942601144 : f32
    %add3A_148 = vector.broadcast %add3A_147 : f32 to vector<16xf32>
    %add3A_149 = arith.addf %add3A_148, %mul3A_146 : vector<16xf32>
    %mul3A_150 = arith.mulf %sub3A_139, %add3A_149 : vector<16xf32>
    %add3A_151 = arith.constant 1.99489772 : f32
    %add3A_152 = vector.broadcast %add3A_151 : f32 to vector<16xf32>
    %add3A_153 = arith.addf %add3A_152, %mul3A_150 : vector<16xf32>
    %mul3A_154 = arith.mulf %sub3A_139, %add3A_153 : vector<16xf32>
    %ne3A_155 = arith.constant 0 : i32
    %ne3A_156 = vector.broadcast %ne3A_155 : i32 to vector<16xi32>
    %ne3A_157 = arith.cmpi ne, %get3A_121, %ne3A_156 : vector<16xi32>
    %jit3A_158 = arith.constant 1.000000e-01 : f32
    %jit3A_159 = arith.constant 0.000000e+00 : f32
    %broadcast_in_dim3A_160 = vector.broadcast %jit3A_158 : f32 to vector<16xf32>
    %broadcast_in_dim3A_161 = vector.broadcast %jit3A_159 : f32 to vector<16xf32>
    %select_n3A_162 = arith.select %ne3A_157, %broadcast_in_dim3A_160, %broadcast_in_dim3A_161 : vector<16xi1>, vector<16xf32>
    %mul3A_163 = arith.constant 1.000000e+02 : f32
    %mul3A_164 = vector.broadcast %mul3A_163 : f32 to vector<16xf32>
    %mul3A_165 = arith.mulf %mul3A_164, %get3A_115 : vector<16xf32>
    %add3A_166 = arith.constant 176.059387 : f32
    %add3A_167 = vector.broadcast %add3A_166 : f32 to vector<16xf32>
    %add3A_168 = arith.addf %mul3A_165, %add3A_167 : vector<16xf32>
    %sub3A_169 = arith.subf %add3A_168, %select_n3A_162 : vector<16xf32>
    %mul3A_170 = arith.constant 1.38629436 : f32
    %mul3A_171 = vector.broadcast %mul3A_170 : f32 to vector<16xf32>
    %mul3A_172 = arith.mulf %convert_element_type3A_129, %mul3A_171 : vector<16xf32>
    %sub3A_173 = arith.subf %sub3A_169, %mul3A_172 : vector<16xf32>
    %sub3A_174 = arith.subf %sub3A_173, %mul3A_154 : vector<16xf32>
    %swap3A_175 = arith.constant 16 : index
    %swap3A_176 = tpu.vector_load %arg10[%swap3A_175] {strides = array<i32>} : memref<512xf32, #tpu.memory_space<vmem>>, vector<16xf32>,
    %swap3A_177 = vector.shape_cast %swap3A_176 : vector<16xf32> to vector<16xf32>
    %swap3A_178 = vector.shape_cast %sub3A_174 : vector<16xf32> to vector<16xf32>
    tpu.vector_store %arg10[%swap3A_175], %swap3A_178 {strides = array<i32>} : memref<512xf32, #tpu.memory_space<vmem>>, vector<16xf32>,
    %get3A_179 = arith.constant 32 : index
    %get3A_180 = tpu.vector_load %arg9[%get3A_179] {strides = array<i32>} : memref<512xf32, #tpu.memory_space<vmem>>, vector<16xf32>,
    %get3A_181 = vector.shape_cast %get3A_180 : vector<16xf32> to vector<16xf32>
    %get3A_182 = arith.constant 32 : index
    %get3A_183 = tpu.vector_load %arg10[%get3A_182] {strides = array<i32>} : memref<512xf32, #tpu.memory_space<vmem>>, vector<16xf32>,
    %get3A_184 = vector.shape_cast %get3A_183 : vector<16xf32> to vector<16xf32>
    %get3A_185 = arith.constant 32 : index
    %get3A_186 = tpu.vector_load %arg8[%get3A_185] {strides = array<i32>} : memref<512xi32, #tpu.memory_space<vmem>>, vector<16xi32>,
    %get3A_187 = vector.shape_cast %get3A_186 : vector<16xi32> to vector<16xi32>
    %add3A_188 = arith.constant 9.99999974E-6 : f32
    %add3A_189 = vector.broadcast %add3A_188 : f32 to vector<16xf32>
    %add3A_190 = arith.addf %get3A_184, %add3A_189 : vector<16xf32>
    %bitcast_convert_type3A_191 = tpu.bitcast %add3A_190 : vector<16xf32> -> vector<16xi32>
    %shift_right_arithmetic3A_192 = arith.constant 23 : i32
    %shift_right_arithmetic3A_193 = vector.broadcast %shift_right_arithmetic3A_192 : i32 to vector<16xi32>
    %shift_right_arithmetic3A_194 = arith.shrsi %bitcast_convert_type3A_191, %shift_right_arithmetic3A_193 : vector<16xi32>
    %convert_element_type3A_195 = arith.sitofp %shift_right_arithmetic3A_194 : vector<16xi32> to vector<16xf32>
    %and3A_196 = arith.constant 8388607 : i32
    %and3A_197 = vector.broadcast %and3A_196 : i32 to vector<16xi32>
    %and3A_198 = arith.andi %bitcast_convert_type3A_191, %and3A_197 : vector<16xi32>
    %or3A_199 = arith.constant 1065353216 : i32
    %or3A_200 = vector.broadcast %or3A_199 : i32 to vector<16xi32>
    %or3A_201 = arith.ori %and3A_198, %or3A_200 : vector<16xi32>
    %bitcast_convert_type3A_202 = tpu.bitcast %or3A_201 : vector<16xi32> -> vector<16xf32>
    %sub3A_203 = arith.constant 1.000000e+00 : f32
    %sub3A_204 = vector.broadcast %sub3A_203 : f32 to vector<16xf32>
    %sub3A_205 = arith.subf %bitcast_convert_type3A_202, %sub3A_204 : vector<16xf32>
    %mul3A_206 = arith.constant -0.117512941 : f32
    %mul3A_207 = vector.broadcast %mul3A_206 : f32 to vector<16xf32>
    %mul3A_208 = arith.mulf %sub3A_205, %mul3A_207 : vector<16xf32>
    %add3A_209 = arith.constant 0.451368868 : f32
    %add3A_210 = vector.broadcast %add3A_209 : f32 to vector<16xf32>
    %add3A_211 = arith.addf %add3A_210, %mul3A_208 : vector<16xf32>
    %mul3A_212 = arith.mulf %sub3A_205, %add3A_211 : vector<16xf32>
    %add3A_213 = arith.constant -0.942601144 : f32
    %add3A_214 = vector.broadcast %add3A_213 : f32 to vector<16xf32>
    %add3A_215 = arith.addf %add3A_214, %mul3A_212 : vector<16xf32>
    %mul3A_216 = arith.mulf %sub3A_205, %add3A_215 : vector<16xf32>
    %add3A_217 = arith.constant 1.99489772 : f32
    %add3A_218 = vector.broadcast %add3A_217 : f32 to vector<16xf32>
    %add3A_219 = arith.addf %add3A_218, %mul3A_216 : vector<16xf32>
    %mul3A_220 = arith.mulf %sub3A_205, %add3A_219 : vector<16xf32>
    %ne3A_221 = arith.constant 0 : i32
    %ne3A_222 = vector.broadcast %ne3A_221 : i32 to vector<16xi32>
    %ne3A_223 = arith.cmpi ne, %get3A_187, %ne3A_222 : vector<16xi32>
    %jit3A_224 = arith.constant 1.000000e-01 : f32
    %jit3A_225 = arith.constant 0.000000e+00 : f32
    %broadcast_in_dim3A_226 = vector.broadcast %jit3A_224 : f32 to vector<16xf32>
    %broadcast_in_dim3A_227 = vector.broadcast %jit3A_225 : f32 to vector<16xf32>
    %select_n3A_228 = arith.select %ne3A_223, %broadcast_in_dim3A_226, %broadcast_in_dim3A_227 : vector<16xi1>, vector<16xf32>
    %mul3A_229 = arith.constant 1.000000e+02 : f32
    %mul3A_230 = vector.broadcast %mul3A_229 : f32 to vector<16xf32>
    %mul3A_231 = arith.mulf %mul3A_230, %get3A_181 : vector<16xf32>
    %add3A_232 = arith.constant 176.059387 : f32
    %add3A_233 = vector.broadcast %add3A_232 : f32 to vector<16xf32>
    %add3A_234 = arith.addf %mul3A_231, %add3A_233 : vector<16xf32>
    %sub3A_235 = arith.subf %add3A_234, %select_n3A_228 : vector<16xf32>
    %mul3A_236 = arith.constant 1.38629436 : f32
    %mul3A_237 = vector.broadcast %mul3A_236 : f32 to vector<16xf32>
    %mul3A_238 = arith.mulf %convert_element_type3A_195, %mul3A_237 : vector<16xf32>
    %sub3A_239 = arith.subf %sub3A_235, %mul3A_238 : vector<16xf32>
    %sub3A_240 = arith.subf %sub3A_239, %mul3A_220 : vector<16xf32>
    %swap3A_241 = arith.constant 32 : index
    %swap3A_242 = tpu.vector_load %arg10[%swap3A_241] {strides = array<i32>} : memref<512xf32, #tpu.memory_space<vmem>>, vector<16xf32>,
    %swap3A_243 = vector.shape_cast %swap3A_242 : vector<16xf32> to vector<16xf32>
    %swap3A_244 = vector.shape_cast %sub3A_240 : vector<16xf32> to vector<16xf32>
    tpu.vector_store %arg10[%swap3A_241], %swap3A_244 {strides = array<i32>} : memref<512xf32, #tpu.memory_space<vmem>>, vector<16xf32>,
    %get3A_245 = arith.constant 48 : index
    %get3A_246 = tpu.vector_load %arg9[%get3A_245] {strides = array<i32>} : memref<512xf32, #tpu.memory_space<vmem>>, vector<16xf32>,
    %get3A_247 = vector.shape_cast %get3A_246 : vector<16xf32> to vector<16xf32>
    %get3A_248 = arith.constant 48 : index
    %get3A_249 = tpu.vector_load %arg10[%get3A_248] {strides = array<i32>} : memref<512xf32, #tpu.memory_space<vmem>>, vector<16xf32>,
    %get3A_250 = vector.shape_cast %get3A_249 : vector<16xf32> to vector<16xf32>
    %get3A_251 = arith.constant 48 : index
    %get3A_252 = tpu.vector_load %arg8[%get3A_251] {strides = array<i32>} : memref<512xi32, #tpu.memory_space<vmem>>, vector<16xi32>,
    %get3A_253 = vector.shape_cast %get3A_252 : vector<16xi32> to vector<16xi32>
    %add3A_254 = arith.constant 9.99999974E-6 : f32
    %add3A_255 = vector.broadcast %add3A_254 : f32 to vector<16xf32>
    %add3A_256 = arith.addf %get3A_250, %add3A_255 : vector<16xf32>
    %bitcast_convert_type3A_257 = tpu.bitcast %add3A_256 : vector<16xf32> -> vector<16xi32>
    %shift_right_arithmetic3A_258 = arith.constant 23 : i32
    %shift_right_arithmetic3A_259 = vector.broadcast %shift_right_arithmetic3A_258 : i32 to vector<16xi32>
    %shift_right_arithmetic3A_260 = arith.shrsi %bitcast_convert_type3A_257, %shift_right_arithmetic3A_259 : vector<16xi32>
    %convert_element_type3A_261 = arith.sitofp %shift_right_arithmetic3A_260 : vector<16xi32> to vector<16xf32>
    %and3A_262 = arith.constant 8388607 : i32
    %and3A_263 = vector.broadcast %and3A_262 : i32 to vector<16xi32>
    %and3A_264 = arith.andi %bitcast_convert_type3A_257, %and3A_263 : vector<16xi32>
    %or3A_265 = arith.constant 1065353216 : i32
    %or3A_266 = vector.broadcast %or3A_265 : i32 to vector<16xi32>
    %or3A_267 = arith.ori %and3A_264, %or3A_266 : vector<16xi32>
    %bitcast_convert_type3A_268 = tpu.bitcast %or3A_267 : vector<16xi32> -> vector<16xf32>
    %sub3A_269 = arith.constant 1.000000e+00 : f32
    %sub3A_270 = vector.broadcast %sub3A_269 : f32 to vector<16xf32>
    %sub3A_271 = arith.subf %bitcast_convert_type3A_268, %sub3A_270 : vector<16xf32>
    %mul3A_272 = arith.constant -0.117512941 : f32
    %mul3A_273 = vector.broadcast %mul3A_272 : f32 to vector<16xf32>
    %mul3A_274 = arith.mulf %sub3A_271, %mul3A_273 : vector<16xf32>
    %add3A_275 = arith.constant 0.451368868 : f32
    %add3A_276 = vector.broadcast %add3A_275 : f32 to vector<16xf32>
    %add3A_277 = arith.addf %add3A_276, %mul3A_274 : vector<16xf32>
    %mul3A_278 = arith.mulf %sub3A_271, %add3A_277 : vector<16xf32>
    %add3A_279 = arith.constant -0.942601144 : f32
    %add3A_280 = vector.broadcast %add3A_279 : f32 to vector<16xf32>
    %add3A_281 = arith.addf %add3A_280, %mul3A_278 : vector<16xf32>
    %mul3A_282 = arith.mulf %sub3A_271, %add3A_281 : vector<16xf32>
    %add3A_283 = arith.constant 1.99489772 : f32
    %add3A_284 = vector.broadcast %add3A_283 : f32 to vector<16xf32>
    %add3A_285 = arith.addf %add3A_284, %mul3A_282 : vector<16xf32>
    %mul3A_286 = arith.mulf %sub3A_271, %add3A_285 : vector<16xf32>
    %ne3A_287 = arith.constant 0 : i32
    %ne3A_288 = vector.broadcast %ne3A_287 : i32 to vector<16xi32>
    %ne3A_289 = arith.cmpi ne, %get3A_253, %ne3A_288 : vector<16xi32>
    %jit3A_290 = arith.constant 1.000000e-01 : f32
    %jit3A_291 = arith.constant 0.000000e+00 : f32
    %broadcast_in_dim3A_292 = vector.broadcast %jit3A_290 : f32 to vector<16xf32>
    %broadcast_in_dim3A_293 = vector.broadcast %jit3A_291 : f32 to vector<16xf32>
    %select_n3A_294 = arith.select %ne3A_289, %broadcast_in_dim3A_292, %broadcast_in_dim3A_293 : vector<16xi1>, vector<16xf32>
    %mul3A_295 = arith.constant 1.000000e+02 : f32
    %mul3A_296 = vector.broadcast %mul3A_295 : f32 to vector<16xf32>
    %mul3A_297 = arith.mulf %mul3A_296, %get3A_247 : vector<16xf32>
    %add3A_298 = arith.constant 176.059387 : f32
    %add3A_299 = vector.broadcast %add3A_298 : f32 to vector<16xf32>
    %add3A_300 = arith.addf %mul3A_297, %add3A_299 : vector<16xf32>
    %sub3A_301 = arith.subf %add3A_300, %select_n3A_294 : vector<16xf32>
    %mul3A_302 = arith.constant 1.38629436 : f32
    %mul3A_303 = vector.broadcast %mul3A_302 : f32 to vector<16xf32>
    %mul3A_304 = arith.mulf %convert_element_type3A_261, %mul3A_303 : vector<16xf32>
    %sub3A_305 = arith.subf %sub3A_301, %mul3A_304 : vector<16xf32>
    %sub3A_306 = arith.subf %sub3A_305, %mul3A_286 : vector<16xf32>
    %swap3A_307 = arith.constant 48 : index
    %swap3A_308 = tpu.vector_load %arg10[%swap3A_307] {strides = array<i32>} : memref<512xf32, #tpu.memory_space<vmem>>, vector<16xf32>,
    %swap3A_309 = vector.shape_cast %swap3A_308 : vector<16xf32> to vector<16xf32>
    %swap3A_310 = vector.shape_cast %sub3A_306 : vector<16xf32> to vector<16xf32>
    tpu.vector_store %arg10[%swap3A_307], %swap3A_310 {strides = array<i32>} : memref<512xf32, #tpu.memory_space<vmem>>, vector<16xf32>,
    %get3A_311 = arith.constant 64 : index
    %get3A_312 = tpu.vector_load %arg9[%get3A_311] {strides = array<i32>} : memref<512xf32, #tpu.memory_space<vmem>>, vector<16xf32>,
    %get3A_313 = vector.shape_cast %get3A_312 : vector<16xf32> to vector<16xf32>
    %get3A_314 = arith.constant 64 : index
    %get3A_315 = tpu.vector_load %arg10[%get3A_314] {strides = array<i32>} : memref<512xf32, #tpu.memory_space<vmem>>, vector<16xf32>,
    %get3A_316 = vector.shape_cast %get3A_315 : vector<16xf32> to vector<16xf32>
    %get3A_317 = arith.constant 64 : index
    %get3A_318 = tpu.vector_load %arg8[%get3A_317] {strides = array<i32>} : memref<512xi32, #tpu.memory_space<vmem>>, vector<16xi32>,
    %get3A_319 = vector.shape_cast %get3A_318 : vector<16xi32> to vector<16xi32>
    %add3A_320 = arith.constant 9.99999974E-6 : f32
    %add3A_321 = vector.broadcast %add3A_320 : f32 to vector<16xf32>
    %add3A_322 = arith.addf %get3A_316, %add3A_321 : vector<16xf32>
    %bitcast_convert_type3A_323 = tpu.bitcast %add3A_322 : vector<16xf32> -> vector<16xi32>
    %shift_right_arithmetic3A_324 = arith.constant 23 : i32
    %shift_right_arithmetic3A_325 = vector.broadcast %shift_right_arithmetic3A_324 : i32 to vector<16xi32>
    %shift_right_arithmetic3A_326 = arith.shrsi %bitcast_convert_type3A_323, %shift_right_arithmetic3A_325 : vector<16xi32>
    %convert_element_type3A_327 = arith.sitofp %shift_right_arithmetic3A_326 : vector<16xi32> to vector<16xf32>
    %and3A_328 = arith.constant 8388607 : i32
    %and3A_329 = vector.broadcast %and3A_328 : i32 to vector<16xi32>
    %and3A_330 = arith.andi %bitcast_convert_type3A_323, %and3A_329 : vector<16xi32>
    %or3A_331 = arith.constant 1065353216 : i32
    %or3A_332 = vector.broadcast %or3A_331 : i32 to vector<16xi32>
    %or3A_333 = arith.ori %and3A_330, %or3A_332 : vector<16xi32>
    %bitcast_convert_type3A_334 = tpu.bitcast %or3A_333 : vector<16xi32> -> vector<16xf32>
    %sub3A_335 = arith.constant 1.000000e+00 : f32
    %sub3A_336 = vector.broadcast %sub3A_335 : f32 to vector<16xf32>
    %sub3A_337 = arith.subf %bitcast_convert_type3A_334, %sub3A_336 : vector<16xf32>
    %mul3A_338 = arith.constant -0.117512941 : f32
    %mul3A_339 = vector.broadcast %mul3A_338 : f32 to vector<16xf32>
    %mul3A_340 = arith.mulf %sub3A_337, %mul3A_339 : vector<16xf32>
    %add3A_341 = arith.constant 0.451368868 : f32
    %add3A_342 = vector.broadcast %add3A_341 : f32 to vector<16xf32>
    %add3A_343 = arith.addf %add3A_342, %mul3A_340 : vector<16xf32>
    %mul3A_344 = arith.mulf %sub3A_337, %add3A_343 : vector<16xf32>
    %add3A_345 = arith.constant -0.942601144 : f32
    %add3A_346 = vector.broadcast %add3A_345 : f32 to vector<16xf32>
    %add3A_347 = arith.addf %add3A_346, %mul3A_344 : vector<16xf32>
    %mul3A_348 = arith.mulf %sub3A_337, %add3A_347 : vector<16xf32>
    %add3A_349 = arith.constant 1.99489772 : f32
    %add3A_350 = vector.broadcast %add3A_349 : f32 to vector<16xf32>
    %add3A_351 = arith.addf %add3A_350, %mul3A_348 : vector<16xf32>
    %mul3A_352 = arith.mulf %sub3A_337, %add3A_351 : vector<16xf32>
    %ne3A_353 = arith.constant 0 : i32
    %ne3A_354 = vector.broadcast %ne3A_353 : i32 to vector<16xi32>
    %ne3A_355 = arith.cmpi ne, %get3A_319, %ne3A_354 : vector<16xi32>
    %jit3A_356 = arith.constant 1.000000e-01 : f32
    %jit3A_357 = arith.constant 0.000000e+00 : f32
    %broadcast_in_dim3A_358 = vector.broadcast %jit3A_356 : f32 to vector<16xf32>
    %broadcast_in_dim3A_359 = vector.broadcast %jit3A_357 : f32 to vector<16xf32>
    %select_n3A_360 = arith.select %ne3A_355, %broadcast_in_dim3A_358, %broadcast_in_dim3A_359 : vector<16xi1>, vector<16xf32>
    %mul3A_361 = arith.constant 1.000000e+02 : f32
    %mul3A_362 = vector.broadcast %mul3A_361 : f32 to vector<16xf32>
    %mul3A_363 = arith.mulf %mul3A_362, %get3A_313 : vector<16xf32>
    %add3A_364 = arith.constant 176.059387 : f32
    %add3A_365 = vector.broadcast %add3A_364 : f32 to vector<16xf32>
    %add3A_366 = arith.addf %mul3A_363, %add3A_365 : vector<16xf32>
    %sub3A_367 = arith.subf %add3A_366, %select_n3A_360 : vector<16xf32>
    %mul3A_368 = arith.constant 1.38629436 : f32
    %mul3A_369 = vector.broadcast %mul3A_368 : f32 to vector<16xf32>
    %mul3A_370 = arith.mulf %convert_element_type3A_327, %mul3A_369 : vector<16xf32>
    %sub3A_371 = arith.subf %sub3A_367, %mul3A_370 : vector<16xf32>
    %sub3A_372 = arith.subf %sub3A_371, %mul3A_352 : vector<16xf32>
    %swap3A_373 = arith.constant 64 : index
    %swap3A_374 = tpu.vector_load %arg10[%swap3A_373] {strides = array<i32>} : memref<512xf32, #tpu.memory_space<vmem>>, vector<16xf32>,
    %swap3A_375 = vector.shape_cast %swap3A_374 : vector<16xf32> to vector<16xf32>
    %swap3A_376 = vector.shape_cast %sub3A_372 : vector<16xf32> to vector<16xf32>
    tpu.vector_store %arg10[%swap3A_373], %swap3A_376 {strides = array<i32>} : memref<512xf32, #tpu.memory_space<vmem>>, vector<16xf32>,
    %get3A_377 = arith.constant 80 : index
    %get3A_378 = tpu.vector_load %arg9[%get3A_377] {strides = array<i32>} : memref<512xf32, #tpu.memory_space<vmem>>, vector<16xf32>,
    %get3A_379 = vector.shape_cast %get3A_378 : vector<16xf32> to vector<16xf32>
    %get3A_380 = arith.constant 80 : index
    %get3A_381 = tpu.vector_load %arg10[%get3A_380] {strides = array<i32>} : memref<512xf32, #tpu.memory_space<vmem>>, vector<16xf32>,
    %get3A_382 = vector.shape_cast %get3A_381 : vector<16xf32> to vector<16xf32>
    %get3A_383 = arith.constant 80 : index
    %get3A_384 = tpu.vector_load %arg8[%get3A_383] {strides = array<i32>} : memref<512xi32, #tpu.memory_space<vmem>>, vector<16xi32>,
    %get3A_385 = vector.shape_cast %get3A_384 : vector<16xi32> to vector<16xi32>
    %add3A_386 = arith.constant 9.99999974E-6 : f32
    %add3A_387 = vector.broadcast %add3A_386 : f32 to vector<16xf32>
    %add3A_388 = arith.addf %get3A_382, %add3A_387 : vector<16xf32>
    %bitcast_convert_type3A_389 = tpu.bitcast %add3A_388 : vector<16xf32> -> vector<16xi32>
    %shift_right_arithmetic3A_390 = arith.constant 23 : i32
    %shift_right_arithmetic3A_391 = vector.broadcast %shift_right_arithmetic3A_390 : i32 to vector<16xi32>
    %shift_right_arithmetic3A_392 = arith.shrsi %bitcast_convert_type3A_389, %shift_right_arithmetic3A_391 : vector<16xi32>
    %convert_element_type3A_393 = arith.sitofp %shift_right_arithmetic3A_392 : vector<16xi32> to vector<16xf32>
    %and3A_394 = arith.constant 8388607 : i32
    %and3A_395 = vector.broadcast %and3A_394 : i32 to vector<16xi32>
    %and3A_396 = arith.andi %bitcast_convert_type3A_389, %and3A_395 : vector<16xi32>
    %or3A_397 = arith.constant 1065353216 : i32
    %or3A_398 = vector.broadcast %or3A_397 : i32 to vector<16xi32>
    %or3A_399 = arith.ori %and3A_396, %or3A_398 : vector<16xi32>
    %bitcast_convert_type3A_400 = tpu.bitcast %or3A_399 : vector<16xi32> -> vector<16xf32>
    %sub3A_401 = arith.constant 1.000000e+00 : f32
    %sub3A_402 = vector.broadcast %sub3A_401 : f32 to vector<16xf32>
    %sub3A_403 = arith.subf %bitcast_convert_type3A_400, %sub3A_402 : vector<16xf32>
    %mul3A_404 = arith.constant -0.117512941 : f32
    %mul3A_405 = vector.broadcast %mul3A_404 : f32 to vector<16xf32>
    %mul3A_406 = arith.mulf %sub3A_403, %mul3A_405 : vector<16xf32>
    %add3A_407 = arith.constant 0.451368868 : f32
    %add3A_408 = vector.broadcast %add3A_407 : f32 to vector<16xf32>
    %add3A_409 = arith.addf %add3A_408, %mul3A_406 : vector<16xf32>
    %mul3A_410 = arith.mulf %sub3A_403, %add3A_409 : vector<16xf32>
    %add3A_411 = arith.constant -0.942601144 : f32
    %add3A_412 = vector.broadcast %add3A_411 : f32 to vector<16xf32>
    %add3A_413 = arith.addf %add3A_412, %mul3A_410 : vector<16xf32>
    %mul3A_414 = arith.mulf %sub3A_403, %add3A_413 : vector<16xf32>
    %add3A_415 = arith.constant 1.99489772 : f32
    %add3A_416 = vector.broadcast %add3A_415 : f32 to vector<16xf32>
    %add3A_417 = arith.addf %add3A_416, %mul3A_414 : vector<16xf32>
    %mul3A_418 = arith.mulf %sub3A_403, %add3A_417 : vector<16xf32>
    %ne3A_419 = arith.constant 0 : i32
    %ne3A_420 = vector.broadcast %ne3A_419 : i32 to vector<16xi32>
    %ne3A_421 = arith.cmpi ne, %get3A_385, %ne3A_420 : vector<16xi32>
    %jit3A_422 = arith.constant 1.000000e-01 : f32
    %jit3A_423 = arith.constant 0.000000e+00 : f32
    %broadcast_in_dim3A_424 = vector.broadcast %jit3A_422 : f32 to vector<16xf32>
    %broadcast_in_dim3A_425 = vector.broadcast %jit3A_423 : f32 to vector<16xf32>
    %select_n3A_426 = arith.select %ne3A_421, %broadcast_in_dim3A_424, %broadcast_in_dim3A_425 : vector<16xi1>, vector<16xf32>
    %mul3A_427 = arith.constant 1.000000e+02 : f32
    %mul3A_428 = vector.broadcast %mul3A_427 : f32 to vector<16xf32>
    %mul3A_429 = arith.mulf %mul3A_428, %get3A_379 : vector<16xf32>
    %add3A_430 = arith.constant 176.059387 : f32
    %add3A_431 = vector.broadcast %add3A_430 : f32 to vector<16xf32>
    %add3A_432 = arith.addf %mul3A_429, %add3A_431 : vector<16xf32>
    %sub3A_433 = arith.subf %add3A_432, %select_n3A_426 : vector<16xf32>
    %mul3A_434 = arith.constant 1.38629436 : f32
    %mul3A_435 = vector.broadcast %mul3A_434 : f32 to vector<16xf32>
    %mul3A_436 = arith.mulf %convert_element_type3A_393, %mul3A_435 : vector<16xf32>
    %sub3A_437 = arith.subf %sub3A_433, %mul3A_436 : vector<16xf32>
    %sub3A_438 = arith.subf %sub3A_437, %mul3A_418 : vector<16xf32>
    %swap3A_439 = arith.constant 80 : index
    %swap3A_440 = tpu.vector_load %arg10[%swap3A_439] {strides = array<i32>} : memref<512xf32, #tpu.memory_space<vmem>>, vector<16xf32>,
    %swap3A_441 = vector.shape_cast %swap3A_440 : vector<16xf32> to vector<16xf32>
    %swap3A_442 = vector.shape_cast %sub3A_438 : vector<16xf32> to vector<16xf32>
    tpu.vector_store %arg10[%swap3A_439], %swap3A_442 {strides = array<i32>} : memref<512xf32, #tpu.memory_space<vmem>>, vector<16xf32>,
    %get3A_443 = arith.constant 96 : index
    %get3A_444 = tpu.vector_load %arg9[%get3A_443] {strides = array<i32>} : memref<512xf32, #tpu.memory_space<vmem>>, vector<16xf32>,
    %get3A_445 = vector.shape_cast %get3A_444 : vector<16xf32> to vector<16xf32>
    %get3A_446 = arith.constant 96 : index
    %get3A_447 = tpu.vector_load %arg10[%get3A_446] {strides = array<i32>} : memref<512xf32, #tpu.memory_space<vmem>>, vector<16xf32>,
    %get3A_448 = vector.shape_cast %get3A_447 : vector<16xf32> to vector<16xf32>
    %get3A_449 = arith.constant 96 : index
    %get3A_450 = tpu.vector_load %arg8[%get3A_449] {strides = array<i32>} : memref<512xi32, #tpu.memory_space<vmem>>, vector<16xi32>,
    %get3A_451 = vector.shape_cast %get3A_450 : vector<16xi32> to vector<16xi32>
    %add3A_452 = arith.constant 9.99999974E-6 : f32
    %add3A_453 = vector.broadcast %add3A_452 : f32 to vector<16xf32>
    %add3A_454 = arith.addf %get3A_448, %add3A_453 : vector<16xf32>
    %bitcast_convert_type3A_455 = tpu.bitcast %add3A_454 : vector<16xf32> -> vector<16xi32>
    %shift_right_arithmetic3A_456 = arith.constant 23 : i32
    %shift_right_arithmetic3A_457 = vector.broadcast %shift_right_arithmetic3A_456 : i32 to vector<16xi32>
    %shift_right_arithmetic3A_458 = arith.shrsi %bitcast_convert_type3A_455, %shift_right_arithmetic3A_457 : vector<16xi32>
    %convert_element_type3A_459 = arith.sitofp %shift_right_arithmetic3A_458 : vector<16xi32> to vector<16xf32>
    %and3A_460 = arith.constant 8388607 : i32
    %and3A_461 = vector.broadcast %and3A_460 : i32 to vector<16xi32>
    %and3A_462 = arith.andi %bitcast_convert_type3A_455, %and3A_461 : vector<16xi32>
    %or3A_463 = arith.constant 1065353216 : i32
    %or3A_464 = vector.broadcast %or3A_463 : i32 to vector<16xi32>
    %or3A_465 = arith.ori %and3A_462, %or3A_464 : vector<16xi32>
    %bitcast_convert_type3A_466 = tpu.bitcast %or3A_465 : vector<16xi32> -> vector<16xf32>
    %sub3A_467 = arith.constant 1.000000e+00 : f32
    %sub3A_468 = vector.broadcast %sub3A_467 : f32 to vector<16xf32>
    %sub3A_469 = arith.subf %bitcast_convert_type3A_466, %sub3A_468 : vector<16xf32>
    %mul3A_470 = arith.constant -0.117512941 : f32
    %mul3A_471 = vector.broadcast %mul3A_470 : f32 to vector<16xf32>
    %mul3A_472 = arith.mulf %sub3A_469, %mul3A_471 : vector<16xf32>
    %add3A_473 = arith.constant 0.451368868 : f32
    %add3A_474 = vector.broadcast %add3A_473 : f32 to vector<16xf32>
    %add3A_475 = arith.addf %add3A_474, %mul3A_472 : vector<16xf32>
    %mul3A_476 = arith.mulf %sub3A_469, %add3A_475 : vector<16xf32>
    %add3A_477 = arith.constant -0.942601144 : f32
    %add3A_478 = vector.broadcast %add3A_477 : f32 to vector<16xf32>
    %add3A_479 = arith.addf %add3A_478, %mul3A_476 : vector<16xf32>
    %mul3A_480 = arith.mulf %sub3A_469, %add3A_479 : vector<16xf32>
    %add3A_481 = arith.constant 1.99489772 : f32
    %add3A_482 = vector.broadcast %add3A_481 : f32 to vector<16xf32>
    %add3A_483 = arith.addf %add3A_482, %mul3A_480 : vector<16xf32>
    %mul3A_484 = arith.mulf %sub3A_469, %add3A_483 : vector<16xf32>
    %ne3A_485 = arith.constant 0 : i32
    %ne3A_486 = vector.broadcast %ne3A_485 : i32 to vector<16xi32>
    %ne3A_487 = arith.cmpi ne, %get3A_451, %ne3A_486 : vector<16xi32>
    %jit3A_488 = arith.constant 1.000000e-01 : f32
    %jit3A_489 = arith.constant 0.000000e+00 : f32
    %broadcast_in_dim3A_490 = vector.broadcast %jit3A_488 : f32 to vector<16xf32>
    %broadcast_in_dim3A_491 = vector.broadcast %jit3A_489 : f32 to vector<16xf32>
    %select_n3A_492 = arith.select %ne3A_487, %broadcast_in_dim3A_490, %broadcast_in_dim3A_491 : vector<16xi1>, vector<16xf32>
    %mul3A_493 = arith.constant 1.000000e+02 : f32
    %mul3A_494 = vector.broadcast %mul3A_493 : f32 to vector<16xf32>
    %mul3A_495 = arith.mulf %mul3A_494, %get3A_445 : vector<16xf32>
    %add3A_496 = arith.constant 176.059387 : f32
    %add3A_497 = vector.broadcast %add3A_496 : f32 to vector<16xf32>
    %add3A_498 = arith.addf %mul3A_495, %add3A_497 : vector<16xf32>
    %sub3A_499 = arith.subf %add3A_498, %select_n3A_492 : vector<16xf32>
    %mul3A_500 = arith.constant 1.38629436 : f32
    %mul3A_501 = vector.broadcast %mul3A_500 : f32 to vector<16xf32>
    %mul3A_502 = arith.mulf %convert_element_type3A_459, %mul3A_501 : vector<16xf32>
    %sub3A_503 = arith.subf %sub3A_499, %mul3A_502 : vector<16xf32>
    %sub3A_504 = arith.subf %sub3A_503, %mul3A_484 : vector<16xf32>
    %swap3A_505 = arith.constant 96 : index
    %swap3A_506 = tpu.vector_load %arg10[%swap3A_505] {strides = array<i32>} : memref<512xf32, #tpu.memory_space<vmem>>, vector<16xf32>,
    %swap3A_507 = vector.shape_cast %swap3A_506 : vector<16xf32> to vector<16xf32>
    %swap3A_508 = vector.shape_cast %sub3A_504 : vector<16xf32> to vector<16xf32>
    tpu.vector_store %arg10[%swap3A_505], %swap3A_508 {strides = array<i32>} : memref<512xf32, #tpu.memory_space<vmem>>, vector<16xf32>,
    %get3A_509 = arith.constant 112 : index
    %get3A_510 = tpu.vector_load %arg9[%get3A_509] {strides = array<i32>} : memref<512xf32, #tpu.memory_space<vmem>>, vector<16xf32>,
    %get3A_511 = vector.shape_cast %get3A_510 : vector<16xf32> to vector<16xf32>
    %get3A_512 = arith.constant 112 : index
    %get3A_513 = tpu.vector_load %arg10[%get3A_512] {strides = array<i32>} : memref<512xf32, #tpu.memory_space<vmem>>, vector<16xf32>,
    %get3A_514 = vector.shape_cast %get3A_513 : vector<16xf32> to vector<16xf32>
    %get3A_515 = arith.constant 112 : index
    %get3A_516 = tpu.vector_load %arg8[%get3A_515] {strides = array<i32>} : memref<512xi32, #tpu.memory_space<vmem>>, vector<16xi32>,
    %get3A_517 = vector.shape_cast %get3A_516 : vector<16xi32> to vector<16xi32>
    %add3A_518 = arith.constant 9.99999974E-6 : f32
    %add3A_519 = vector.broadcast %add3A_518 : f32 to vector<16xf32>
    %add3A_520 = arith.addf %get3A_514, %add3A_519 : vector<16xf32>
    %bitcast_convert_type3A_521 = tpu.bitcast %add3A_520 : vector<16xf32> -> vector<16xi32>
    %shift_right_arithmetic3A_522 = arith.constant 23 : i32
    %shift_right_arithmetic3A_523 = vector.broadcast %shift_right_arithmetic3A_522 : i32 to vector<16xi32>
    %shift_right_arithmetic3A_524 = arith.shrsi %bitcast_convert_type3A_521, %shift_right_arithmetic3A_523 : vector<16xi32>
    %convert_element_type3A_525 = arith.sitofp %shift_right_arithmetic3A_524 : vector<16xi32> to vector<16xf32>
    %and3A_526 = arith.constant 8388607 : i32
    %and3A_527 = vector.broadcast %and3A_526 : i32 to vector<16xi32>
    %and3A_528 = arith.andi %bitcast_convert_type3A_521, %and3A_527 : vector<16xi32>
    %or3A_529 = arith.constant 1065353216 : i32
    %or3A_530 = vector.broadcast %or3A_529 : i32 to vector<16xi32>
    %or3A_531 = arith.ori %and3A_528, %or3A_530 : vector<16xi32>
    %bitcast_convert_type3A_532 = tpu.bitcast %or3A_531 : vector<16xi32> -> vector<16xf32>
    %sub3A_533 = arith.constant 1.000000e+00 : f32
    %sub3A_534 = vector.broadcast %sub3A_533 : f32 to vector<16xf32>
    %sub3A_535 = arith.subf %bitcast_convert_type3A_532, %sub3A_534 : vector<16xf32>
    %mul3A_536 = arith.constant -0.117512941 : f32
    %mul3A_537 = vector.broadcast %mul3A_536 : f32 to vector<16xf32>
    %mul3A_538 = arith.mulf %sub3A_535, %mul3A_537 : vector<16xf32>
    %add3A_539 = arith.constant 0.451368868 : f32
    %add3A_540 = vector.broadcast %add3A_539 : f32 to vector<16xf32>
    %add3A_541 = arith.addf %add3A_540, %mul3A_538 : vector<16xf32>
    %mul3A_542 = arith.mulf %sub3A_535, %add3A_541 : vector<16xf32>
    %add3A_543 = arith.constant -0.942601144 : f32
    %add3A_544 = vector.broadcast %add3A_543 : f32 to vector<16xf32>
    %add3A_545 = arith.addf %add3A_544, %mul3A_542 : vector<16xf32>
    %mul3A_546 = arith.mulf %sub3A_535, %add3A_545 : vector<16xf32>
    %add3A_547 = arith.constant 1.99489772 : f32
    %add3A_548 = vector.broadcast %add3A_547 : f32 to vector<16xf32>
    %add3A_549 = arith.addf %add3A_548, %mul3A_546 : vector<16xf32>
    %mul3A_550 = arith.mulf %sub3A_535, %add3A_549 : vector<16xf32>
    %ne3A_551 = arith.constant 0 : i32
    %ne3A_552 = vector.broadcast %ne3A_551 : i32 to vector<16xi32>
    %ne3A_553 = arith.cmpi ne, %get3A_517, %ne3A_552 : vector<16xi32>
    %jit3A_554 = arith.constant 1.000000e-01 : f32
    %jit3A_555 = arith.constant 0.000000e+00 : f32
    %broadcast_in_dim3A_556 = vector.broadcast %jit3A_554 : f32 to vector<16xf32>
    %broadcast_in_dim3A_557 = vector.broadcast %jit3A_555 : f32 to vector<16xf32>
    %select_n3A_558 = arith.select %ne3A_553, %broadcast_in_dim3A_556, %broadcast_in_dim3A_557 : vector<16xi1>, vector<16xf32>
    %mul3A_559 = arith.constant 1.000000e+02 : f32
    %mul3A_560 = vector.broadcast %mul3A_559 : f32 to vector<16xf32>
    %mul3A_561 = arith.mulf %mul3A_560, %get3A_511 : vector<16xf32>
    %add3A_562 = arith.constant 176.059387 : f32
    %add3A_563 = vector.broadcast %add3A_562 : f32 to vector<16xf32>
    %add3A_564 = arith.addf %mul3A_561, %add3A_563 : vector<16xf32>
    %sub3A_565 = arith.subf %add3A_564, %select_n3A_558 : vector<16xf32>
    %mul3A_566 = arith.constant 1.38629436 : f32
    %mul3A_567 = vector.broadcast %mul3A_566 : f32 to vector<16xf32>
    %mul3A_568 = arith.mulf %convert_element_type3A_525, %mul3A_567 : vector<16xf32>
    %sub3A_569 = arith.subf %sub3A_565, %mul3A_568 : vector<16xf32>
    %sub3A_570 = arith.subf %sub3A_569, %mul3A_550 : vector<16xf32>
    %swap3A_571 = arith.constant 112 : index
    %swap3A_572 = tpu.vector_load %arg10[%swap3A_571] {strides = array<i32>} : memref<512xf32, #tpu.memory_space<vmem>>, vector<16xf32>,
    %swap3A_573 = vector.shape_cast %swap3A_572 : vector<16xf32> to vector<16xf32>
    %swap3A_574 = vector.shape_cast %sub3A_570 : vector<16xf32> to vector<16xf32>
    tpu.vector_store %arg10[%swap3A_571], %swap3A_574 {strides = array<i32>} : memref<512xf32, #tpu.memory_space<vmem>>, vector<16xf32>,
    %get3A_575 = arith.constant 128 : index
    %get3A_576 = tpu.vector_load %arg9[%get3A_575] {strides = array<i32>} : memref<512xf32, #tpu.memory_space<vmem>>, vector<16xf32>,
    %get3A_577 = vector.shape_cast %get3A_576 : vector<16xf32> to vector<16xf32>
    %get3A_578 = arith.constant 128 : index
    %get3A_579 = tpu.vector_load %arg10[%get3A_578] {strides = array<i32>} : memref<512xf32, #tpu.memory_space<vmem>>, vector<16xf32>,
    %get3A_580 = vector.shape_cast %get3A_579 : vector<16xf32> to vector<16xf32>
    %get3A_581 = arith.constant 128 : index
    %get3A_582 = tpu.vector_load %arg8[%get3A_581] {strides = array<i32>} : memref<512xi32, #tpu.memory_space<vmem>>, vector<16xi32>,
    %get3A_583 = vector.shape_cast %get3A_582 : vector<16xi32> to vector<16xi32>
    %add3A_584 = arith.constant 9.99999974E-6 : f32
    %add3A_585 = vector.broadcast %add3A_584 : f32 to vector<16xf32>
    %add3A_586 = arith.addf %get3A_580, %add3A_585 : vector<16xf32>
    %bitcast_convert_type3A_587 = tpu.bitcast %add3A_586 : vector<16xf32> -> vector<16xi32>
    %shift_right_arithmetic3A_588 = arith.constant 23 : i32
    %shift_right_arithmetic3A_589 = vector.broadcast %shift_right_arithmetic3A_588 : i32 to vector<16xi32>
    %shift_right_arithmetic3A_590 = arith.shrsi %bitcast_convert_type3A_587, %shift_right_arithmetic3A_589 : vector<16xi32>
    %convert_element_type3A_591 = arith.sitofp %shift_right_arithmetic3A_590 : vector<16xi32> to vector<16xf32>
    %and3A_592 = arith.constant 8388607 : i32
    %and3A_593 = vector.broadcast %and3A_592 : i32 to vector<16xi32>
    %and3A_594 = arith.andi %bitcast_convert_type3A_587, %and3A_593 : vector<16xi32>
    %or3A_595 = arith.constant 1065353216 : i32
    %or3A_596 = vector.broadcast %or3A_595 : i32 to vector<16xi32>
    %or3A_597 = arith.ori %and3A_594, %or3A_596 : vector<16xi32>
    %bitcast_convert_type3A_598 = tpu.bitcast %or3A_597 : vector<16xi32> -> vector<16xf32>
    %sub3A_599 = arith.constant 1.000000e+00 : f32
    %sub3A_600 = vector.broadcast %sub3A_599 : f32 to vector<16xf32>
    %sub3A_601 = arith.subf %bitcast_convert_type3A_598, %sub3A_600 : vector<16xf32>
    %mul3A_602 = arith.constant -0.117512941 : f32
    %mul3A_603 = vector.broadcast %mul3A_602 : f32 to vector<16xf32>
    %mul3A_604 = arith.mulf %sub3A_601, %mul3A_603 : vector<16xf32>
    %add3A_605 = arith.constant 0.451368868 : f32
    %add3A_606 = vector.broadcast %add3A_605 : f32 to vector<16xf32>
    %add3A_607 = arith.addf %add3A_606, %mul3A_604 : vector<16xf32>
    %mul3A_608 = arith.mulf %sub3A_601, %add3A_607 : vector<16xf32>
    %add3A_609 = arith.constant -0.942601144 : f32
    %add3A_610 = vector.broadcast %add3A_609 : f32 to vector<16xf32>
    %add3A_611 = arith.addf %add3A_610, %mul3A_608 : vector<16xf32>
    %mul3A_612 = arith.mulf %sub3A_601, %add3A_611 : vector<16xf32>
    %add3A_613 = arith.constant 1.99489772 : f32
    %add3A_614 = vector.broadcast %add3A_613 : f32 to vector<16xf32>
    %add3A_615 = arith.addf %add3A_614, %mul3A_612 : vector<16xf32>
    %mul3A_616 = arith.mulf %sub3A_601, %add3A_615 : vector<16xf32>
    %ne3A_617 = arith.constant 0 : i32
    %ne3A_618 = vector.broadcast %ne3A_617 : i32 to vector<16xi32>
    %ne3A_619 = arith.cmpi ne, %get3A_583, %ne3A_618 : vector<16xi32>
    %jit3A_620 = arith.constant 1.000000e-01 : f32
    %jit3A_621 = arith.constant 0.000000e+00 : f32
    %broadcast_in_dim3A_622 = vector.broadcast %jit3A_620 : f32 to vector<16xf32>
    %broadcast_in_dim3A_623 = vector.broadcast %jit3A_621 : f32 to vector<16xf32>
    %select_n3A_624 = arith.select %ne3A_619, %broadcast_in_dim3A_622, %broadcast_in_dim3A_623 : vector<16xi1>, vector<16xf32>
    %mul3A_625 = arith.constant 1.000000e+02 : f32
    %mul3A_626 = vector.broadcast %mul3A_625 : f32 to vector<16xf32>
    %mul3A_627 = arith.mulf %mul3A_626, %get3A_577 : vector<16xf32>
    %add3A_628 = arith.constant 176.059387 : f32
    %add3A_629 = vector.broadcast %add3A_628 : f32 to vector<16xf32>
    %add3A_630 = arith.addf %mul3A_627, %add3A_629 : vector<16xf32>
    %sub3A_631 = arith.subf %add3A_630, %select_n3A_624 : vector<16xf32>
    %mul3A_632 = arith.constant 1.38629436 : f32
    %mul3A_633 = vector.broadcast %mul3A_632 : f32 to vector<16xf32>
    %mul3A_634 = arith.mulf %convert_element_type3A_591, %mul3A_633 : vector<16xf32>
    %sub3A_635 = arith.subf %sub3A_631, %mul3A_634 : vector<16xf32>
    %sub3A_636 = arith.subf %sub3A_635, %mul3A_616 : vector<16xf32>
    %swap3A_637 = arith.constant 128 : index
    %swap3A_638 = tpu.vector_load %arg10[%swap3A_637] {strides = array<i32>} : memref<512xf32, #tpu.memory_space<vmem>>, vector<16xf32>,
    %swap3A_639 = vector.shape_cast %swap3A_638 : vector<16xf32> to vector<16xf32>
    %swap3A_640 = vector.shape_cast %sub3A_636 : vector<16xf32> to vector<16xf32>
    tpu.vector_store %arg10[%swap3A_637], %swap3A_640 {strides = array<i32>} : memref<512xf32, #tpu.memory_space<vmem>>, vector<16xf32>,
    %get3A_641 = arith.constant 144 : index
    %get3A_642 = tpu.vector_load %arg9[%get3A_641] {strides = array<i32>} : memref<512xf32, #tpu.memory_space<vmem>>, vector<16xf32>,
    %get3A_643 = vector.shape_cast %get3A_642 : vector<16xf32> to vector<16xf32>
    %get3A_644 = arith.constant 144 : index
    %get3A_645 = tpu.vector_load %arg10[%get3A_644] {strides = array<i32>} : memref<512xf32, #tpu.memory_space<vmem>>, vector<16xf32>,
    %get3A_646 = vector.shape_cast %get3A_645 : vector<16xf32> to vector<16xf32>
    %get3A_647 = arith.constant 144 : index
    %get3A_648 = tpu.vector_load %arg8[%get3A_647] {strides = array<i32>} : memref<512xi32, #tpu.memory_space<vmem>>, vector<16xi32>,
    %get3A_649 = vector.shape_cast %get3A_648 : vector<16xi32> to vector<16xi32>
    %add3A_650 = arith.constant 9.99999974E-6 : f32
    %add3A_651 = vector.broadcast %add3A_650 : f32 to vector<16xf32>
    %add3A_652 = arith.addf %get3A_646, %add3A_651 : vector<16xf32>
    %bitcast_convert_type3A_653 = tpu.bitcast %add3A_652 : vector<16xf32> -> vector<16xi32>
    %shift_right_arithmetic3A_654 = arith.constant 23 : i32
    %shift_right_arithmetic3A_655 = vector.broadcast %shift_right_arithmetic3A_654 : i32 to vector<16xi32>
    %shift_right_arithmetic3A_656 = arith.shrsi %bitcast_convert_type3A_653, %shift_right_arithmetic3A_655 : vector<16xi32>
    %convert_element_type3A_657 = arith.sitofp %shift_right_arithmetic3A_656 : vector<16xi32> to vector<16xf32>
    %and3A_658 = arith.constant 8388607 : i32
    %and3A_659 = vector.broadcast %and3A_658 : i32 to vector<16xi32>
    %and3A_660 = arith.andi %bitcast_convert_type3A_653, %and3A_659 : vector<16xi32>
    %or3A_661 = arith.constant 1065353216 : i32
    %or3A_662 = vector.broadcast %or3A_661 : i32 to vector<16xi32>
    %or3A_663 = arith.ori %and3A_660, %or3A_662 : vector<16xi32>
    %bitcast_convert_type3A_664 = tpu.bitcast %or3A_663 : vector<16xi32> -> vector<16xf32>
    %sub3A_665 = arith.constant 1.000000e+00 : f32
    %sub3A_666 = vector.broadcast %sub3A_665 : f32 to vector<16xf32>
    %sub3A_667 = arith.subf %bitcast_convert_type3A_664, %sub3A_666 : vector<16xf32>
    %mul3A_668 = arith.constant -0.117512941 : f32
    %mul3A_669 = vector.broadcast %mul3A_668 : f32 to vector<16xf32>
    %mul3A_670 = arith.mulf %sub3A_667, %mul3A_669 : vector<16xf32>
    %add3A_671 = arith.constant 0.451368868 : f32
    %add3A_672 = vector.broadcast %add3A_671 : f32 to vector<16xf32>
    %add3A_673 = arith.addf %add3A_672, %mul3A_670 : vector<16xf32>
    %mul3A_674 = arith.mulf %sub3A_667, %add3A_673 : vector<16xf32>
    %add3A_675 = arith.constant -0.942601144 : f32
    %add3A_676 = vector.broadcast %add3A_675 : f32 to vector<16xf32>
    %add3A_677 = arith.addf %add3A_676, %mul3A_674 : vector<16xf32>
    %mul3A_678 = arith.mulf %sub3A_667, %add3A_677 : vector<16xf32>
    %add3A_679 = arith.constant 1.99489772 : f32
    %add3A_680 = vector.broadcast %add3A_679 : f32 to vector<16xf32>
    %add3A_681 = arith.addf %add3A_680, %mul3A_678 : vector<16xf32>
    %mul3A_682 = arith.mulf %sub3A_667, %add3A_681 : vector<16xf32>
    %ne3A_683 = arith.constant 0 : i32
    %ne3A_684 = vector.broadcast %ne3A_683 : i32 to vector<16xi32>
    %ne3A_685 = arith.cmpi ne, %get3A_649, %ne3A_684 : vector<16xi32>
    %jit3A_686 = arith.constant 1.000000e-01 : f32
    %jit3A_687 = arith.constant 0.000000e+00 : f32
    %broadcast_in_dim3A_688 = vector.broadcast %jit3A_686 : f32 to vector<16xf32>
    %broadcast_in_dim3A_689 = vector.broadcast %jit3A_687 : f32 to vector<16xf32>
    %select_n3A_690 = arith.select %ne3A_685, %broadcast_in_dim3A_688, %broadcast_in_dim3A_689 : vector<16xi1>, vector<16xf32>
    %mul3A_691 = arith.constant 1.000000e+02 : f32
    %mul3A_692 = vector.broadcast %mul3A_691 : f32 to vector<16xf32>
    %mul3A_693 = arith.mulf %mul3A_692, %get3A_643 : vector<16xf32>
    %add3A_694 = arith.constant 176.059387 : f32
    %add3A_695 = vector.broadcast %add3A_694 : f32 to vector<16xf32>
    %add3A_696 = arith.addf %mul3A_693, %add3A_695 : vector<16xf32>
    %sub3A_697 = arith.subf %add3A_696, %select_n3A_690 : vector<16xf32>
    %mul3A_698 = arith.constant 1.38629436 : f32
    %mul3A_699 = vector.broadcast %mul3A_698 : f32 to vector<16xf32>
    %mul3A_700 = arith.mulf %convert_element_type3A_657, %mul3A_699 : vector<16xf32>
    %sub3A_701 = arith.subf %sub3A_697, %mul3A_700 : vector<16xf32>
    %sub3A_702 = arith.subf %sub3A_701, %mul3A_682 : vector<16xf32>
    %swap3A_703 = arith.constant 144 : index
    %swap3A_704 = tpu.vector_load %arg10[%swap3A_703] {strides = array<i32>} : memref<512xf32, #tpu.memory_space<vmem>>, vector<16xf32>,
    %swap3A_705 = vector.shape_cast %swap3A_704 : vector<16xf32> to vector<16xf32>
    %swap3A_706 = vector.shape_cast %sub3A_702 : vector<16xf32> to vector<16xf32>
    tpu.vector_store %arg10[%swap3A_703], %swap3A_706 {strides = array<i32>} : memref<512xf32, #tpu.memory_space<vmem>>, vector<16xf32>,
    %get3A_707 = arith.constant 160 : index
    %get3A_708 = tpu.vector_load %arg9[%get3A_707] {strides = array<i32>} : memref<512xf32, #tpu.memory_space<vmem>>, vector<16xf32>,
    %get3A_709 = vector.shape_cast %get3A_708 : vector<16xf32> to vector<16xf32>
    %get3A_710 = arith.constant 160 : index
    %get3A_711 = tpu.vector_load %arg10[%get3A_710] {strides = array<i32>} : memref<512xf32, #tpu.memory_space<vmem>>, vector<16xf32>,
    %get3A_712 = vector.shape_cast %get3A_711 : vector<16xf32> to vector<16xf32>
    %get3A_713 = arith.constant 160 : index
    %get3A_714 = tpu.vector_load %arg8[%get3A_713] {strides = array<i32>} : memref<512xi32, #tpu.memory_space<vmem>>, vector<16xi32>,
    %get3A_715 = vector.shape_cast %get3A_714 : vector<16xi32> to vector<16xi32>
    %add3A_716 = arith.constant 9.99999974E-6 : f32
    %add3A_717 = vector.broadcast %add3A_716 : f32 to vector<16xf32>
    %add3A_718 = arith.addf %get3A_712, %add3A_717 : vector<16xf32>
    %bitcast_convert_type3A_719 = tpu.bitcast %add3A_718 : vector<16xf32> -> vector<16xi32>
    %shift_right_arithmetic3A_720 = arith.constant 23 : i32
    %shift_right_arithmetic3A_721 = vector.broadcast %shift_right_arithmetic3A_720 : i32 to vector<16xi32>
    %shift_right_arithmetic3A_722 = arith.shrsi %bitcast_convert_type3A_719, %shift_right_arithmetic3A_721 : vector<16xi32>
    %convert_element_type3A_723 = arith.sitofp %shift_right_arithmetic3A_722 : vector<16xi32> to vector<16xf32>
    %and3A_724 = arith.constant 8388607 : i32
    %and3A_725 = vector.broadcast %and3A_724 : i32 to vector<16xi32>
    %and3A_726 = arith.andi %bitcast_convert_type3A_719, %and3A_725 : vector<16xi32>
    %or3A_727 = arith.constant 1065353216 : i32
    %or3A_728 = vector.broadcast %or3A_727 : i32 to vector<16xi32>
    %or3A_729 = arith.ori %and3A_726, %or3A_728 : vector<16xi32>
    %bitcast_convert_type3A_730 = tpu.bitcast %or3A_729 : vector<16xi32> -> vector<16xf32>
    %sub3A_731 = arith.constant 1.000000e+00 : f32
    %sub3A_732 = vector.broadcast %sub3A_731 : f32 to vector<16xf32>
    %sub3A_733 = arith.subf %bitcast_convert_type3A_730, %sub3A_732 : vector<16xf32>
    %mul3A_734 = arith.constant -0.117512941 : f32
    %mul3A_735 = vector.broadcast %mul3A_734 : f32 to vector<16xf32>
    %mul3A_736 = arith.mulf %sub3A_733, %mul3A_735 : vector<16xf32>
    %add3A_737 = arith.constant 0.451368868 : f32
    %add3A_738 = vector.broadcast %add3A_737 : f32 to vector<16xf32>
    %add3A_739 = arith.addf %add3A_738, %mul3A_736 : vector<16xf32>
    %mul3A_740 = arith.mulf %sub3A_733, %add3A_739 : vector<16xf32>
    %add3A_741 = arith.constant -0.942601144 : f32
    %add3A_742 = vector.broadcast %add3A_741 : f32 to vector<16xf32>
    %add3A_743 = arith.addf %add3A_742, %mul3A_740 : vector<16xf32>
    %mul3A_744 = arith.mulf %sub3A_733, %add3A_743 : vector<16xf32>
    %add3A_745 = arith.constant 1.99489772 : f32
    %add3A_746 = vector.broadcast %add3A_745 : f32 to vector<16xf32>
    %add3A_747 = arith.addf %add3A_746, %mul3A_744 : vector<16xf32>
    %mul3A_748 = arith.mulf %sub3A_733, %add3A_747 : vector<16xf32>
    %ne3A_749 = arith.constant 0 : i32
    %ne3A_750 = vector.broadcast %ne3A_749 : i32 to vector<16xi32>
    %ne3A_751 = arith.cmpi ne, %get3A_715, %ne3A_750 : vector<16xi32>
    %jit3A_752 = arith.constant 1.000000e-01 : f32
    %jit3A_753 = arith.constant 0.000000e+00 : f32
    %broadcast_in_dim3A_754 = vector.broadcast %jit3A_752 : f32 to vector<16xf32>
    %broadcast_in_dim3A_755 = vector.broadcast %jit3A_753 : f32 to vector<16xf32>
    %select_n3A_756 = arith.select %ne3A_751, %broadcast_in_dim3A_754, %broadcast_in_dim3A_755 : vector<16xi1>, vector<16xf32>
    %mul3A_757 = arith.constant 1.000000e+02 : f32
    %mul3A_758 = vector.broadcast %mul3A_757 : f32 to vector<16xf32>
    %mul3A_759 = arith.mulf %mul3A_758, %get3A_709 : vector<16xf32>
    %add3A_760 = arith.constant 176.059387 : f32
    %add3A_761 = vector.broadcast %add3A_760 : f32 to vector<16xf32>
    %add3A_762 = arith.addf %mul3A_759, %add3A_761 : vector<16xf32>
    %sub3A_763 = arith.subf %add3A_762, %select_n3A_756 : vector<16xf32>
    %mul3A_764 = arith.constant 1.38629436 : f32
    %mul3A_765 = vector.broadcast %mul3A_764 : f32 to vector<16xf32>
    %mul3A_766 = arith.mulf %convert_element_type3A_723, %mul3A_765 : vector<16xf32>
    %sub3A_767 = arith.subf %sub3A_763, %mul3A_766 : vector<16xf32>
    %sub3A_768 = arith.subf %sub3A_767, %mul3A_748 : vector<16xf32>
    %swap3A_769 = arith.constant 160 : index
    %swap3A_770 = tpu.vector_load %arg10[%swap3A_769] {strides = array<i32>} : memref<512xf32, #tpu.memory_space<vmem>>, vector<16xf32>,
    %swap3A_771 = vector.shape_cast %swap3A_770 : vector<16xf32> to vector<16xf32>
    %swap3A_772 = vector.shape_cast %sub3A_768 : vector<16xf32> to vector<16xf32>
    tpu.vector_store %arg10[%swap3A_769], %swap3A_772 {strides = array<i32>} : memref<512xf32, #tpu.memory_space<vmem>>, vector<16xf32>,
    %get3A_773 = arith.constant 176 : index
    %get3A_774 = tpu.vector_load %arg9[%get3A_773] {strides = array<i32>} : memref<512xf32, #tpu.memory_space<vmem>>, vector<16xf32>,
    %get3A_775 = vector.shape_cast %get3A_774 : vector<16xf32> to vector<16xf32>
    %get3A_776 = arith.constant 176 : index
    %get3A_777 = tpu.vector_load %arg10[%get3A_776] {strides = array<i32>} : memref<512xf32, #tpu.memory_space<vmem>>, vector<16xf32>,
    %get3A_778 = vector.shape_cast %get3A_777 : vector<16xf32> to vector<16xf32>
    %get3A_779 = arith.constant 176 : index
    %get3A_780 = tpu.vector_load %arg8[%get3A_779] {strides = array<i32>} : memref<512xi32, #tpu.memory_space<vmem>>, vector<16xi32>,
    %get3A_781 = vector.shape_cast %get3A_780 : vector<16xi32> to vector<16xi32>
    %add3A_782 = arith.constant 9.99999974E-6 : f32
    %add3A_783 = vector.broadcast %add3A_782 : f32 to vector<16xf32>
    %add3A_784 = arith.addf %get3A_778, %add3A_783 : vector<16xf32>
    %bitcast_convert_type3A_785 = tpu.bitcast %add3A_784 : vector<16xf32> -> vector<16xi32>
    %shift_right_arithmetic3A_786 = arith.constant 23 : i32
    %shift_right_arithmetic3A_787 = vector.broadcast %shift_right_arithmetic3A_786 : i32 to vector<16xi32>
    %shift_right_arithmetic3A_788 = arith.shrsi %bitcast_convert_type3A_785, %shift_right_arithmetic3A_787 : vector<16xi32>
    %convert_element_type3A_789 = arith.sitofp %shift_right_arithmetic3A_788 : vector<16xi32> to vector<16xf32>
    %and3A_790 = arith.constant 8388607 : i32
    %and3A_791 = vector.broadcast %and3A_790 : i32 to vector<16xi32>
    %and3A_792 = arith.andi %bitcast_convert_type3A_785, %and3A_791 : vector<16xi32>
    %or3A_793 = arith.constant 1065353216 : i32
    %or3A_794 = vector.broadcast %or3A_793 : i32 to vector<16xi32>
    %or3A_795 = arith.ori %and3A_792, %or3A_794 : vector<16xi32>
    %bitcast_convert_type3A_796 = tpu.bitcast %or3A_795 : vector<16xi32> -> vector<16xf32>
    %sub3A_797 = arith.constant 1.000000e+00 : f32
    %sub3A_798 = vector.broadcast %sub3A_797 : f32 to vector<16xf32>
    %sub3A_799 = arith.subf %bitcast_convert_type3A_796, %sub3A_798 : vector<16xf32>
    %mul3A_800 = arith.constant -0.117512941 : f32
    %mul3A_801 = vector.broadcast %mul3A_800 : f32 to vector<16xf32>
    %mul3A_802 = arith.mulf %sub3A_799, %mul3A_801 : vector<16xf32>
    %add3A_803 = arith.constant 0.451368868 : f32
    %add3A_804 = vector.broadcast %add3A_803 : f32 to vector<16xf32>
    %add3A_805 = arith.addf %add3A_804, %mul3A_802 : vector<16xf32>
    %mul3A_806 = arith.mulf %sub3A_799, %add3A_805 : vector<16xf32>
    %add3A_807 = arith.constant -0.942601144 : f32
    %add3A_808 = vector.broadcast %add3A_807 : f32 to vector<16xf32>
    %add3A_809 = arith.addf %add3A_808, %mul3A_806 : vector<16xf32>
    %mul3A_810 = arith.mulf %sub3A_799, %add3A_809 : vector<16xf32>
    %add3A_811 = arith.constant 1.99489772 : f32
    %add3A_812 = vector.broadcast %add3A_811 : f32 to vector<16xf32>
    %add3A_813 = arith.addf %add3A_812, %mul3A_810 : vector<16xf32>
    %mul3A_814 = arith.mulf %sub3A_799, %add3A_813 : vector<16xf32>
    %ne3A_815 = arith.constant 0 : i32
    %ne3A_816 = vector.broadcast %ne3A_815 : i32 to vector<16xi32>
    %ne3A_817 = arith.cmpi ne, %get3A_781, %ne3A_816 : vector<16xi32>
    %jit3A_818 = arith.constant 1.000000e-01 : f32
    %jit3A_819 = arith.constant 0.000000e+00 : f32
    %broadcast_in_dim3A_820 = vector.broadcast %jit3A_818 : f32 to vector<16xf32>
    %broadcast_in_dim3A_821 = vector.broadcast %jit3A_819 : f32 to vector<16xf32>
    %select_n3A_822 = arith.select %ne3A_817, %broadcast_in_dim3A_820, %broadcast_in_dim3A_821 : vector<16xi1>, vector<16xf32>
    %mul3A_823 = arith.constant 1.000000e+02 : f32
    %mul3A_824 = vector.broadcast %mul3A_823 : f32 to vector<16xf32>
    %mul3A_825 = arith.mulf %mul3A_824, %get3A_775 : vector<16xf32>
    %add3A_826 = arith.constant 176.059387 : f32
    %add3A_827 = vector.broadcast %add3A_826 : f32 to vector<16xf32>
    %add3A_828 = arith.addf %mul3A_825, %add3A_827 : vector<16xf32>
    %sub3A_829 = arith.subf %add3A_828, %select_n3A_822 : vector<16xf32>
    %mul3A_830 = arith.constant 1.38629436 : f32
    %mul3A_831 = vector.broadcast %mul3A_830 : f32 to vector<16xf32>
    %mul3A_832 = arith.mulf %convert_element_type3A_789, %mul3A_831 : vector<16xf32>
    %sub3A_833 = arith.subf %sub3A_829, %mul3A_832 : vector<16xf32>
    %sub3A_834 = arith.subf %sub3A_833, %mul3A_814 : vector<16xf32>
    %swap3A_835 = arith.constant 176 : index
    %swap3A_836 = tpu.vector_load %arg10[%swap3A_835] {strides = array<i32>} : memref<512xf32, #tpu.memory_space<vmem>>, vector<16xf32>,
    %swap3A_837 = vector.shape_cast %swap3A_836 : vector<16xf32> to vector<16xf32>
    %swap3A_838 = vector.shape_cast %sub3A_834 : vector<16xf32> to vector<16xf32>
    tpu.vector_store %arg10[%swap3A_835], %swap3A_838 {strides = array<i32>} : memref<512xf32, #tpu.memory_space<vmem>>, vector<16xf32>,
    %get3A_839 = arith.constant 192 : index
    %get3A_840 = tpu.vector_load %arg9[%get3A_839] {strides = array<i32>} : memref<512xf32, #tpu.memory_space<vmem>>, vector<16xf32>,
    %get3A_841 = vector.shape_cast %get3A_840 : vector<16xf32> to vector<16xf32>
    %get3A_842 = arith.constant 192 : index
    %get3A_843 = tpu.vector_load %arg10[%get3A_842] {strides = array<i32>} : memref<512xf32, #tpu.memory_space<vmem>>, vector<16xf32>,
    %get3A_844 = vector.shape_cast %get3A_843 : vector<16xf32> to vector<16xf32>
    %get3A_845 = arith.constant 192 : index
    %get3A_846 = tpu.vector_load %arg8[%get3A_845] {strides = array<i32>} : memref<512xi32, #tpu.memory_space<vmem>>, vector<16xi32>,
    %get3A_847 = vector.shape_cast %get3A_846 : vector<16xi32> to vector<16xi32>
    %add3A_848 = arith.constant 9.99999974E-6 : f32
    %add3A_849 = vector.broadcast %add3A_848 : f32 to vector<16xf32>
    %add3A_850 = arith.addf %get3A_844, %add3A_849 : vector<16xf32>
    %bitcast_convert_type3A_851 = tpu.bitcast %add3A_850 : vector<16xf32> -> vector<16xi32>
    %shift_right_arithmetic3A_852 = arith.constant 23 : i32
    %shift_right_arithmetic3A_853 = vector.broadcast %shift_right_arithmetic3A_852 : i32 to vector<16xi32>
    %shift_right_arithmetic3A_854 = arith.shrsi %bitcast_convert_type3A_851, %shift_right_arithmetic3A_853 : vector<16xi32>
    %convert_element_type3A_855 = arith.sitofp %shift_right_arithmetic3A_854 : vector<16xi32> to vector<16xf32>
    %and3A_856 = arith.constant 8388607 : i32
    %and3A_857 = vector.broadcast %and3A_856 : i32 to vector<16xi32>
    %and3A_858 = arith.andi %bitcast_convert_type3A_851, %and3A_857 : vector<16xi32>
    %or3A_859 = arith.constant 1065353216 : i32
    %or3A_860 = vector.broadcast %or3A_859 : i32 to vector<16xi32>
    %or3A_861 = arith.ori %and3A_858, %or3A_860 : vector<16xi32>
    %bitcast_convert_type3A_862 = tpu.bitcast %or3A_861 : vector<16xi32> -> vector<16xf32>
    %sub3A_863 = arith.constant 1.000000e+00 : f32
    %sub3A_864 = vector.broadcast %sub3A_863 : f32 to vector<16xf32>
    %sub3A_865 = arith.subf %bitcast_convert_type3A_862, %sub3A_864 : vector<16xf32>
    %mul3A_866 = arith.constant -0.117512941 : f32
    %mul3A_867 = vector.broadcast %mul3A_866 : f32 to vector<16xf32>
    %mul3A_868 = arith.mulf %sub3A_865, %mul3A_867 : vector<16xf32>
    %add3A_869 = arith.constant 0.451368868 : f32
    %add3A_870 = vector.broadcast %add3A_869 : f32 to vector<16xf32>
    %add3A_871 = arith.addf %add3A_870, %mul3A_868 : vector<16xf32>
    %mul3A_872 = arith.mulf %sub3A_865, %add3A_871 : vector<16xf32>
    %add3A_873 = arith.constant -0.942601144 : f32
    %add3A_874 = vector.broadcast %add3A_873 : f32 to vector<16xf32>
    %add3A_875 = arith.addf %add3A_874, %mul3A_872 : vector<16xf32>
    %mul3A_876 = arith.mulf %sub3A_865, %add3A_875 : vector<16xf32>
    %add3A_877 = arith.constant 1.99489772 : f32
    %add3A_878 = vector.broadcast %add3A_877 : f32 to vector<16xf32>
    %add3A_879 = arith.addf %add3A_878, %mul3A_876 : vector<16xf32>
    %mul3A_880 = arith.mulf %sub3A_865, %add3A_879 : vector<16xf32>
    %ne3A_881 = arith.constant 0 : i32
    %ne3A_882 = vector.broadcast %ne3A_881 : i32 to vector<16xi32>
    %ne3A_883 = arith.cmpi ne, %get3A_847, %ne3A_882 : vector<16xi32>
    %jit3A_884 = arith.constant 1.000000e-01 : f32
    %jit3A_885 = arith.constant 0.000000e+00 : f32
    %broadcast_in_dim3A_886 = vector.broadcast %jit3A_884 : f32 to vector<16xf32>
    %broadcast_in_dim3A_887 = vector.broadcast %jit3A_885 : f32 to vector<16xf32>
    %select_n3A_888 = arith.select %ne3A_883, %broadcast_in_dim3A_886, %broadcast_in_dim3A_887 : vector<16xi1>, vector<16xf32>
    %mul3A_889 = arith.constant 1.000000e+02 : f32
    %mul3A_890 = vector.broadcast %mul3A_889 : f32 to vector<16xf32>
    %mul3A_891 = arith.mulf %mul3A_890, %get3A_841 : vector<16xf32>
    %add3A_892 = arith.constant 176.059387 : f32
    %add3A_893 = vector.broadcast %add3A_892 : f32 to vector<16xf32>
    %add3A_894 = arith.addf %mul3A_891, %add3A_893 : vector<16xf32>
    %sub3A_895 = arith.subf %add3A_894, %select_n3A_888 : vector<16xf32>
    %mul3A_896 = arith.constant 1.38629436 : f32
    %mul3A_897 = vector.broadcast %mul3A_896 : f32 to vector<16xf32>
    %mul3A_898 = arith.mulf %convert_element_type3A_855, %mul3A_897 : vector<16xf32>
    %sub3A_899 = arith.subf %sub3A_895, %mul3A_898 : vector<16xf32>
    %sub3A_900 = arith.subf %sub3A_899, %mul3A_880 : vector<16xf32>
    %swap3A_901 = arith.constant 192 : index
    %swap3A_902 = tpu.vector_load %arg10[%swap3A_901] {strides = array<i32>} : memref<512xf32, #tpu.memory_space<vmem>>, vector<16xf32>,
    %swap3A_903 = vector.shape_cast %swap3A_902 : vector<16xf32> to vector<16xf32>
    %swap3A_904 = vector.shape_cast %sub3A_900 : vector<16xf32> to vector<16xf32>
    tpu.vector_store %arg10[%swap3A_901], %swap3A_904 {strides = array<i32>} : memref<512xf32, #tpu.memory_space<vmem>>, vector<16xf32>,
    %get3A_905 = arith.constant 208 : index
    %get3A_906 = tpu.vector_load %arg9[%get3A_905] {strides = array<i32>} : memref<512xf32, #tpu.memory_space<vmem>>, vector<16xf32>,
    %get3A_907 = vector.shape_cast %get3A_906 : vector<16xf32> to vector<16xf32>
    %get3A_908 = arith.constant 208 : index
    %get3A_909 = tpu.vector_load %arg10[%get3A_908] {strides = array<i32>} : memref<512xf32, #tpu.memory_space<vmem>>, vector<16xf32>,
    %get3A_910 = vector.shape_cast %get3A_909 : vector<16xf32> to vector<16xf32>
    %get3A_911 = arith.constant 208 : index
    %get3A_912 = tpu.vector_load %arg8[%get3A_911] {strides = array<i32>} : memref<512xi32, #tpu.memory_space<vmem>>, vector<16xi32>,
    %get3A_913 = vector.shape_cast %get3A_912 : vector<16xi32> to vector<16xi32>
    %add3A_914 = arith.constant 9.99999974E-6 : f32
    %add3A_915 = vector.broadcast %add3A_914 : f32 to vector<16xf32>
    %add3A_916 = arith.addf %get3A_910, %add3A_915 : vector<16xf32>
    %bitcast_convert_type3A_917 = tpu.bitcast %add3A_916 : vector<16xf32> -> vector<16xi32>
    %shift_right_arithmetic3A_918 = arith.constant 23 : i32
    %shift_right_arithmetic3A_919 = vector.broadcast %shift_right_arithmetic3A_918 : i32 to vector<16xi32>
    %shift_right_arithmetic3A_920 = arith.shrsi %bitcast_convert_type3A_917, %shift_right_arithmetic3A_919 : vector<16xi32>
    %convert_element_type3A_921 = arith.sitofp %shift_right_arithmetic3A_920 : vector<16xi32> to vector<16xf32>
    %and3A_922 = arith.constant 8388607 : i32
    %and3A_923 = vector.broadcast %and3A_922 : i32 to vector<16xi32>
    %and3A_924 = arith.andi %bitcast_convert_type3A_917, %and3A_923 : vector<16xi32>
    %or3A_925 = arith.constant 1065353216 : i32
    %or3A_926 = vector.broadcast %or3A_925 : i32 to vector<16xi32>
    %or3A_927 = arith.ori %and3A_924, %or3A_926 : vector<16xi32>
    %bitcast_convert_type3A_928 = tpu.bitcast %or3A_927 : vector<16xi32> -> vector<16xf32>
    %sub3A_929 = arith.constant 1.000000e+00 : f32
    %sub3A_930 = vector.broadcast %sub3A_929 : f32 to vector<16xf32>
    %sub3A_931 = arith.subf %bitcast_convert_type3A_928, %sub3A_930 : vector<16xf32>
    %mul3A_932 = arith.constant -0.117512941 : f32
    %mul3A_933 = vector.broadcast %mul3A_932 : f32 to vector<16xf32>
    %mul3A_934 = arith.mulf %sub3A_931, %mul3A_933 : vector<16xf32>
    %add3A_935 = arith.constant 0.451368868 : f32
    %add3A_936 = vector.broadcast %add3A_935 : f32 to vector<16xf32>
    %add3A_937 = arith.addf %add3A_936, %mul3A_934 : vector<16xf32>
    %mul3A_938 = arith.mulf %sub3A_931, %add3A_937 : vector<16xf32>
    %add3A_939 = arith.constant -0.942601144 : f32
    %add3A_940 = vector.broadcast %add3A_939 : f32 to vector<16xf32>
    %add3A_941 = arith.addf %add3A_940, %mul3A_938 : vector<16xf32>
    %mul3A_942 = arith.mulf %sub3A_931, %add3A_941 : vector<16xf32>
    %add3A_943 = arith.constant 1.99489772 : f32
    %add3A_944 = vector.broadcast %add3A_943 : f32 to vector<16xf32>
    %add3A_945 = arith.addf %add3A_944, %mul3A_942 : vector<16xf32>
    %mul3A_946 = arith.mulf %sub3A_931, %add3A_945 : vector<16xf32>
    %ne3A_947 = arith.constant 0 : i32
    %ne3A_948 = vector.broadcast %ne3A_947 : i32 to vector<16xi32>
    %ne3A_949 = arith.cmpi ne, %get3A_913, %ne3A_948 : vector<16xi32>
    %jit3A_950 = arith.constant 1.000000e-01 : f32
    %jit3A_951 = arith.constant 0.000000e+00 : f32
    %broadcast_in_dim3A_952 = vector.broadcast %jit3A_950 : f32 to vector<16xf32>
    %broadcast_in_dim3A_953 = vector.broadcast %jit3A_951 : f32 to vector<16xf32>
    %select_n3A_954 = arith.select %ne3A_949, %broadcast_in_dim3A_952, %broadcast_in_dim3A_953 : vector<16xi1>, vector<16xf32>
    %mul3A_955 = arith.constant 1.000000e+02 : f32
    %mul3A_956 = vector.broadcast %mul3A_955 : f32 to vector<16xf32>
    %mul3A_957 = arith.mulf %mul3A_956, %get3A_907 : vector<16xf32>
    %add3A_958 = arith.constant 176.059387 : f32
    %add3A_959 = vector.broadcast %add3A_958 : f32 to vector<16xf32>
    %add3A_960 = arith.addf %mul3A_957, %add3A_959 : vector<16xf32>
    %sub3A_961 = arith.subf %add3A_960, %select_n3A_954 : vector<16xf32>
    %mul3A_962 = arith.constant 1.38629436 : f32
    %mul3A_963 = vector.broadcast %mul3A_962 : f32 to vector<16xf32>
    %mul3A_964 = arith.mulf %convert_element_type3A_921, %mul3A_963 : vector<16xf32>
    %sub3A_965 = arith.subf %sub3A_961, %mul3A_964 : vector<16xf32>
    %sub3A_966 = arith.subf %sub3A_965, %mul3A_946 : vector<16xf32>
    %swap3A_967 = arith.constant 208 : index
    %swap3A_968 = tpu.vector_load %arg10[%swap3A_967] {strides = array<i32>} : memref<512xf32, #tpu.memory_space<vmem>>, vector<16xf32>,
    %swap3A_969 = vector.shape_cast %swap3A_968 : vector<16xf32> to vector<16xf32>
    %swap3A_970 = vector.shape_cast %sub3A_966 : vector<16xf32> to vector<16xf32>
    tpu.vector_store %arg10[%swap3A_967], %swap3A_970 {strides = array<i32>} : memref<512xf32, #tpu.memory_space<vmem>>, vector<16xf32>,
    %get3A_971 = arith.constant 224 : index
    %get3A_972 = tpu.vector_load %arg9[%get3A_971] {strides = array<i32>} : memref<512xf32, #tpu.memory_space<vmem>>, vector<16xf32>,
    %get3A_973 = vector.shape_cast %get3A_972 : vector<16xf32> to vector<16xf32>
    %get3A_974 = arith.constant 224 : index
    %get3A_975 = tpu.vector_load %arg10[%get3A_974] {strides = array<i32>} : memref<512xf32, #tpu.memory_space<vmem>>, vector<16xf32>,
    %get3A_976 = vector.shape_cast %get3A_975 : vector<16xf32> to vector<16xf32>
    %get3A_977 = arith.constant 224 : index
    %get3A_978 = tpu.vector_load %arg8[%get3A_977] {strides = array<i32>} : memref<512xi32, #tpu.memory_space<vmem>>, vector<16xi32>,
    %get3A_979 = vector.shape_cast %get3A_978 : vector<16xi32> to vector<16xi32>
    %add3A_980 = arith.constant 9.99999974E-6 : f32
    %add3A_981 = vector.broadcast %add3A_980 : f32 to vector<16xf32>
    %add3A_982 = arith.addf %get3A_976, %add3A_981 : vector<16xf32>
    %bitcast_convert_type3A_983 = tpu.bitcast %add3A_982 : vector<16xf32> -> vector<16xi32>
    %shift_right_arithmetic3A_984 = arith.constant 23 : i32
    %shift_right_arithmetic3A_985 = vector.broadcast %shift_right_arithmetic3A_984 : i32 to vector<16xi32>
    %shift_right_arithmetic3A_986 = arith.shrsi %bitcast_convert_type3A_983, %shift_right_arithmetic3A_985 : vector<16xi32>
    %convert_element_type3A_987 = arith.sitofp %shift_right_arithmetic3A_986 : vector<16xi32> to vector<16xf32>
    %and3A_988 = arith.constant 8388607 : i32
    %and3A_989 = vector.broadcast %and3A_988 : i32 to vector<16xi32>
    %and3A_990 = arith.andi %bitcast_convert_type3A_983, %and3A_989 : vector<16xi32>
    %or3A_991 = arith.constant 1065353216 : i32
    %or3A_992 = vector.broadcast %or3A_991 : i32 to vector<16xi32>
    %or3A_993 = arith.ori %and3A_990, %or3A_992 : vector<16xi32>
    %bitcast_convert_type3A_994 = tpu.bitcast %or3A_993 : vector<16xi32> -> vector<16xf32>
    %sub3A_995 = arith.constant 1.000000e+00 : f32
    %sub3A_996 = vector.broadcast %sub3A_995 : f32 to vector<16xf32>
    %sub3A_997 = arith.subf %bitcast_convert_type3A_994, %sub3A_996 : vector<16xf32>
    %mul3A_998 = arith.constant -0.117512941 : f32
    %mul3A_999 = vector.broadcast %mul3A_998 : f32 to vector<16xf32>
    %mul3A_1000 = arith.mulf %sub3A_997, %mul3A_999 : vector<16xf32>
    %add3A_1001 = arith.constant 0.451368868 : f32
    %add3A_1002 = vector.broadcast %add3A_1001 : f32 to vector<16xf32>
    %add3A_1003 = arith.addf %add3A_1002, %mul3A_1000 : vector<16xf32>
    %mul3A_1004 = arith.mulf %sub3A_997, %add3A_1003 : vector<16xf32>
    %add3A_1005 = arith.constant -0.942601144 : f32
    %add3A_1006 = vector.broadcast %add3A_1005 : f32 to vector<16xf32>
    %add3A_1007 = arith.addf %add3A_1006, %mul3A_1004 : vector<16xf32>
    %mul3A_1008 = arith.mulf %sub3A_997, %add3A_1007 : vector<16xf32>
    %add3A_1009 = arith.constant 1.99489772 : f32
    %add3A_1010 = vector.broadcast %add3A_1009 : f32 to vector<16xf32>
    %add3A_1011 = arith.addf %add3A_1010, %mul3A_1008 : vector<16xf32>
    %mul3A_1012 = arith.mulf %sub3A_997, %add3A_1011 : vector<16xf32>
    %ne3A_1013 = arith.constant 0 : i32
    %ne3A_1014 = vector.broadcast %ne3A_1013 : i32 to vector<16xi32>
    %ne3A_1015 = arith.cmpi ne, %get3A_979, %ne3A_1014 : vector<16xi32>
    %jit3A_1016 = arith.constant 1.000000e-01 : f32
    %jit3A_1017 = arith.constant 0.000000e+00 : f32
    %broadcast_in_dim3A_1018 = vector.broadcast %jit3A_1016 : f32 to vector<16xf32>
    %broadcast_in_dim3A_1019 = vector.broadcast %jit3A_1017 : f32 to vector<16xf32>
    %select_n3A_1020 = arith.select %ne3A_1015, %broadcast_in_dim3A_1018, %broadcast_in_dim3A_1019 : vector<16xi1>, vector<16xf32>
    %mul3A_1021 = arith.constant 1.000000e+02 : f32
    %mul3A_1022 = vector.broadcast %mul3A_1021 : f32 to vector<16xf32>
    %mul3A_1023 = arith.mulf %mul3A_1022, %get3A_973 : vector<16xf32>
    %add3A_1024 = arith.constant 176.059387 : f32
    %add3A_1025 = vector.broadcast %add3A_1024 : f32 to vector<16xf32>
    %add3A_1026 = arith.addf %mul3A_1023, %add3A_1025 : vector<16xf32>
    %sub3A_1027 = arith.subf %add3A_1026, %select_n3A_1020 : vector<16xf32>
    %mul3A_1028 = arith.constant 1.38629436 : f32
    %mul3A_1029 = vector.broadcast %mul3A_1028 : f32 to vector<16xf32>
    %mul3A_1030 = arith.mulf %convert_element_type3A_987, %mul3A_1029 : vector<16xf32>
    %sub3A_1031 = arith.subf %sub3A_1027, %mul3A_1030 : vector<16xf32>
    %sub3A_1032 = arith.subf %sub3A_1031, %mul3A_1012 : vector<16xf32>
    %swap3A_1033 = arith.constant 224 : index
    %swap3A_1034 = tpu.vector_load %arg10[%swap3A_1033] {strides = array<i32>} : memref<512xf32, #tpu.memory_space<vmem>>, vector<16xf32>,
    %swap3A_1035 = vector.shape_cast %swap3A_1034 : vector<16xf32> to vector<16xf32>
    %swap3A_1036 = vector.shape_cast %sub3A_1032 : vector<16xf32> to vector<16xf32>
    tpu.vector_store %arg10[%swap3A_1033], %swap3A_1036 {strides = array<i32>} : memref<512xf32, #tpu.memory_space<vmem>>, vector<16xf32>,
    %get3A_1037 = arith.constant 240 : index
    %get3A_1038 = tpu.vector_load %arg9[%get3A_1037] {strides = array<i32>} : memref<512xf32, #tpu.memory_space<vmem>>, vector<16xf32>,
    %get3A_1039 = vector.shape_cast %get3A_1038 : vector<16xf32> to vector<16xf32>
    %get3A_1040 = arith.constant 240 : index
    %get3A_1041 = tpu.vector_load %arg10[%get3A_1040] {strides = array<i32>} : memref<512xf32, #tpu.memory_space<vmem>>, vector<16xf32>,
    %get3A_1042 = vector.shape_cast %get3A_1041 : vector<16xf32> to vector<16xf32>
    %get3A_1043 = arith.constant 240 : index
    %get3A_1044 = tpu.vector_load %arg8[%get3A_1043] {strides = array<i32>} : memref<512xi32, #tpu.memory_space<vmem>>, vector<16xi32>,
    %get3A_1045 = vector.shape_cast %get3A_1044 : vector<16xi32> to vector<16xi32>
    %add3A_1046 = arith.constant 9.99999974E-6 : f32
    %add3A_1047 = vector.broadcast %add3A_1046 : f32 to vector<16xf32>
    %add3A_1048 = arith.addf %get3A_1042, %add3A_1047 : vector<16xf32>
    %bitcast_convert_type3A_1049 = tpu.bitcast %add3A_1048 : vector<16xf32> -> vector<16xi32>
    %shift_right_arithmetic3A_1050 = arith.constant 23 : i32
    %shift_right_arithmetic3A_1051 = vector.broadcast %shift_right_arithmetic3A_1050 : i32 to vector<16xi32>
    %shift_right_arithmetic3A_1052 = arith.shrsi %bitcast_convert_type3A_1049, %shift_right_arithmetic3A_1051 : vector<16xi32>
    %convert_element_type3A_1053 = arith.sitofp %shift_right_arithmetic3A_1052 : vector<16xi32> to vector<16xf32>
    %and3A_1054 = arith.constant 8388607 : i32
    %and3A_1055 = vector.broadcast %and3A_1054 : i32 to vector<16xi32>
    %and3A_1056 = arith.andi %bitcast_convert_type3A_1049, %and3A_1055 : vector<16xi32>
    %or3A_1057 = arith.constant 1065353216 : i32
    %or3A_1058 = vector.broadcast %or3A_1057 : i32 to vector<16xi32>
    %or3A_1059 = arith.ori %and3A_1056, %or3A_1058 : vector<16xi32>
    %bitcast_convert_type3A_1060 = tpu.bitcast %or3A_1059 : vector<16xi32> -> vector<16xf32>
    %sub3A_1061 = arith.constant 1.000000e+00 : f32
    %sub3A_1062 = vector.broadcast %sub3A_1061 : f32 to vector<16xf32>
    %sub3A_1063 = arith.subf %bitcast_convert_type3A_1060, %sub3A_1062 : vector<16xf32>
    %mul3A_1064 = arith.constant -0.117512941 : f32
    %mul3A_1065 = vector.broadcast %mul3A_1064 : f32 to vector<16xf32>
    %mul3A_1066 = arith.mulf %sub3A_1063, %mul3A_1065 : vector<16xf32>
    %add3A_1067 = arith.constant 0.451368868 : f32
    %add3A_1068 = vector.broadcast %add3A_1067 : f32 to vector<16xf32>
    %add3A_1069 = arith.addf %add3A_1068, %mul3A_1066 : vector<16xf32>
    %mul3A_1070 = arith.mulf %sub3A_1063, %add3A_1069 : vector<16xf32>
    %add3A_1071 = arith.constant -0.942601144 : f32
    %add3A_1072 = vector.broadcast %add3A_1071 : f32 to vector<16xf32>
    %add3A_1073 = arith.addf %add3A_1072, %mul3A_1070 : vector<16xf32>
    %mul3A_1074 = arith.mulf %sub3A_1063, %add3A_1073 : vector<16xf32>
    %add3A_1075 = arith.constant 1.99489772 : f32
    %add3A_1076 = vector.broadcast %add3A_1075 : f32 to vector<16xf32>
    %add3A_1077 = arith.addf %add3A_1076, %mul3A_1074 : vector<16xf32>
    %mul3A_1078 = arith.mulf %sub3A_1063, %add3A_1077 : vector<16xf32>
    %ne3A_1079 = arith.constant 0 : i32
    %ne3A_1080 = vector.broadcast %ne3A_1079 : i32 to vector<16xi32>
    %ne3A_1081 = arith.cmpi ne, %get3A_1045, %ne3A_1080 : vector<16xi32>
    %jit3A_1082 = arith.constant 1.000000e-01 : f32
    %jit3A_1083 = arith.constant 0.000000e+00 : f32
    %broadcast_in_dim3A_1084 = vector.broadcast %jit3A_1082 : f32 to vector<16xf32>
    %broadcast_in_dim3A_1085 = vector.broadcast %jit3A_1083 : f32 to vector<16xf32>
    %select_n3A_1086 = arith.select %ne3A_1081, %broadcast_in_dim3A_1084, %broadcast_in_dim3A_1085 : vector<16xi1>, vector<16xf32>
    %mul3A_1087 = arith.constant 1.000000e+02 : f32
    %mul3A_1088 = vector.broadcast %mul3A_1087 : f32 to vector<16xf32>
    %mul3A_1089 = arith.mulf %mul3A_1088, %get3A_1039 : vector<16xf32>
    %add3A_1090 = arith.constant 176.059387 : f32
    %add3A_1091 = vector.broadcast %add3A_1090 : f32 to vector<16xf32>
    %add3A_1092 = arith.addf %mul3A_1089, %add3A_1091 : vector<16xf32>
    %sub3A_1093 = arith.subf %add3A_1092, %select_n3A_1086 : vector<16xf32>
    %mul3A_1094 = arith.constant 1.38629436 : f32
    %mul3A_1095 = vector.broadcast %mul3A_1094 : f32 to vector<16xf32>
    %mul3A_1096 = arith.mulf %convert_element_type3A_1053, %mul3A_1095 : vector<16xf32>
    %sub3A_1097 = arith.subf %sub3A_1093, %mul3A_1096 : vector<16xf32>
    %sub3A_1098 = arith.subf %sub3A_1097, %mul3A_1078 : vector<16xf32>
    %swap3A_1099 = arith.constant 240 : index
    %swap3A_1100 = tpu.vector_load %arg10[%swap3A_1099] {strides = array<i32>} : memref<512xf32, #tpu.memory_space<vmem>>, vector<16xf32>,
    %swap3A_1101 = vector.shape_cast %swap3A_1100 : vector<16xf32> to vector<16xf32>
    %swap3A_1102 = vector.shape_cast %sub3A_1098 : vector<16xf32> to vector<16xf32>
    tpu.vector_store %arg10[%swap3A_1099], %swap3A_1102 {strides = array<i32>} : memref<512xf32, #tpu.memory_space<vmem>>, vector<16xf32>,
    %add3A_1103 = arith.constant 0 : i32
    %add3A_1104 = arith.addi %mul3A_2, %add3A_1103 : i32
    %dma_start3A_1105 = arith.constant 0 : i32
    %dma_start3A_1106 = tpu.memref_slice %arg10[%dma_start3A_1105] : memref<512xf32, #tpu.memory_space<vmem>> -> memref<256xf32, #tpu.memory_space<vmem>>
    %dma_start3A_1107 = tpu.memref_slice %arg6[%add3A_1104] : memref<16384xf32, #tpu.memory_space<hbm>> -> memref<256xf32, #tpu.memory_space<hbm>>
    %dma_start3A_1108 = tpu.memref_slice %arg6[%add3A_1104] : memref<16384xf32, #tpu.memory_space<hbm>> -> memref<256xf32, #tpu.memory_space<hbm>>
    %dma_start3A_1109 = arith.constant 0 : i32
    %dma_start3A_1110 = tpu.memref_slice %arg10[%dma_start3A_1109] : memref<512xf32, #tpu.memory_space<vmem>> -> memref<256xf32, #tpu.memory_space<vmem>>
    tpu.enqueue_dma source(%dma_start3A_1110 : memref<256xf32, #tpu.memory_space<vmem>>) target(%dma_start3A_1108 : memref<256xf32, #tpu.memory_space<hbm>>) target_semaphore(%arg12 : memref<!tpu.dma_semaphore, #tpu.memory_space<semaphore_mem>>)
    %dma_wait3A_1111 = arith.constant 1 : i32
    %dma_wait3A_1112 = arith.constant 256 : i32
    %dma_wait3A_1113 = tpu.memref_slice %arg9[%dma_wait3A_1112] : memref<512xf32, #tpu.memory_space<vmem>> -> memref<256xf32, #tpu.memory_space<vmem>>
    %dma_wait3A_1114 = arith.constant 256 : i32
    %dma_wait3A_1115 = tpu.memref_slice %arg7[%dma_wait3A_1114] : memref<512xi32, #tpu.memory_space<vmem>> -> memref<256xi32, #tpu.memory_space<vmem>>
    %dma_wait3A_1116 = arith.constant 0 : i32
    %dma_wait3A_1117 = tpu.memref_slice %arg5[%dma_wait3A_1116] : memref<1000000xf32, #tpu.memory_space<hbm>> -> memref<1000000xf32, #tpu.memory_space<hbm>>
    %dma_wait3A_1118 = tpu.memref_slice %arg13[%dma_wait3A_1111] : memref<2x!tpu.dma_semaphore, #tpu.memory_space<semaphore_mem>> -> memref<1x!tpu.dma_semaphore, #tpu.memory_space<semaphore_mem>>
    %dma_wait3A_1119 = tpu.memref_squeeze %dma_wait3A_1118 : memref<1x!tpu.dma_semaphore, #tpu.memory_space<semaphore_mem>> -> memref<!tpu.dma_semaphore, #tpu.memory_space<semaphore_mem>>
    tpu.wait_indirect_dma semaphore(%dma_wait3A_1119 : memref<!tpu.dma_semaphore, #tpu.memory_space<semaphore_mem>>) src(%dma_wait3A_1117 : memref<1000000xf32, #tpu.memory_space<hbm>>) dst(%dma_wait3A_1113 : memref<256xf32, #tpu.memory_space<vmem>>)
    %dma_wait3A_1120 = arith.constant 1 : i32
    %dma_wait3A_1121 = arith.constant 256 : i32
    %dma_wait3A_1122 = tpu.memref_slice %arg10[%dma_wait3A_1121] : memref<512xf32, #tpu.memory_space<vmem>> -> memref<256xf32, #tpu.memory_space<vmem>>
    %dma_wait3A_1123 = arith.constant 256 : i32
    %dma_wait3A_1124 = tpu.memref_slice %arg7[%dma_wait3A_1123] : memref<512xi32, #tpu.memory_space<vmem>> -> memref<256xi32, #tpu.memory_space<vmem>>
    %dma_wait3A_1125 = arith.constant 0 : i32
    %dma_wait3A_1126 = tpu.memref_slice %arg4[%dma_wait3A_1125] : memref<1000000xf32, #tpu.memory_space<hbm>> -> memref<1000000xf32, #tpu.memory_space<hbm>>
    %dma_wait3A_1127 = tpu.memref_slice %arg13[%dma_wait3A_1120] : memref<2x!tpu.dma_semaphore, #tpu.memory_space<semaphore_mem>> -> memref<1x!tpu.dma_semaphore, #tpu.memory_space<semaphore_mem>>
    %dma_wait3A_1128 = tpu.memref_squeeze %dma_wait3A_1127 : memref<1x!tpu.dma_semaphore, #tpu.memory_space<semaphore_mem>> -> memref<!tpu.dma_semaphore, #tpu.memory_space<semaphore_mem>>
    tpu.wait_indirect_dma semaphore(%dma_wait3A_1128 : memref<!tpu.dma_semaphore, #tpu.memory_space<semaphore_mem>>) src(%dma_wait3A_1126 : memref<1000000xf32, #tpu.memory_space<hbm>>) dst(%dma_wait3A_1122 : memref<256xf32, #tpu.memory_space<vmem>>)
    %get3A_1129 = arith.constant 256 : index
    %get3A_1130 = tpu.vector_load %arg9[%get3A_1129] {strides = array<i32>} : memref<512xf32, #tpu.memory_space<vmem>>, vector<16xf32>,
    %get3A_1131 = vector.shape_cast %get3A_1130 : vector<16xf32> to vector<16xf32>
    %get3A_1132 = arith.constant 256 : index
    %get3A_1133 = tpu.vector_load %arg10[%get3A_1132] {strides = array<i32>} : memref<512xf32, #tpu.memory_space<vmem>>, vector<16xf32>,
    %get3A_1134 = vector.shape_cast %get3A_1133 : vector<16xf32> to vector<16xf32>
    %get3A_1135 = arith.constant 256 : index
    %get3A_1136 = tpu.vector_load %arg8[%get3A_1135] {strides = array<i32>} : memref<512xi32, #tpu.memory_space<vmem>>, vector<16xi32>,
    %get3A_1137 = vector.shape_cast %get3A_1136 : vector<16xi32> to vector<16xi32>
    %add3A_1138 = arith.constant 9.99999974E-6 : f32
    %add3A_1139 = vector.broadcast %add3A_1138 : f32 to vector<16xf32>
    %add3A_1140 = arith.addf %get3A_1134, %add3A_1139 : vector<16xf32>
    %bitcast_convert_type3A_1141 = tpu.bitcast %add3A_1140 : vector<16xf32> -> vector<16xi32>
    %shift_right_arithmetic3A_1142 = arith.constant 23 : i32
    %shift_right_arithmetic3A_1143 = vector.broadcast %shift_right_arithmetic3A_1142 : i32 to vector<16xi32>
    %shift_right_arithmetic3A_1144 = arith.shrsi %bitcast_convert_type3A_1141, %shift_right_arithmetic3A_1143 : vector<16xi32>
    %convert_element_type3A_1145 = arith.sitofp %shift_right_arithmetic3A_1144 : vector<16xi32> to vector<16xf32>
    %and3A_1146 = arith.constant 8388607 : i32
    %and3A_1147 = vector.broadcast %and3A_1146 : i32 to vector<16xi32>
    %and3A_1148 = arith.andi %bitcast_convert_type3A_1141, %and3A_1147 : vector<16xi32>
    %or3A_1149 = arith.constant 1065353216 : i32
    %or3A_1150 = vector.broadcast %or3A_1149 : i32 to vector<16xi32>
    %or3A_1151 = arith.ori %and3A_1148, %or3A_1150 : vector<16xi32>
    %bitcast_convert_type3A_1152 = tpu.bitcast %or3A_1151 : vector<16xi32> -> vector<16xf32>
    %sub3A_1153 = arith.constant 1.000000e+00 : f32
    %sub3A_1154 = vector.broadcast %sub3A_1153 : f32 to vector<16xf32>
    %sub3A_1155 = arith.subf %bitcast_convert_type3A_1152, %sub3A_1154 : vector<16xf32>
    %mul3A_1156 = arith.constant -0.117512941 : f32
    %mul3A_1157 = vector.broadcast %mul3A_1156 : f32 to vector<16xf32>
    %mul3A_1158 = arith.mulf %sub3A_1155, %mul3A_1157 : vector<16xf32>
    %add3A_1159 = arith.constant 0.451368868 : f32
    %add3A_1160 = vector.broadcast %add3A_1159 : f32 to vector<16xf32>
    %add3A_1161 = arith.addf %add3A_1160, %mul3A_1158 : vector<16xf32>
    %mul3A_1162 = arith.mulf %sub3A_1155, %add3A_1161 : vector<16xf32>
    %add3A_1163 = arith.constant -0.942601144 : f32
    %add3A_1164 = vector.broadcast %add3A_1163 : f32 to vector<16xf32>
    %add3A_1165 = arith.addf %add3A_1164, %mul3A_1162 : vector<16xf32>
    %mul3A_1166 = arith.mulf %sub3A_1155, %add3A_1165 : vector<16xf32>
    %add3A_1167 = arith.constant 1.99489772 : f32
    %add3A_1168 = vector.broadcast %add3A_1167 : f32 to vector<16xf32>
    %add3A_1169 = arith.addf %add3A_1168, %mul3A_1166 : vector<16xf32>
    %mul3A_1170 = arith.mulf %sub3A_1155, %add3A_1169 : vector<16xf32>
    %ne3A_1171 = arith.constant 0 : i32
    %ne3A_1172 = vector.broadcast %ne3A_1171 : i32 to vector<16xi32>
    %ne3A_1173 = arith.cmpi ne, %get3A_1137, %ne3A_1172 : vector<16xi32>
    %jit3A_1174 = arith.constant 1.000000e-01 : f32
    %jit3A_1175 = arith.constant 0.000000e+00 : f32
    %broadcast_in_dim3A_1176 = vector.broadcast %jit3A_1174 : f32 to vector<16xf32>
    %broadcast_in_dim3A_1177 = vector.broadcast %jit3A_1175 : f32 to vector<16xf32>
    %select_n3A_1178 = arith.select %ne3A_1173, %broadcast_in_dim3A_1176, %broadcast_in_dim3A_1177 : vector<16xi1>, vector<16xf32>
    %mul3A_1179 = arith.constant 1.000000e+02 : f32
    %mul3A_1180 = vector.broadcast %mul3A_1179 : f32 to vector<16xf32>
    %mul3A_1181 = arith.mulf %mul3A_1180, %get3A_1131 : vector<16xf32>
    %add3A_1182 = arith.constant 176.059387 : f32
    %add3A_1183 = vector.broadcast %add3A_1182 : f32 to vector<16xf32>
    %add3A_1184 = arith.addf %mul3A_1181, %add3A_1183 : vector<16xf32>
    %sub3A_1185 = arith.subf %add3A_1184, %select_n3A_1178 : vector<16xf32>
    %mul3A_1186 = arith.constant 1.38629436 : f32
    %mul3A_1187 = vector.broadcast %mul3A_1186 : f32 to vector<16xf32>
    %mul3A_1188 = arith.mulf %convert_element_type3A_1145, %mul3A_1187 : vector<16xf32>
    %sub3A_1189 = arith.subf %sub3A_1185, %mul3A_1188 : vector<16xf32>
    %sub3A_1190 = arith.subf %sub3A_1189, %mul3A_1170 : vector<16xf32>
    %swap3A_1191 = arith.constant 256 : index
    %swap3A_1192 = tpu.vector_load %arg10[%swap3A_1191] {strides = array<i32>} : memref<512xf32, #tpu.memory_space<vmem>>, vector<16xf32>,
    %swap3A_1193 = vector.shape_cast %swap3A_1192 : vector<16xf32> to vector<16xf32>
    %swap3A_1194 = vector.shape_cast %sub3A_1190 : vector<16xf32> to vector<16xf32>
    tpu.vector_store %arg10[%swap3A_1191], %swap3A_1194 {strides = array<i32>} : memref<512xf32, #tpu.memory_space<vmem>>, vector<16xf32>,
    %get3A_1195 = arith.constant 272 : index
    %get3A_1196 = tpu.vector_load %arg9[%get3A_1195] {strides = array<i32>} : memref<512xf32, #tpu.memory_space<vmem>>, vector<16xf32>,
    %get3A_1197 = vector.shape_cast %get3A_1196 : vector<16xf32> to vector<16xf32>
    %get3A_1198 = arith.constant 272 : index
    %get3A_1199 = tpu.vector_load %arg10[%get3A_1198] {strides = array<i32>} : memref<512xf32, #tpu.memory_space<vmem>>, vector<16xf32>,
    %get3A_1200 = vector.shape_cast %get3A_1199 : vector<16xf32> to vector<16xf32>
    %get3A_1201 = arith.constant 272 : index
    %get3A_1202 = tpu.vector_load %arg8[%get3A_1201] {strides = array<i32>} : memref<512xi32, #tpu.memory_space<vmem>>, vector<16xi32>,
    %get3A_1203 = vector.shape_cast %get3A_1202 : vector<16xi32> to vector<16xi32>
    %add3A_1204 = arith.constant 9.99999974E-6 : f32
    %add3A_1205 = vector.broadcast %add3A_1204 : f32 to vector<16xf32>
    %add3A_1206 = arith.addf %get3A_1200, %add3A_1205 : vector<16xf32>
    %bitcast_convert_type3A_1207 = tpu.bitcast %add3A_1206 : vector<16xf32> -> vector<16xi32>
    %shift_right_arithmetic3A_1208 = arith.constant 23 : i32
    %shift_right_arithmetic3A_1209 = vector.broadcast %shift_right_arithmetic3A_1208 : i32 to vector<16xi32>
    %shift_right_arithmetic3A_1210 = arith.shrsi %bitcast_convert_type3A_1207, %shift_right_arithmetic3A_1209 : vector<16xi32>
    %convert_element_type3A_1211 = arith.sitofp %shift_right_arithmetic3A_1210 : vector<16xi32> to vector<16xf32>
    %and3A_1212 = arith.constant 8388607 : i32
    %and3A_1213 = vector.broadcast %and3A_1212 : i32 to vector<16xi32>
    %and3A_1214 = arith.andi %bitcast_convert_type3A_1207, %and3A_1213 : vector<16xi32>
    %or3A_1215 = arith.constant 1065353216 : i32
    %or3A_1216 = vector.broadcast %or3A_1215 : i32 to vector<16xi32>
    %or3A_1217 = arith.ori %and3A_1214, %or3A_1216 : vector<16xi32>
    %bitcast_convert_type3A_1218 = tpu.bitcast %or3A_1217 : vector<16xi32> -> vector<16xf32>
    %sub3A_1219 = arith.constant 1.000000e+00 : f32
    %sub3A_1220 = vector.broadcast %sub3A_1219 : f32 to vector<16xf32>
    %sub3A_1221 = arith.subf %bitcast_convert_type3A_1218, %sub3A_1220 : vector<16xf32>
    %mul3A_1222 = arith.constant -0.117512941 : f32
    %mul3A_1223 = vector.broadcast %mul3A_1222 : f32 to vector<16xf32>
    %mul3A_1224 = arith.mulf %sub3A_1221, %mul3A_1223 : vector<16xf32>
    %add3A_1225 = arith.constant 0.451368868 : f32
    %add3A_1226 = vector.broadcast %add3A_1225 : f32 to vector<16xf32>
    %add3A_1227 = arith.addf %add3A_1226, %mul3A_1224 : vector<16xf32>
    %mul3A_1228 = arith.mulf %sub3A_1221, %add3A_1227 : vector<16xf32>
    %add3A_1229 = arith.constant -0.942601144 : f32
    %add3A_1230 = vector.broadcast %add3A_1229 : f32 to vector<16xf32>
    %add3A_1231 = arith.addf %add3A_1230, %mul3A_1228 : vector<16xf32>
    %mul3A_1232 = arith.mulf %sub3A_1221, %add3A_1231 : vector<16xf32>
    %add3A_1233 = arith.constant 1.99489772 : f32
    %add3A_1234 = vector.broadcast %add3A_1233 : f32 to vector<16xf32>
    %add3A_1235 = arith.addf %add3A_1234, %mul3A_1232 : vector<16xf32>
    %mul3A_1236 = arith.mulf %sub3A_1221, %add3A_1235 : vector<16xf32>
    %ne3A_1237 = arith.constant 0 : i32
    %ne3A_1238 = vector.broadcast %ne3A_1237 : i32 to vector<16xi32>
    %ne3A_1239 = arith.cmpi ne, %get3A_1203, %ne3A_1238 : vector<16xi32>
    %jit3A_1240 = arith.constant 1.000000e-01 : f32
    %jit3A_1241 = arith.constant 0.000000e+00 : f32
    %broadcast_in_dim3A_1242 = vector.broadcast %jit3A_1240 : f32 to vector<16xf32>
    %broadcast_in_dim3A_1243 = vector.broadcast %jit3A_1241 : f32 to vector<16xf32>
    %select_n3A_1244 = arith.select %ne3A_1239, %broadcast_in_dim3A_1242, %broadcast_in_dim3A_1243 : vector<16xi1>, vector<16xf32>
    %mul3A_1245 = arith.constant 1.000000e+02 : f32
    %mul3A_1246 = vector.broadcast %mul3A_1245 : f32 to vector<16xf32>
    %mul3A_1247 = arith.mulf %mul3A_1246, %get3A_1197 : vector<16xf32>
    %add3A_1248 = arith.constant 176.059387 : f32
    %add3A_1249 = vector.broadcast %add3A_1248 : f32 to vector<16xf32>
    %add3A_1250 = arith.addf %mul3A_1247, %add3A_1249 : vector<16xf32>
    %sub3A_1251 = arith.subf %add3A_1250, %select_n3A_1244 : vector<16xf32>
    %mul3A_1252 = arith.constant 1.38629436 : f32
    %mul3A_1253 = vector.broadcast %mul3A_1252 : f32 to vector<16xf32>
    %mul3A_1254 = arith.mulf %convert_element_type3A_1211, %mul3A_1253 : vector<16xf32>
    %sub3A_1255 = arith.subf %sub3A_1251, %mul3A_1254 : vector<16xf32>
    %sub3A_1256 = arith.subf %sub3A_1255, %mul3A_1236 : vector<16xf32>
    %swap3A_1257 = arith.constant 272 : index
    %swap3A_1258 = tpu.vector_load %arg10[%swap3A_1257] {strides = array<i32>} : memref<512xf32, #tpu.memory_space<vmem>>, vector<16xf32>,
    %swap3A_1259 = vector.shape_cast %swap3A_1258 : vector<16xf32> to vector<16xf32>
    %swap3A_1260 = vector.shape_cast %sub3A_1256 : vector<16xf32> to vector<16xf32>
    tpu.vector_store %arg10[%swap3A_1257], %swap3A_1260 {strides = array<i32>} : memref<512xf32, #tpu.memory_space<vmem>>, vector<16xf32>,
    %get3A_1261 = arith.constant 288 : index
    %get3A_1262 = tpu.vector_load %arg9[%get3A_1261] {strides = array<i32>} : memref<512xf32, #tpu.memory_space<vmem>>, vector<16xf32>,
    %get3A_1263 = vector.shape_cast %get3A_1262 : vector<16xf32> to vector<16xf32>
    %get3A_1264 = arith.constant 288 : index
    %get3A_1265 = tpu.vector_load %arg10[%get3A_1264] {strides = array<i32>} : memref<512xf32, #tpu.memory_space<vmem>>, vector<16xf32>,
    %get3A_1266 = vector.shape_cast %get3A_1265 : vector<16xf32> to vector<16xf32>
    %get3A_1267 = arith.constant 288 : index
    %get3A_1268 = tpu.vector_load %arg8[%get3A_1267] {strides = array<i32>} : memref<512xi32, #tpu.memory_space<vmem>>, vector<16xi32>,
    %get3A_1269 = vector.shape_cast %get3A_1268 : vector<16xi32> to vector<16xi32>
    %add3A_1270 = arith.constant 9.99999974E-6 : f32
    %add3A_1271 = vector.broadcast %add3A_1270 : f32 to vector<16xf32>
    %add3A_1272 = arith.addf %get3A_1266, %add3A_1271 : vector<16xf32>
    %bitcast_convert_type3A_1273 = tpu.bitcast %add3A_1272 : vector<16xf32> -> vector<16xi32>
    %shift_right_arithmetic3A_1274 = arith.constant 23 : i32
    %shift_right_arithmetic3A_1275 = vector.broadcast %shift_right_arithmetic3A_1274 : i32 to vector<16xi32>
    %shift_right_arithmetic3A_1276 = arith.shrsi %bitcast_convert_type3A_1273, %shift_right_arithmetic3A_1275 : vector<16xi32>
    %convert_element_type3A_1277 = arith.sitofp %shift_right_arithmetic3A_1276 : vector<16xi32> to vector<16xf32>
    %and3A_1278 = arith.constant 8388607 : i32
    %and3A_1279 = vector.broadcast %and3A_1278 : i32 to vector<16xi32>
    %and3A_1280 = arith.andi %bitcast_convert_type3A_1273, %and3A_1279 : vector<16xi32>
    %or3A_1281 = arith.constant 1065353216 : i32
    %or3A_1282 = vector.broadcast %or3A_1281 : i32 to vector<16xi32>
    %or3A_1283 = arith.ori %and3A_1280, %or3A_1282 : vector<16xi32>
    %bitcast_convert_type3A_1284 = tpu.bitcast %or3A_1283 : vector<16xi32> -> vector<16xf32>
    %sub3A_1285 = arith.constant 1.000000e+00 : f32
    %sub3A_1286 = vector.broadcast %sub3A_1285 : f32 to vector<16xf32>
    %sub3A_1287 = arith.subf %bitcast_convert_type3A_1284, %sub3A_1286 : vector<16xf32>
    %mul3A_1288 = arith.constant -0.117512941 : f32
    %mul3A_1289 = vector.broadcast %mul3A_1288 : f32 to vector<16xf32>
    %mul3A_1290 = arith.mulf %sub3A_1287, %mul3A_1289 : vector<16xf32>
    %add3A_1291 = arith.constant 0.451368868 : f32
    %add3A_1292 = vector.broadcast %add3A_1291 : f32 to vector<16xf32>
    %add3A_1293 = arith.addf %add3A_1292, %mul3A_1290 : vector<16xf32>
    %mul3A_1294 = arith.mulf %sub3A_1287, %add3A_1293 : vector<16xf32>
    %add3A_1295 = arith.constant -0.942601144 : f32
    %add3A_1296 = vector.broadcast %add3A_1295 : f32 to vector<16xf32>
    %add3A_1297 = arith.addf %add3A_1296, %mul3A_1294 : vector<16xf32>
    %mul3A_1298 = arith.mulf %sub3A_1287, %add3A_1297 : vector<16xf32>
    %add3A_1299 = arith.constant 1.99489772 : f32
    %add3A_1300 = vector.broadcast %add3A_1299 : f32 to vector<16xf32>
    %add3A_1301 = arith.addf %add3A_1300, %mul3A_1298 : vector<16xf32>
    %mul3A_1302 = arith.mulf %sub3A_1287, %add3A_1301 : vector<16xf32>
    %ne3A_1303 = arith.constant 0 : i32
    %ne3A_1304 = vector.broadcast %ne3A_1303 : i32 to vector<16xi32>
    %ne3A_1305 = arith.cmpi ne, %get3A_1269, %ne3A_1304 : vector<16xi32>
    %jit3A_1306 = arith.constant 1.000000e-01 : f32
    %jit3A_1307 = arith.constant 0.000000e+00 : f32
    %broadcast_in_dim3A_1308 = vector.broadcast %jit3A_1306 : f32 to vector<16xf32>
    %broadcast_in_dim3A_1309 = vector.broadcast %jit3A_1307 : f32 to vector<16xf32>
    %select_n3A_1310 = arith.select %ne3A_1305, %broadcast_in_dim3A_1308, %broadcast_in_dim3A_1309 : vector<16xi1>, vector<16xf32>
    %mul3A_1311 = arith.constant 1.000000e+02 : f32
    %mul3A_1312 = vector.broadcast %mul3A_1311 : f32 to vector<16xf32>
    %mul3A_1313 = arith.mulf %mul3A_1312, %get3A_1263 : vector<16xf32>
    %add3A_1314 = arith.constant 176.059387 : f32
    %add3A_1315 = vector.broadcast %add3A_1314 : f32 to vector<16xf32>
    %add3A_1316 = arith.addf %mul3A_1313, %add3A_1315 : vector<16xf32>
    %sub3A_1317 = arith.subf %add3A_1316, %select_n3A_1310 : vector<16xf32>
    %mul3A_1318 = arith.constant 1.38629436 : f32
    %mul3A_1319 = vector.broadcast %mul3A_1318 : f32 to vector<16xf32>
    %mul3A_1320 = arith.mulf %convert_element_type3A_1277, %mul3A_1319 : vector<16xf32>
    %sub3A_1321 = arith.subf %sub3A_1317, %mul3A_1320 : vector<16xf32>
    %sub3A_1322 = arith.subf %sub3A_1321, %mul3A_1302 : vector<16xf32>
    %swap3A_1323 = arith.constant 288 : index
    %swap3A_1324 = tpu.vector_load %arg10[%swap3A_1323] {strides = array<i32>} : memref<512xf32, #tpu.memory_space<vmem>>, vector<16xf32>,
    %swap3A_1325 = vector.shape_cast %swap3A_1324 : vector<16xf32> to vector<16xf32>
    %swap3A_1326 = vector.shape_cast %sub3A_1322 : vector<16xf32> to vector<16xf32>
    tpu.vector_store %arg10[%swap3A_1323], %swap3A_1326 {strides = array<i32>} : memref<512xf32, #tpu.memory_space<vmem>>, vector<16xf32>,
    %get3A_1327 = arith.constant 304 : index
    %get3A_1328 = tpu.vector_load %arg9[%get3A_1327] {strides = array<i32>} : memref<512xf32, #tpu.memory_space<vmem>>, vector<16xf32>,
    %get3A_1329 = vector.shape_cast %get3A_1328 : vector<16xf32> to vector<16xf32>
    %get3A_1330 = arith.constant 304 : index
    %get3A_1331 = tpu.vector_load %arg10[%get3A_1330] {strides = array<i32>} : memref<512xf32, #tpu.memory_space<vmem>>, vector<16xf32>,
    %get3A_1332 = vector.shape_cast %get3A_1331 : vector<16xf32> to vector<16xf32>
    %get3A_1333 = arith.constant 304 : index
    %get3A_1334 = tpu.vector_load %arg8[%get3A_1333] {strides = array<i32>} : memref<512xi32, #tpu.memory_space<vmem>>, vector<16xi32>,
    %get3A_1335 = vector.shape_cast %get3A_1334 : vector<16xi32> to vector<16xi32>
    %add3A_1336 = arith.constant 9.99999974E-6 : f32
    %add3A_1337 = vector.broadcast %add3A_1336 : f32 to vector<16xf32>
    %add3A_1338 = arith.addf %get3A_1332, %add3A_1337 : vector<16xf32>
    %bitcast_convert_type3A_1339 = tpu.bitcast %add3A_1338 : vector<16xf32> -> vector<16xi32>
    %shift_right_arithmetic3A_1340 = arith.constant 23 : i32
    %shift_right_arithmetic3A_1341 = vector.broadcast %shift_right_arithmetic3A_1340 : i32 to vector<16xi32>
    %shift_right_arithmetic3A_1342 = arith.shrsi %bitcast_convert_type3A_1339, %shift_right_arithmetic3A_1341 : vector<16xi32>
    %convert_element_type3A_1343 = arith.sitofp %shift_right_arithmetic3A_1342 : vector<16xi32> to vector<16xf32>
    %and3A_1344 = arith.constant 8388607 : i32
    %and3A_1345 = vector.broadcast %and3A_1344 : i32 to vector<16xi32>
    %and3A_1346 = arith.andi %bitcast_convert_type3A_1339, %and3A_1345 : vector<16xi32>
    %or3A_1347 = arith.constant 1065353216 : i32
    %or3A_1348 = vector.broadcast %or3A_1347 : i32 to vector<16xi32>
    %or3A_1349 = arith.ori %and3A_1346, %or3A_1348 : vector<16xi32>
    %bitcast_convert_type3A_1350 = tpu.bitcast %or3A_1349 : vector<16xi32> -> vector<16xf32>
    %sub3A_1351 = arith.constant 1.000000e+00 : f32
    %sub3A_1352 = vector.broadcast %sub3A_1351 : f32 to vector<16xf32>
    %sub3A_1353 = arith.subf %bitcast_convert_type3A_1350, %sub3A_1352 : vector<16xf32>
    %mul3A_1354 = arith.constant -0.117512941 : f32
    %mul3A_1355 = vector.broadcast %mul3A_1354 : f32 to vector<16xf32>
    %mul3A_1356 = arith.mulf %sub3A_1353, %mul3A_1355 : vector<16xf32>
    %add3A_1357 = arith.constant 0.451368868 : f32
    %add3A_1358 = vector.broadcast %add3A_1357 : f32 to vector<16xf32>
    %add3A_1359 = arith.addf %add3A_1358, %mul3A_1356 : vector<16xf32>
    %mul3A_1360 = arith.mulf %sub3A_1353, %add3A_1359 : vector<16xf32>
    %add3A_1361 = arith.constant -0.942601144 : f32
    %add3A_1362 = vector.broadcast %add3A_1361 : f32 to vector<16xf32>
    %add3A_1363 = arith.addf %add3A_1362, %mul3A_1360 : vector<16xf32>
    %mul3A_1364 = arith.mulf %sub3A_1353, %add3A_1363 : vector<16xf32>
    %add3A_1365 = arith.constant 1.99489772 : f32
    %add3A_1366 = vector.broadcast %add3A_1365 : f32 to vector<16xf32>
    %add3A_1367 = arith.addf %add3A_1366, %mul3A_1364 : vector<16xf32>
    %mul3A_1368 = arith.mulf %sub3A_1353, %add3A_1367 : vector<16xf32>
    %ne3A_1369 = arith.constant 0 : i32
    %ne3A_1370 = vector.broadcast %ne3A_1369 : i32 to vector<16xi32>
    %ne3A_1371 = arith.cmpi ne, %get3A_1335, %ne3A_1370 : vector<16xi32>
    %jit3A_1372 = arith.constant 1.000000e-01 : f32
    %jit3A_1373 = arith.constant 0.000000e+00 : f32
    %broadcast_in_dim3A_1374 = vector.broadcast %jit3A_1372 : f32 to vector<16xf32>
    %broadcast_in_dim3A_1375 = vector.broadcast %jit3A_1373 : f32 to vector<16xf32>
    %select_n3A_1376 = arith.select %ne3A_1371, %broadcast_in_dim3A_1374, %broadcast_in_dim3A_1375 : vector<16xi1>, vector<16xf32>
    %mul3A_1377 = arith.constant 1.000000e+02 : f32
    %mul3A_1378 = vector.broadcast %mul3A_1377 : f32 to vector<16xf32>
    %mul3A_1379 = arith.mulf %mul3A_1378, %get3A_1329 : vector<16xf32>
    %add3A_1380 = arith.constant 176.059387 : f32
    %add3A_1381 = vector.broadcast %add3A_1380 : f32 to vector<16xf32>
    %add3A_1382 = arith.addf %mul3A_1379, %add3A_1381 : vector<16xf32>
    %sub3A_1383 = arith.subf %add3A_1382, %select_n3A_1376 : vector<16xf32>
    %mul3A_1384 = arith.constant 1.38629436 : f32
    %mul3A_1385 = vector.broadcast %mul3A_1384 : f32 to vector<16xf32>
    %mul3A_1386 = arith.mulf %convert_element_type3A_1343, %mul3A_1385 : vector<16xf32>
    %sub3A_1387 = arith.subf %sub3A_1383, %mul3A_1386 : vector<16xf32>
    %sub3A_1388 = arith.subf %sub3A_1387, %mul3A_1368 : vector<16xf32>
    %swap3A_1389 = arith.constant 304 : index
    %swap3A_1390 = tpu.vector_load %arg10[%swap3A_1389] {strides = array<i32>} : memref<512xf32, #tpu.memory_space<vmem>>, vector<16xf32>,
    %swap3A_1391 = vector.shape_cast %swap3A_1390 : vector<16xf32> to vector<16xf32>
    %swap3A_1392 = vector.shape_cast %sub3A_1388 : vector<16xf32> to vector<16xf32>
    tpu.vector_store %arg10[%swap3A_1389], %swap3A_1392 {strides = array<i32>} : memref<512xf32, #tpu.memory_space<vmem>>, vector<16xf32>,
    %get3A_1393 = arith.constant 320 : index
    %get3A_1394 = tpu.vector_load %arg9[%get3A_1393] {strides = array<i32>} : memref<512xf32, #tpu.memory_space<vmem>>, vector<16xf32>,
    %get3A_1395 = vector.shape_cast %get3A_1394 : vector<16xf32> to vector<16xf32>
    %get3A_1396 = arith.constant 320 : index
    %get3A_1397 = tpu.vector_load %arg10[%get3A_1396] {strides = array<i32>} : memref<512xf32, #tpu.memory_space<vmem>>, vector<16xf32>,
    %get3A_1398 = vector.shape_cast %get3A_1397 : vector<16xf32> to vector<16xf32>
    %get3A_1399 = arith.constant 320 : index
    %get3A_1400 = tpu.vector_load %arg8[%get3A_1399] {strides = array<i32>} : memref<512xi32, #tpu.memory_space<vmem>>, vector<16xi32>,
    %get3A_1401 = vector.shape_cast %get3A_1400 : vector<16xi32> to vector<16xi32>
    %add3A_1402 = arith.constant 9.99999974E-6 : f32
    %add3A_1403 = vector.broadcast %add3A_1402 : f32 to vector<16xf32>
    %add3A_1404 = arith.addf %get3A_1398, %add3A_1403 : vector<16xf32>
    %bitcast_convert_type3A_1405 = tpu.bitcast %add3A_1404 : vector<16xf32> -> vector<16xi32>
    %shift_right_arithmetic3A_1406 = arith.constant 23 : i32
    %shift_right_arithmetic3A_1407 = vector.broadcast %shift_right_arithmetic3A_1406 : i32 to vector<16xi32>
    %shift_right_arithmetic3A_1408 = arith.shrsi %bitcast_convert_type3A_1405, %shift_right_arithmetic3A_1407 : vector<16xi32>
    %convert_element_type3A_1409 = arith.sitofp %shift_right_arithmetic3A_1408 : vector<16xi32> to vector<16xf32>
    %and3A_1410 = arith.constant 8388607 : i32
    %and3A_1411 = vector.broadcast %and3A_1410 : i32 to vector<16xi32>
    %and3A_1412 = arith.andi %bitcast_convert_type3A_1405, %and3A_1411 : vector<16xi32>
    %or3A_1413 = arith.constant 1065353216 : i32
    %or3A_1414 = vector.broadcast %or3A_1413 : i32 to vector<16xi32>
    %or3A_1415 = arith.ori %and3A_1412, %or3A_1414 : vector<16xi32>
    %bitcast_convert_type3A_1416 = tpu.bitcast %or3A_1415 : vector<16xi32> -> vector<16xf32>
    %sub3A_1417 = arith.constant 1.000000e+00 : f32
    %sub3A_1418 = vector.broadcast %sub3A_1417 : f32 to vector<16xf32>
    %sub3A_1419 = arith.subf %bitcast_convert_type3A_1416, %sub3A_1418 : vector<16xf32>
    %mul3A_1420 = arith.constant -0.117512941 : f32
    %mul3A_1421 = vector.broadcast %mul3A_1420 : f32 to vector<16xf32>
    %mul3A_1422 = arith.mulf %sub3A_1419, %mul3A_1421 : vector<16xf32>
    %add3A_1423 = arith.constant 0.451368868 : f32
    %add3A_1424 = vector.broadcast %add3A_1423 : f32 to vector<16xf32>
    %add3A_1425 = arith.addf %add3A_1424, %mul3A_1422 : vector<16xf32>
    %mul3A_1426 = arith.mulf %sub3A_1419, %add3A_1425 : vector<16xf32>
    %add3A_1427 = arith.constant -0.942601144 : f32
    %add3A_1428 = vector.broadcast %add3A_1427 : f32 to vector<16xf32>
    %add3A_1429 = arith.addf %add3A_1428, %mul3A_1426 : vector<16xf32>
    %mul3A_1430 = arith.mulf %sub3A_1419, %add3A_1429 : vector<16xf32>
    %add3A_1431 = arith.constant 1.99489772 : f32
    %add3A_1432 = vector.broadcast %add3A_1431 : f32 to vector<16xf32>
    %add3A_1433 = arith.addf %add3A_1432, %mul3A_1430 : vector<16xf32>
    %mul3A_1434 = arith.mulf %sub3A_1419, %add3A_1433 : vector<16xf32>
    %ne3A_1435 = arith.constant 0 : i32
    %ne3A_1436 = vector.broadcast %ne3A_1435 : i32 to vector<16xi32>
    %ne3A_1437 = arith.cmpi ne, %get3A_1401, %ne3A_1436 : vector<16xi32>
    %jit3A_1438 = arith.constant 1.000000e-01 : f32
    %jit3A_1439 = arith.constant 0.000000e+00 : f32
    %broadcast_in_dim3A_1440 = vector.broadcast %jit3A_1438 : f32 to vector<16xf32>
    %broadcast_in_dim3A_1441 = vector.broadcast %jit3A_1439 : f32 to vector<16xf32>
    %select_n3A_1442 = arith.select %ne3A_1437, %broadcast_in_dim3A_1440, %broadcast_in_dim3A_1441 : vector<16xi1>, vector<16xf32>
    %mul3A_1443 = arith.constant 1.000000e+02 : f32
    %mul3A_1444 = vector.broadcast %mul3A_1443 : f32 to vector<16xf32>
    %mul3A_1445 = arith.mulf %mul3A_1444, %get3A_1395 : vector<16xf32>
    %add3A_1446 = arith.constant 176.059387 : f32
    %add3A_1447 = vector.broadcast %add3A_1446 : f32 to vector<16xf32>
    %add3A_1448 = arith.addf %mul3A_1445, %add3A_1447 : vector<16xf32>
    %sub3A_1449 = arith.subf %add3A_1448, %select_n3A_1442 : vector<16xf32>
    %mul3A_1450 = arith.constant 1.38629436 : f32
    %mul3A_1451 = vector.broadcast %mul3A_1450 : f32 to vector<16xf32>
    %mul3A_1452 = arith.mulf %convert_element_type3A_1409, %mul3A_1451 : vector<16xf32>
    %sub3A_1453 = arith.subf %sub3A_1449, %mul3A_1452 : vector<16xf32>
    %sub3A_1454 = arith.subf %sub3A_1453, %mul3A_1434 : vector<16xf32>
    %swap3A_1455 = arith.constant 320 : index
    %swap3A_1456 = tpu.vector_load %arg10[%swap3A_1455] {strides = array<i32>} : memref<512xf32, #tpu.memory_space<vmem>>, vector<16xf32>,
    %swap3A_1457 = vector.shape_cast %swap3A_1456 : vector<16xf32> to vector<16xf32>
    %swap3A_1458 = vector.shape_cast %sub3A_1454 : vector<16xf32> to vector<16xf32>
    tpu.vector_store %arg10[%swap3A_1455], %swap3A_1458 {strides = array<i32>} : memref<512xf32, #tpu.memory_space<vmem>>, vector<16xf32>,
    %get3A_1459 = arith.constant 336 : index
    %get3A_1460 = tpu.vector_load %arg9[%get3A_1459] {strides = array<i32>} : memref<512xf32, #tpu.memory_space<vmem>>, vector<16xf32>,
    %get3A_1461 = vector.shape_cast %get3A_1460 : vector<16xf32> to vector<16xf32>
    %get3A_1462 = arith.constant 336 : index
    %get3A_1463 = tpu.vector_load %arg10[%get3A_1462] {strides = array<i32>} : memref<512xf32, #tpu.memory_space<vmem>>, vector<16xf32>,
    %get3A_1464 = vector.shape_cast %get3A_1463 : vector<16xf32> to vector<16xf32>
    %get3A_1465 = arith.constant 336 : index
    %get3A_1466 = tpu.vector_load %arg8[%get3A_1465] {strides = array<i32>} : memref<512xi32, #tpu.memory_space<vmem>>, vector<16xi32>,
    %get3A_1467 = vector.shape_cast %get3A_1466 : vector<16xi32> to vector<16xi32>
    %add3A_1468 = arith.constant 9.99999974E-6 : f32
    %add3A_1469 = vector.broadcast %add3A_1468 : f32 to vector<16xf32>
    %add3A_1470 = arith.addf %get3A_1464, %add3A_1469 : vector<16xf32>
    %bitcast_convert_type3A_1471 = tpu.bitcast %add3A_1470 : vector<16xf32> -> vector<16xi32>
    %shift_right_arithmetic3A_1472 = arith.constant 23 : i32
    %shift_right_arithmetic3A_1473 = vector.broadcast %shift_right_arithmetic3A_1472 : i32 to vector<16xi32>
    %shift_right_arithmetic3A_1474 = arith.shrsi %bitcast_convert_type3A_1471, %shift_right_arithmetic3A_1473 : vector<16xi32>
    %convert_element_type3A_1475 = arith.sitofp %shift_right_arithmetic3A_1474 : vector<16xi32> to vector<16xf32>
    %and3A_1476 = arith.constant 8388607 : i32
    %and3A_1477 = vector.broadcast %and3A_1476 : i32 to vector<16xi32>
    %and3A_1478 = arith.andi %bitcast_convert_type3A_1471, %and3A_1477 : vector<16xi32>
    %or3A_1479 = arith.constant 1065353216 : i32
    %or3A_1480 = vector.broadcast %or3A_1479 : i32 to vector<16xi32>
    %or3A_1481 = arith.ori %and3A_1478, %or3A_1480 : vector<16xi32>
    %bitcast_convert_type3A_1482 = tpu.bitcast %or3A_1481 : vector<16xi32> -> vector<16xf32>
    %sub3A_1483 = arith.constant 1.000000e+00 : f32
    %sub3A_1484 = vector.broadcast %sub3A_1483 : f32 to vector<16xf32>
    %sub3A_1485 = arith.subf %bitcast_convert_type3A_1482, %sub3A_1484 : vector<16xf32>
    %mul3A_1486 = arith.constant -0.117512941 : f32
    %mul3A_1487 = vector.broadcast %mul3A_1486 : f32 to vector<16xf32>
    %mul3A_1488 = arith.mulf %sub3A_1485, %mul3A_1487 : vector<16xf32>
    %add3A_1489 = arith.constant 0.451368868 : f32
    %add3A_1490 = vector.broadcast %add3A_1489 : f32 to vector<16xf32>
    %add3A_1491 = arith.addf %add3A_1490, %mul3A_1488 : vector<16xf32>
    %mul3A_1492 = arith.mulf %sub3A_1485, %add3A_1491 : vector<16xf32>
    %add3A_1493 = arith.constant -0.942601144 : f32
    %add3A_1494 = vector.broadcast %add3A_1493 : f32 to vector<16xf32>
    %add3A_1495 = arith.addf %add3A_1494, %mul3A_1492 : vector<16xf32>
    %mul3A_1496 = arith.mulf %sub3A_1485, %add3A_1495 : vector<16xf32>
    %add3A_1497 = arith.constant 1.99489772 : f32
    %add3A_1498 = vector.broadcast %add3A_1497 : f32 to vector<16xf32>
    %add3A_1499 = arith.addf %add3A_1498, %mul3A_1496 : vector<16xf32>
    %mul3A_1500 = arith.mulf %sub3A_1485, %add3A_1499 : vector<16xf32>
    %ne3A_1501 = arith.constant 0 : i32
    %ne3A_1502 = vector.broadcast %ne3A_1501 : i32 to vector<16xi32>
    %ne3A_1503 = arith.cmpi ne, %get3A_1467, %ne3A_1502 : vector<16xi32>
    %jit3A_1504 = arith.constant 1.000000e-01 : f32
    %jit3A_1505 = arith.constant 0.000000e+00 : f32
    %broadcast_in_dim3A_1506 = vector.broadcast %jit3A_1504 : f32 to vector<16xf32>
    %broadcast_in_dim3A_1507 = vector.broadcast %jit3A_1505 : f32 to vector<16xf32>
    %select_n3A_1508 = arith.select %ne3A_1503, %broadcast_in_dim3A_1506, %broadcast_in_dim3A_1507 : vector<16xi1>, vector<16xf32>
    %mul3A_1509 = arith.constant 1.000000e+02 : f32
    %mul3A_1510 = vector.broadcast %mul3A_1509 : f32 to vector<16xf32>
    %mul3A_1511 = arith.mulf %mul3A_1510, %get3A_1461 : vector<16xf32>
    %add3A_1512 = arith.constant 176.059387 : f32
    %add3A_1513 = vector.broadcast %add3A_1512 : f32 to vector<16xf32>
    %add3A_1514 = arith.addf %mul3A_1511, %add3A_1513 : vector<16xf32>
    %sub3A_1515 = arith.subf %add3A_1514, %select_n3A_1508 : vector<16xf32>
    %mul3A_1516 = arith.constant 1.38629436 : f32
    %mul3A_1517 = vector.broadcast %mul3A_1516 : f32 to vector<16xf32>
    %mul3A_1518 = arith.mulf %convert_element_type3A_1475, %mul3A_1517 : vector<16xf32>
    %sub3A_1519 = arith.subf %sub3A_1515, %mul3A_1518 : vector<16xf32>
    %sub3A_1520 = arith.subf %sub3A_1519, %mul3A_1500 : vector<16xf32>
    %swap3A_1521 = arith.constant 336 : index
    %swap3A_1522 = tpu.vector_load %arg10[%swap3A_1521] {strides = array<i32>} : memref<512xf32, #tpu.memory_space<vmem>>, vector<16xf32>,
    %swap3A_1523 = vector.shape_cast %swap3A_1522 : vector<16xf32> to vector<16xf32>
    %swap3A_1524 = vector.shape_cast %sub3A_1520 : vector<16xf32> to vector<16xf32>
    tpu.vector_store %arg10[%swap3A_1521], %swap3A_1524 {strides = array<i32>} : memref<512xf32, #tpu.memory_space<vmem>>, vector<16xf32>,
    %get3A_1525 = arith.constant 352 : index
    %get3A_1526 = tpu.vector_load %arg9[%get3A_1525] {strides = array<i32>} : memref<512xf32, #tpu.memory_space<vmem>>, vector<16xf32>,
    %get3A_1527 = vector.shape_cast %get3A_1526 : vector<16xf32> to vector<16xf32>
    %get3A_1528 = arith.constant 352 : index
    %get3A_1529 = tpu.vector_load %arg10[%get3A_1528] {strides = array<i32>} : memref<512xf32, #tpu.memory_space<vmem>>, vector<16xf32>,
    %get3A_1530 = vector.shape_cast %get3A_1529 : vector<16xf32> to vector<16xf32>
    %get3A_1531 = arith.constant 352 : index
    %get3A_1532 = tpu.vector_load %arg8[%get3A_1531] {strides = array<i32>} : memref<512xi32, #tpu.memory_space<vmem>>, vector<16xi32>,
    %get3A_1533 = vector.shape_cast %get3A_1532 : vector<16xi32> to vector<16xi32>
    %add3A_1534 = arith.constant 9.99999974E-6 : f32
    %add3A_1535 = vector.broadcast %add3A_1534 : f32 to vector<16xf32>
    %add3A_1536 = arith.addf %get3A_1530, %add3A_1535 : vector<16xf32>
    %bitcast_convert_type3A_1537 = tpu.bitcast %add3A_1536 : vector<16xf32> -> vector<16xi32>
    %shift_right_arithmetic3A_1538 = arith.constant 23 : i32
    %shift_right_arithmetic3A_1539 = vector.broadcast %shift_right_arithmetic3A_1538 : i32 to vector<16xi32>
    %shift_right_arithmetic3A_1540 = arith.shrsi %bitcast_convert_type3A_1537, %shift_right_arithmetic3A_1539 : vector<16xi32>
    %convert_element_type3A_1541 = arith.sitofp %shift_right_arithmetic3A_1540 : vector<16xi32> to vector<16xf32>
    %and3A_1542 = arith.constant 8388607 : i32
    %and3A_1543 = vector.broadcast %and3A_1542 : i32 to vector<16xi32>
    %and3A_1544 = arith.andi %bitcast_convert_type3A_1537, %and3A_1543 : vector<16xi32>
    %or3A_1545 = arith.constant 1065353216 : i32
    %or3A_1546 = vector.broadcast %or3A_1545 : i32 to vector<16xi32>
    %or3A_1547 = arith.ori %and3A_1544, %or3A_1546 : vector<16xi32>
    %bitcast_convert_type3A_1548 = tpu.bitcast %or3A_1547 : vector<16xi32> -> vector<16xf32>
    %sub3A_1549 = arith.constant 1.000000e+00 : f32
    %sub3A_1550 = vector.broadcast %sub3A_1549 : f32 to vector<16xf32>
    %sub3A_1551 = arith.subf %bitcast_convert_type3A_1548, %sub3A_1550 : vector<16xf32>
    %mul3A_1552 = arith.constant -0.117512941 : f32
    %mul3A_1553 = vector.broadcast %mul3A_1552 : f32 to vector<16xf32>
    %mul3A_1554 = arith.mulf %sub3A_1551, %mul3A_1553 : vector<16xf32>
    %add3A_1555 = arith.constant 0.451368868 : f32
    %add3A_1556 = vector.broadcast %add3A_1555 : f32 to vector<16xf32>
    %add3A_1557 = arith.addf %add3A_1556, %mul3A_1554 : vector<16xf32>
    %mul3A_1558 = arith.mulf %sub3A_1551, %add3A_1557 : vector<16xf32>
    %add3A_1559 = arith.constant -0.942601144 : f32
    %add3A_1560 = vector.broadcast %add3A_1559 : f32 to vector<16xf32>
    %add3A_1561 = arith.addf %add3A_1560, %mul3A_1558 : vector<16xf32>
    %mul3A_1562 = arith.mulf %sub3A_1551, %add3A_1561 : vector<16xf32>
    %add3A_1563 = arith.constant 1.99489772 : f32
    %add3A_1564 = vector.broadcast %add3A_1563 : f32 to vector<16xf32>
    %add3A_1565 = arith.addf %add3A_1564, %mul3A_1562 : vector<16xf32>
    %mul3A_1566 = arith.mulf %sub3A_1551, %add3A_1565 : vector<16xf32>
    %ne3A_1567 = arith.constant 0 : i32
    %ne3A_1568 = vector.broadcast %ne3A_1567 : i32 to vector<16xi32>
    %ne3A_1569 = arith.cmpi ne, %get3A_1533, %ne3A_1568 : vector<16xi32>
    %jit3A_1570 = arith.constant 1.000000e-01 : f32
    %jit3A_1571 = arith.constant 0.000000e+00 : f32
    %broadcast_in_dim3A_1572 = vector.broadcast %jit3A_1570 : f32 to vector<16xf32>
    %broadcast_in_dim3A_1573 = vector.broadcast %jit3A_1571 : f32 to vector<16xf32>
    %select_n3A_1574 = arith.select %ne3A_1569, %broadcast_in_dim3A_1572, %broadcast_in_dim3A_1573 : vector<16xi1>, vector<16xf32>
    %mul3A_1575 = arith.constant 1.000000e+02 : f32
    %mul3A_1576 = vector.broadcast %mul3A_1575 : f32 to vector<16xf32>
    %mul3A_1577 = arith.mulf %mul3A_1576, %get3A_1527 : vector<16xf32>
    %add3A_1578 = arith.constant 176.059387 : f32
    %add3A_1579 = vector.broadcast %add3A_1578 : f32 to vector<16xf32>
    %add3A_1580 = arith.addf %mul3A_1577, %add3A_1579 : vector<16xf32>
    %sub3A_1581 = arith.subf %add3A_1580, %select_n3A_1574 : vector<16xf32>
    %mul3A_1582 = arith.constant 1.38629436 : f32
    %mul3A_1583 = vector.broadcast %mul3A_1582 : f32 to vector<16xf32>
    %mul3A_1584 = arith.mulf %convert_element_type3A_1541, %mul3A_1583 : vector<16xf32>
    %sub3A_1585 = arith.subf %sub3A_1581, %mul3A_1584 : vector<16xf32>
    %sub3A_1586 = arith.subf %sub3A_1585, %mul3A_1566 : vector<16xf32>
    %swap3A_1587 = arith.constant 352 : index
    %swap3A_1588 = tpu.vector_load %arg10[%swap3A_1587] {strides = array<i32>} : memref<512xf32, #tpu.memory_space<vmem>>, vector<16xf32>,
    %swap3A_1589 = vector.shape_cast %swap3A_1588 : vector<16xf32> to vector<16xf32>
    %swap3A_1590 = vector.shape_cast %sub3A_1586 : vector<16xf32> to vector<16xf32>
    tpu.vector_store %arg10[%swap3A_1587], %swap3A_1590 {strides = array<i32>} : memref<512xf32, #tpu.memory_space<vmem>>, vector<16xf32>,
    %get3A_1591 = arith.constant 368 : index
    %get3A_1592 = tpu.vector_load %arg9[%get3A_1591] {strides = array<i32>} : memref<512xf32, #tpu.memory_space<vmem>>, vector<16xf32>,
    %get3A_1593 = vector.shape_cast %get3A_1592 : vector<16xf32> to vector<16xf32>
    %get3A_1594 = arith.constant 368 : index
    %get3A_1595 = tpu.vector_load %arg10[%get3A_1594] {strides = array<i32>} : memref<512xf32, #tpu.memory_space<vmem>>, vector<16xf32>,
    %get3A_1596 = vector.shape_cast %get3A_1595 : vector<16xf32> to vector<16xf32>
    %get3A_1597 = arith.constant 368 : index
    %get3A_1598 = tpu.vector_load %arg8[%get3A_1597] {strides = array<i32>} : memref<512xi32, #tpu.memory_space<vmem>>, vector<16xi32>,
    %get3A_1599 = vector.shape_cast %get3A_1598 : vector<16xi32> to vector<16xi32>
    %add3A_1600 = arith.constant 9.99999974E-6 : f32
    %add3A_1601 = vector.broadcast %add3A_1600 : f32 to vector<16xf32>
    %add3A_1602 = arith.addf %get3A_1596, %add3A_1601 : vector<16xf32>
    %bitcast_convert_type3A_1603 = tpu.bitcast %add3A_1602 : vector<16xf32> -> vector<16xi32>
    %shift_right_arithmetic3A_1604 = arith.constant 23 : i32
    %shift_right_arithmetic3A_1605 = vector.broadcast %shift_right_arithmetic3A_1604 : i32 to vector<16xi32>
    %shift_right_arithmetic3A_1606 = arith.shrsi %bitcast_convert_type3A_1603, %shift_right_arithmetic3A_1605 : vector<16xi32>
    %convert_element_type3A_1607 = arith.sitofp %shift_right_arithmetic3A_1606 : vector<16xi32> to vector<16xf32>
    %and3A_1608 = arith.constant 8388607 : i32
    %and3A_1609 = vector.broadcast %and3A_1608 : i32 to vector<16xi32>
    %and3A_1610 = arith.andi %bitcast_convert_type3A_1603, %and3A_1609 : vector<16xi32>
    %or3A_1611 = arith.constant 1065353216 : i32
    %or3A_1612 = vector.broadcast %or3A_1611 : i32 to vector<16xi32>
    %or3A_1613 = arith.ori %and3A_1610, %or3A_1612 : vector<16xi32>
    %bitcast_convert_type3A_1614 = tpu.bitcast %or3A_1613 : vector<16xi32> -> vector<16xf32>
    %sub3A_1615 = arith.constant 1.000000e+00 : f32
    %sub3A_1616 = vector.broadcast %sub3A_1615 : f32 to vector<16xf32>
    %sub3A_1617 = arith.subf %bitcast_convert_type3A_1614, %sub3A_1616 : vector<16xf32>
    %mul3A_1618 = arith.constant -0.117512941 : f32
    %mul3A_1619 = vector.broadcast %mul3A_1618 : f32 to vector<16xf32>
    %mul3A_1620 = arith.mulf %sub3A_1617, %mul3A_1619 : vector<16xf32>
    %add3A_1621 = arith.constant 0.451368868 : f32
    %add3A_1622 = vector.broadcast %add3A_1621 : f32 to vector<16xf32>
    %add3A_1623 = arith.addf %add3A_1622, %mul3A_1620 : vector<16xf32>
    %mul3A_1624 = arith.mulf %sub3A_1617, %add3A_1623 : vector<16xf32>
    %add3A_1625 = arith.constant -0.942601144 : f32
    %add3A_1626 = vector.broadcast %add3A_1625 : f32 to vector<16xf32>
    %add3A_1627 = arith.addf %add3A_1626, %mul3A_1624 : vector<16xf32>
    %mul3A_1628 = arith.mulf %sub3A_1617, %add3A_1627 : vector<16xf32>
    %add3A_1629 = arith.constant 1.99489772 : f32
    %add3A_1630 = vector.broadcast %add3A_1629 : f32 to vector<16xf32>
    %add3A_1631 = arith.addf %add3A_1630, %mul3A_1628 : vector<16xf32>
    %mul3A_1632 = arith.mulf %sub3A_1617, %add3A_1631 : vector<16xf32>
    %ne3A_1633 = arith.constant 0 : i32
    %ne3A_1634 = vector.broadcast %ne3A_1633 : i32 to vector<16xi32>
    %ne3A_1635 = arith.cmpi ne, %get3A_1599, %ne3A_1634 : vector<16xi32>
    %jit3A_1636 = arith.constant 1.000000e-01 : f32
    %jit3A_1637 = arith.constant 0.000000e+00 : f32
    %broadcast_in_dim3A_1638 = vector.broadcast %jit3A_1636 : f32 to vector<16xf32>
    %broadcast_in_dim3A_1639 = vector.broadcast %jit3A_1637 : f32 to vector<16xf32>
    %select_n3A_1640 = arith.select %ne3A_1635, %broadcast_in_dim3A_1638, %broadcast_in_dim3A_1639 : vector<16xi1>, vector<16xf32>
    %mul3A_1641 = arith.constant 1.000000e+02 : f32
    %mul3A_1642 = vector.broadcast %mul3A_1641 : f32 to vector<16xf32>
    %mul3A_1643 = arith.mulf %mul3A_1642, %get3A_1593 : vector<16xf32>
    %add3A_1644 = arith.constant 176.059387 : f32
    %add3A_1645 = vector.broadcast %add3A_1644 : f32 to vector<16xf32>
    %add3A_1646 = arith.addf %mul3A_1643, %add3A_1645 : vector<16xf32>
    %sub3A_1647 = arith.subf %add3A_1646, %select_n3A_1640 : vector<16xf32>
    %mul3A_1648 = arith.constant 1.38629436 : f32
    %mul3A_1649 = vector.broadcast %mul3A_1648 : f32 to vector<16xf32>
    %mul3A_1650 = arith.mulf %convert_element_type3A_1607, %mul3A_1649 : vector<16xf32>
    %sub3A_1651 = arith.subf %sub3A_1647, %mul3A_1650 : vector<16xf32>
    %sub3A_1652 = arith.subf %sub3A_1651, %mul3A_1632 : vector<16xf32>
    %swap3A_1653 = arith.constant 368 : index
    %swap3A_1654 = tpu.vector_load %arg10[%swap3A_1653] {strides = array<i32>} : memref<512xf32, #tpu.memory_space<vmem>>, vector<16xf32>,
    %swap3A_1655 = vector.shape_cast %swap3A_1654 : vector<16xf32> to vector<16xf32>
    %swap3A_1656 = vector.shape_cast %sub3A_1652 : vector<16xf32> to vector<16xf32>
    tpu.vector_store %arg10[%swap3A_1653], %swap3A_1656 {strides = array<i32>} : memref<512xf32, #tpu.memory_space<vmem>>, vector<16xf32>,
    %get3A_1657 = arith.constant 384 : index
    %get3A_1658 = tpu.vector_load %arg9[%get3A_1657] {strides = array<i32>} : memref<512xf32, #tpu.memory_space<vmem>>, vector<16xf32>,
    %get3A_1659 = vector.shape_cast %get3A_1658 : vector<16xf32> to vector<16xf32>
    %get3A_1660 = arith.constant 384 : index
    %get3A_1661 = tpu.vector_load %arg10[%get3A_1660] {strides = array<i32>} : memref<512xf32, #tpu.memory_space<vmem>>, vector<16xf32>,
    %get3A_1662 = vector.shape_cast %get3A_1661 : vector<16xf32> to vector<16xf32>
    %get3A_1663 = arith.constant 384 : index
    %get3A_1664 = tpu.vector_load %arg8[%get3A_1663] {strides = array<i32>} : memref<512xi32, #tpu.memory_space<vmem>>, vector<16xi32>,
    %get3A_1665 = vector.shape_cast %get3A_1664 : vector<16xi32> to vector<16xi32>
    %add3A_1666 = arith.constant 9.99999974E-6 : f32
    %add3A_1667 = vector.broadcast %add3A_1666 : f32 to vector<16xf32>
    %add3A_1668 = arith.addf %get3A_1662, %add3A_1667 : vector<16xf32>
    %bitcast_convert_type3A_1669 = tpu.bitcast %add3A_1668 : vector<16xf32> -> vector<16xi32>
    %shift_right_arithmetic3A_1670 = arith.constant 23 : i32
    %shift_right_arithmetic3A_1671 = vector.broadcast %shift_right_arithmetic3A_1670 : i32 to vector<16xi32>
    %shift_right_arithmetic3A_1672 = arith.shrsi %bitcast_convert_type3A_1669, %shift_right_arithmetic3A_1671 : vector<16xi32>
    %convert_element_type3A_1673 = arith.sitofp %shift_right_arithmetic3A_1672 : vector<16xi32> to vector<16xf32>
    %and3A_1674 = arith.constant 8388607 : i32
    %and3A_1675 = vector.broadcast %and3A_1674 : i32 to vector<16xi32>
    %and3A_1676 = arith.andi %bitcast_convert_type3A_1669, %and3A_1675 : vector<16xi32>
    %or3A_1677 = arith.constant 1065353216 : i32
    %or3A_1678 = vector.broadcast %or3A_1677 : i32 to vector<16xi32>
    %or3A_1679 = arith.ori %and3A_1676, %or3A_1678 : vector<16xi32>
    %bitcast_convert_type3A_1680 = tpu.bitcast %or3A_1679 : vector<16xi32> -> vector<16xf32>
    %sub3A_1681 = arith.constant 1.000000e+00 : f32
    %sub3A_1682 = vector.broadcast %sub3A_1681 : f32 to vector<16xf32>
    %sub3A_1683 = arith.subf %bitcast_convert_type3A_1680, %sub3A_1682 : vector<16xf32>
    %mul3A_1684 = arith.constant -0.117512941 : f32
    %mul3A_1685 = vector.broadcast %mul3A_1684 : f32 to vector<16xf32>
    %mul3A_1686 = arith.mulf %sub3A_1683, %mul3A_1685 : vector<16xf32>
    %add3A_1687 = arith.constant 0.451368868 : f32
    %add3A_1688 = vector.broadcast %add3A_1687 : f32 to vector<16xf32>
    %add3A_1689 = arith.addf %add3A_1688, %mul3A_1686 : vector<16xf32>
    %mul3A_1690 = arith.mulf %sub3A_1683, %add3A_1689 : vector<16xf32>
    %add3A_1691 = arith.constant -0.942601144 : f32
    %add3A_1692 = vector.broadcast %add3A_1691 : f32 to vector<16xf32>
    %add3A_1693 = arith.addf %add3A_1692, %mul3A_1690 : vector<16xf32>
    %mul3A_1694 = arith.mulf %sub3A_1683, %add3A_1693 : vector<16xf32>
    %add3A_1695 = arith.constant 1.99489772 : f32
    %add3A_1696 = vector.broadcast %add3A_1695 : f32 to vector<16xf32>
    %add3A_1697 = arith.addf %add3A_1696, %mul3A_1694 : vector<16xf32>
    %mul3A_1698 = arith.mulf %sub3A_1683, %add3A_1697 : vector<16xf32>
    %ne3A_1699 = arith.constant 0 : i32
    %ne3A_1700 = vector.broadcast %ne3A_1699 : i32 to vector<16xi32>
    %ne3A_1701 = arith.cmpi ne, %get3A_1665, %ne3A_1700 : vector<16xi32>
    %jit3A_1702 = arith.constant 1.000000e-01 : f32
    %jit3A_1703 = arith.constant 0.000000e+00 : f32
    %broadcast_in_dim3A_1704 = vector.broadcast %jit3A_1702 : f32 to vector<16xf32>
    %broadcast_in_dim3A_1705 = vector.broadcast %jit3A_1703 : f32 to vector<16xf32>
    %select_n3A_1706 = arith.select %ne3A_1701, %broadcast_in_dim3A_1704, %broadcast_in_dim3A_1705 : vector<16xi1>, vector<16xf32>
    %mul3A_1707 = arith.constant 1.000000e+02 : f32
    %mul3A_1708 = vector.broadcast %mul3A_1707 : f32 to vector<16xf32>
    %mul3A_1709 = arith.mulf %mul3A_1708, %get3A_1659 : vector<16xf32>
    %add3A_1710 = arith.constant 176.059387 : f32
    %add3A_1711 = vector.broadcast %add3A_1710 : f32 to vector<16xf32>
    %add3A_1712 = arith.addf %mul3A_1709, %add3A_1711 : vector<16xf32>
    %sub3A_1713 = arith.subf %add3A_1712, %select_n3A_1706 : vector<16xf32>
    %mul3A_1714 = arith.constant 1.38629436 : f32
    %mul3A_1715 = vector.broadcast %mul3A_1714 : f32 to vector<16xf32>
    %mul3A_1716 = arith.mulf %convert_element_type3A_1673, %mul3A_1715 : vector<16xf32>
    %sub3A_1717 = arith.subf %sub3A_1713, %mul3A_1716 : vector<16xf32>
    %sub3A_1718 = arith.subf %sub3A_1717, %mul3A_1698 : vector<16xf32>
    %swap3A_1719 = arith.constant 384 : index
    %swap3A_1720 = tpu.vector_load %arg10[%swap3A_1719] {strides = array<i32>} : memref<512xf32, #tpu.memory_space<vmem>>, vector<16xf32>,
    %swap3A_1721 = vector.shape_cast %swap3A_1720 : vector<16xf32> to vector<16xf32>
    %swap3A_1722 = vector.shape_cast %sub3A_1718 : vector<16xf32> to vector<16xf32>
    tpu.vector_store %arg10[%swap3A_1719], %swap3A_1722 {strides = array<i32>} : memref<512xf32, #tpu.memory_space<vmem>>, vector<16xf32>,
    %get3A_1723 = arith.constant 400 : index
    %get3A_1724 = tpu.vector_load %arg9[%get3A_1723] {strides = array<i32>} : memref<512xf32, #tpu.memory_space<vmem>>, vector<16xf32>,
    %get3A_1725 = vector.shape_cast %get3A_1724 : vector<16xf32> to vector<16xf32>
    %get3A_1726 = arith.constant 400 : index
    %get3A_1727 = tpu.vector_load %arg10[%get3A_1726] {strides = array<i32>} : memref<512xf32, #tpu.memory_space<vmem>>, vector<16xf32>,
    %get3A_1728 = vector.shape_cast %get3A_1727 : vector<16xf32> to vector<16xf32>
    %get3A_1729 = arith.constant 400 : index
    %get3A_1730 = tpu.vector_load %arg8[%get3A_1729] {strides = array<i32>} : memref<512xi32, #tpu.memory_space<vmem>>, vector<16xi32>,
    %get3A_1731 = vector.shape_cast %get3A_1730 : vector<16xi32> to vector<16xi32>
    %add3A_1732 = arith.constant 9.99999974E-6 : f32
    %add3A_1733 = vector.broadcast %add3A_1732 : f32 to vector<16xf32>
    %add3A_1734 = arith.addf %get3A_1728, %add3A_1733 : vector<16xf32>
    %bitcast_convert_type3A_1735 = tpu.bitcast %add3A_1734 : vector<16xf32> -> vector<16xi32>
    %shift_right_arithmetic3A_1736 = arith.constant 23 : i32
    %shift_right_arithmetic3A_1737 = vector.broadcast %shift_right_arithmetic3A_1736 : i32 to vector<16xi32>
    %shift_right_arithmetic3A_1738 = arith.shrsi %bitcast_convert_type3A_1735, %shift_right_arithmetic3A_1737 : vector<16xi32>
    %convert_element_type3A_1739 = arith.sitofp %shift_right_arithmetic3A_1738 : vector<16xi32> to vector<16xf32>
    %and3A_1740 = arith.constant 8388607 : i32
    %and3A_1741 = vector.broadcast %and3A_1740 : i32 to vector<16xi32>
    %and3A_1742 = arith.andi %bitcast_convert_type3A_1735, %and3A_1741 : vector<16xi32>
    %or3A_1743 = arith.constant 1065353216 : i32
    %or3A_1744 = vector.broadcast %or3A_1743 : i32 to vector<16xi32>
    %or3A_1745 = arith.ori %and3A_1742, %or3A_1744 : vector<16xi32>
    %bitcast_convert_type3A_1746 = tpu.bitcast %or3A_1745 : vector<16xi32> -> vector<16xf32>
    %sub3A_1747 = arith.constant 1.000000e+00 : f32
    %sub3A_1748 = vector.broadcast %sub3A_1747 : f32 to vector<16xf32>
    %sub3A_1749 = arith.subf %bitcast_convert_type3A_1746, %sub3A_1748 : vector<16xf32>
    %mul3A_1750 = arith.constant -0.117512941 : f32
    %mul3A_1751 = vector.broadcast %mul3A_1750 : f32 to vector<16xf32>
    %mul3A_1752 = arith.mulf %sub3A_1749, %mul3A_1751 : vector<16xf32>
    %add3A_1753 = arith.constant 0.451368868 : f32
    %add3A_1754 = vector.broadcast %add3A_1753 : f32 to vector<16xf32>
    %add3A_1755 = arith.addf %add3A_1754, %mul3A_1752 : vector<16xf32>
    %mul3A_1756 = arith.mulf %sub3A_1749, %add3A_1755 : vector<16xf32>
    %add3A_1757 = arith.constant -0.942601144 : f32
    %add3A_1758 = vector.broadcast %add3A_1757 : f32 to vector<16xf32>
    %add3A_1759 = arith.addf %add3A_1758, %mul3A_1756 : vector<16xf32>
    %mul3A_1760 = arith.mulf %sub3A_1749, %add3A_1759 : vector<16xf32>
    %add3A_1761 = arith.constant 1.99489772 : f32
    %add3A_1762 = vector.broadcast %add3A_1761 : f32 to vector<16xf32>
    %add3A_1763 = arith.addf %add3A_1762, %mul3A_1760 : vector<16xf32>
    %mul3A_1764 = arith.mulf %sub3A_1749, %add3A_1763 : vector<16xf32>
    %ne3A_1765 = arith.constant 0 : i32
    %ne3A_1766 = vector.broadcast %ne3A_1765 : i32 to vector<16xi32>
    %ne3A_1767 = arith.cmpi ne, %get3A_1731, %ne3A_1766 : vector<16xi32>
    %jit3A_1768 = arith.constant 1.000000e-01 : f32
    %jit3A_1769 = arith.constant 0.000000e+00 : f32
    %broadcast_in_dim3A_1770 = vector.broadcast %jit3A_1768 : f32 to vector<16xf32>
    %broadcast_in_dim3A_1771 = vector.broadcast %jit3A_1769 : f32 to vector<16xf32>
    %select_n3A_1772 = arith.select %ne3A_1767, %broadcast_in_dim3A_1770, %broadcast_in_dim3A_1771 : vector<16xi1>, vector<16xf32>
    %mul3A_1773 = arith.constant 1.000000e+02 : f32
    %mul3A_1774 = vector.broadcast %mul3A_1773 : f32 to vector<16xf32>
    %mul3A_1775 = arith.mulf %mul3A_1774, %get3A_1725 : vector<16xf32>
    %add3A_1776 = arith.constant 176.059387 : f32
    %add3A_1777 = vector.broadcast %add3A_1776 : f32 to vector<16xf32>
    %add3A_1778 = arith.addf %mul3A_1775, %add3A_1777 : vector<16xf32>
    %sub3A_1779 = arith.subf %add3A_1778, %select_n3A_1772 : vector<16xf32>
    %mul3A_1780 = arith.constant 1.38629436 : f32
    %mul3A_1781 = vector.broadcast %mul3A_1780 : f32 to vector<16xf32>
    %mul3A_1782 = arith.mulf %convert_element_type3A_1739, %mul3A_1781 : vector<16xf32>
    %sub3A_1783 = arith.subf %sub3A_1779, %mul3A_1782 : vector<16xf32>
    %sub3A_1784 = arith.subf %sub3A_1783, %mul3A_1764 : vector<16xf32>
    %swap3A_1785 = arith.constant 400 : index
    %swap3A_1786 = tpu.vector_load %arg10[%swap3A_1785] {strides = array<i32>} : memref<512xf32, #tpu.memory_space<vmem>>, vector<16xf32>,
    %swap3A_1787 = vector.shape_cast %swap3A_1786 : vector<16xf32> to vector<16xf32>
    %swap3A_1788 = vector.shape_cast %sub3A_1784 : vector<16xf32> to vector<16xf32>
    tpu.vector_store %arg10[%swap3A_1785], %swap3A_1788 {strides = array<i32>} : memref<512xf32, #tpu.memory_space<vmem>>, vector<16xf32>,
    %get3A_1789 = arith.constant 416 : index
    %get3A_1790 = tpu.vector_load %arg9[%get3A_1789] {strides = array<i32>} : memref<512xf32, #tpu.memory_space<vmem>>, vector<16xf32>,
    %get3A_1791 = vector.shape_cast %get3A_1790 : vector<16xf32> to vector<16xf32>
    %get3A_1792 = arith.constant 416 : index
    %get3A_1793 = tpu.vector_load %arg10[%get3A_1792] {strides = array<i32>} : memref<512xf32, #tpu.memory_space<vmem>>, vector<16xf32>,
    %get3A_1794 = vector.shape_cast %get3A_1793 : vector<16xf32> to vector<16xf32>
    %get3A_1795 = arith.constant 416 : index
    %get3A_1796 = tpu.vector_load %arg8[%get3A_1795] {strides = array<i32>} : memref<512xi32, #tpu.memory_space<vmem>>, vector<16xi32>,
    %get3A_1797 = vector.shape_cast %get3A_1796 : vector<16xi32> to vector<16xi32>
    %add3A_1798 = arith.constant 9.99999974E-6 : f32
    %add3A_1799 = vector.broadcast %add3A_1798 : f32 to vector<16xf32>
    %add3A_1800 = arith.addf %get3A_1794, %add3A_1799 : vector<16xf32>
    %bitcast_convert_type3A_1801 = tpu.bitcast %add3A_1800 : vector<16xf32> -> vector<16xi32>
    %shift_right_arithmetic3A_1802 = arith.constant 23 : i32
    %shift_right_arithmetic3A_1803 = vector.broadcast %shift_right_arithmetic3A_1802 : i32 to vector<16xi32>
    %shift_right_arithmetic3A_1804 = arith.shrsi %bitcast_convert_type3A_1801, %shift_right_arithmetic3A_1803 : vector<16xi32>
    %convert_element_type3A_1805 = arith.sitofp %shift_right_arithmetic3A_1804 : vector<16xi32> to vector<16xf32>
    %and3A_1806 = arith.constant 8388607 : i32
    %and3A_1807 = vector.broadcast %and3A_1806 : i32 to vector<16xi32>
    %and3A_1808 = arith.andi %bitcast_convert_type3A_1801, %and3A_1807 : vector<16xi32>
    %or3A_1809 = arith.constant 1065353216 : i32
    %or3A_1810 = vector.broadcast %or3A_1809 : i32 to vector<16xi32>
    %or3A_1811 = arith.ori %and3A_1808, %or3A_1810 : vector<16xi32>
    %bitcast_convert_type3A_1812 = tpu.bitcast %or3A_1811 : vector<16xi32> -> vector<16xf32>
    %sub3A_1813 = arith.constant 1.000000e+00 : f32
    %sub3A_1814 = vector.broadcast %sub3A_1813 : f32 to vector<16xf32>
    %sub3A_1815 = arith.subf %bitcast_convert_type3A_1812, %sub3A_1814 : vector<16xf32>
    %mul3A_1816 = arith.constant -0.117512941 : f32
    %mul3A_1817 = vector.broadcast %mul3A_1816 : f32 to vector<16xf32>
    %mul3A_1818 = arith.mulf %sub3A_1815, %mul3A_1817 : vector<16xf32>
    %add3A_1819 = arith.constant 0.451368868 : f32
    %add3A_1820 = vector.broadcast %add3A_1819 : f32 to vector<16xf32>
    %add3A_1821 = arith.addf %add3A_1820, %mul3A_1818 : vector<16xf32>
    %mul3A_1822 = arith.mulf %sub3A_1815, %add3A_1821 : vector<16xf32>
    %add3A_1823 = arith.constant -0.942601144 : f32
    %add3A_1824 = vector.broadcast %add3A_1823 : f32 to vector<16xf32>
    %add3A_1825 = arith.addf %add3A_1824, %mul3A_1822 : vector<16xf32>
    %mul3A_1826 = arith.mulf %sub3A_1815, %add3A_1825 : vector<16xf32>
    %add3A_1827 = arith.constant 1.99489772 : f32
    %add3A_1828 = vector.broadcast %add3A_1827 : f32 to vector<16xf32>
    %add3A_1829 = arith.addf %add3A_1828, %mul3A_1826 : vector<16xf32>
    %mul3A_1830 = arith.mulf %sub3A_1815, %add3A_1829 : vector<16xf32>
    %ne3A_1831 = arith.constant 0 : i32
    %ne3A_1832 = vector.broadcast %ne3A_1831 : i32 to vector<16xi32>
    %ne3A_1833 = arith.cmpi ne, %get3A_1797, %ne3A_1832 : vector<16xi32>
    %jit3A_1834 = arith.constant 1.000000e-01 : f32
    %jit3A_1835 = arith.constant 0.000000e+00 : f32
    %broadcast_in_dim3A_1836 = vector.broadcast %jit3A_1834 : f32 to vector<16xf32>
    %broadcast_in_dim3A_1837 = vector.broadcast %jit3A_1835 : f32 to vector<16xf32>
    %select_n3A_1838 = arith.select %ne3A_1833, %broadcast_in_dim3A_1836, %broadcast_in_dim3A_1837 : vector<16xi1>, vector<16xf32>
    %mul3A_1839 = arith.constant 1.000000e+02 : f32
    %mul3A_1840 = vector.broadcast %mul3A_1839 : f32 to vector<16xf32>
    %mul3A_1841 = arith.mulf %mul3A_1840, %get3A_1791 : vector<16xf32>
    %add3A_1842 = arith.constant 176.059387 : f32
    %add3A_1843 = vector.broadcast %add3A_1842 : f32 to vector<16xf32>
    %add3A_1844 = arith.addf %mul3A_1841, %add3A_1843 : vector<16xf32>
    %sub3A_1845 = arith.subf %add3A_1844, %select_n3A_1838 : vector<16xf32>
    %mul3A_1846 = arith.constant 1.38629436 : f32
    %mul3A_1847 = vector.broadcast %mul3A_1846 : f32 to vector<16xf32>
    %mul3A_1848 = arith.mulf %convert_element_type3A_1805, %mul3A_1847 : vector<16xf32>
    %sub3A_1849 = arith.subf %sub3A_1845, %mul3A_1848 : vector<16xf32>
    %sub3A_1850 = arith.subf %sub3A_1849, %mul3A_1830 : vector<16xf32>
    %swap3A_1851 = arith.constant 416 : index
    %swap3A_1852 = tpu.vector_load %arg10[%swap3A_1851] {strides = array<i32>} : memref<512xf32, #tpu.memory_space<vmem>>, vector<16xf32>,
    %swap3A_1853 = vector.shape_cast %swap3A_1852 : vector<16xf32> to vector<16xf32>
    %swap3A_1854 = vector.shape_cast %sub3A_1850 : vector<16xf32> to vector<16xf32>
    tpu.vector_store %arg10[%swap3A_1851], %swap3A_1854 {strides = array<i32>} : memref<512xf32, #tpu.memory_space<vmem>>, vector<16xf32>,
    %get3A_1855 = arith.constant 432 : index
    %get3A_1856 = tpu.vector_load %arg9[%get3A_1855] {strides = array<i32>} : memref<512xf32, #tpu.memory_space<vmem>>, vector<16xf32>,
    %get3A_1857 = vector.shape_cast %get3A_1856 : vector<16xf32> to vector<16xf32>
    %get3A_1858 = arith.constant 432 : index
    %get3A_1859 = tpu.vector_load %arg10[%get3A_1858] {strides = array<i32>} : memref<512xf32, #tpu.memory_space<vmem>>, vector<16xf32>,
    %get3A_1860 = vector.shape_cast %get3A_1859 : vector<16xf32> to vector<16xf32>
    %get3A_1861 = arith.constant 432 : index
    %get3A_1862 = tpu.vector_load %arg8[%get3A_1861] {strides = array<i32>} : memref<512xi32, #tpu.memory_space<vmem>>, vector<16xi32>,
    %get3A_1863 = vector.shape_cast %get3A_1862 : vector<16xi32> to vector<16xi32>
    %add3A_1864 = arith.constant 9.99999974E-6 : f32
    %add3A_1865 = vector.broadcast %add3A_1864 : f32 to vector<16xf32>
    %add3A_1866 = arith.addf %get3A_1860, %add3A_1865 : vector<16xf32>
    %bitcast_convert_type3A_1867 = tpu.bitcast %add3A_1866 : vector<16xf32> -> vector<16xi32>
    %shift_right_arithmetic3A_1868 = arith.constant 23 : i32
    %shift_right_arithmetic3A_1869 = vector.broadcast %shift_right_arithmetic3A_1868 : i32 to vector<16xi32>
    %shift_right_arithmetic3A_1870 = arith.shrsi %bitcast_convert_type3A_1867, %shift_right_arithmetic3A_1869 : vector<16xi32>
    %convert_element_type3A_1871 = arith.sitofp %shift_right_arithmetic3A_1870 : vector<16xi32> to vector<16xf32>
    %and3A_1872 = arith.constant 8388607 : i32
    %and3A_1873 = vector.broadcast %and3A_1872 : i32 to vector<16xi32>
    %and3A_1874 = arith.andi %bitcast_convert_type3A_1867, %and3A_1873 : vector<16xi32>
    %or3A_1875 = arith.constant 1065353216 : i32
    %or3A_1876 = vector.broadcast %or3A_1875 : i32 to vector<16xi32>
    %or3A_1877 = arith.ori %and3A_1874, %or3A_1876 : vector<16xi32>
    %bitcast_convert_type3A_1878 = tpu.bitcast %or3A_1877 : vector<16xi32> -> vector<16xf32>
    %sub3A_1879 = arith.constant 1.000000e+00 : f32
    %sub3A_1880 = vector.broadcast %sub3A_1879 : f32 to vector<16xf32>
    %sub3A_1881 = arith.subf %bitcast_convert_type3A_1878, %sub3A_1880 : vector<16xf32>
    %mul3A_1882 = arith.constant -0.117512941 : f32
    %mul3A_1883 = vector.broadcast %mul3A_1882 : f32 to vector<16xf32>
    %mul3A_1884 = arith.mulf %sub3A_1881, %mul3A_1883 : vector<16xf32>
    %add3A_1885 = arith.constant 0.451368868 : f32
    %add3A_1886 = vector.broadcast %add3A_1885 : f32 to vector<16xf32>
    %add3A_1887 = arith.addf %add3A_1886, %mul3A_1884 : vector<16xf32>
    %mul3A_1888 = arith.mulf %sub3A_1881, %add3A_1887 : vector<16xf32>
    %add3A_1889 = arith.constant -0.942601144 : f32
    %add3A_1890 = vector.broadcast %add3A_1889 : f32 to vector<16xf32>
    %add3A_1891 = arith.addf %add3A_1890, %mul3A_1888 : vector<16xf32>
    %mul3A_1892 = arith.mulf %sub3A_1881, %add3A_1891 : vector<16xf32>
    %add3A_1893 = arith.constant 1.99489772 : f32
    %add3A_1894 = vector.broadcast %add3A_1893 : f32 to vector<16xf32>
    %add3A_1895 = arith.addf %add3A_1894, %mul3A_1892 : vector<16xf32>
    %mul3A_1896 = arith.mulf %sub3A_1881, %add3A_1895 : vector<16xf32>
    %ne3A_1897 = arith.constant 0 : i32
    %ne3A_1898 = vector.broadcast %ne3A_1897 : i32 to vector<16xi32>
    %ne3A_1899 = arith.cmpi ne, %get3A_1863, %ne3A_1898 : vector<16xi32>
    %jit3A_1900 = arith.constant 1.000000e-01 : f32
    %jit3A_1901 = arith.constant 0.000000e+00 : f32
    %broadcast_in_dim3A_1902 = vector.broadcast %jit3A_1900 : f32 to vector<16xf32>
    %broadcast_in_dim3A_1903 = vector.broadcast %jit3A_1901 : f32 to vector<16xf32>
    %select_n3A_1904 = arith.select %ne3A_1899, %broadcast_in_dim3A_1902, %broadcast_in_dim3A_1903 : vector<16xi1>, vector<16xf32>
    %mul3A_1905 = arith.constant 1.000000e+02 : f32
    %mul3A_1906 = vector.broadcast %mul3A_1905 : f32 to vector<16xf32>
    %mul3A_1907 = arith.mulf %mul3A_1906, %get3A_1857 : vector<16xf32>
    %add3A_1908 = arith.constant 176.059387 : f32
    %add3A_1909 = vector.broadcast %add3A_1908 : f32 to vector<16xf32>
    %add3A_1910 = arith.addf %mul3A_1907, %add3A_1909 : vector<16xf32>
    %sub3A_1911 = arith.subf %add3A_1910, %select_n3A_1904 : vector<16xf32>
    %mul3A_1912 = arith.constant 1.38629436 : f32
    %mul3A_1913 = vector.broadcast %mul3A_1912 : f32 to vector<16xf32>
    %mul3A_1914 = arith.mulf %convert_element_type3A_1871, %mul3A_1913 : vector<16xf32>
    %sub3A_1915 = arith.subf %sub3A_1911, %mul3A_1914 : vector<16xf32>
    %sub3A_1916 = arith.subf %sub3A_1915, %mul3A_1896 : vector<16xf32>
    %swap3A_1917 = arith.constant 432 : index
    %swap3A_1918 = tpu.vector_load %arg10[%swap3A_1917] {strides = array<i32>} : memref<512xf32, #tpu.memory_space<vmem>>, vector<16xf32>,
    %swap3A_1919 = vector.shape_cast %swap3A_1918 : vector<16xf32> to vector<16xf32>
    %swap3A_1920 = vector.shape_cast %sub3A_1916 : vector<16xf32> to vector<16xf32>
    tpu.vector_store %arg10[%swap3A_1917], %swap3A_1920 {strides = array<i32>} : memref<512xf32, #tpu.memory_space<vmem>>, vector<16xf32>,
    %get3A_1921 = arith.constant 448 : index
    %get3A_1922 = tpu.vector_load %arg9[%get3A_1921] {strides = array<i32>} : memref<512xf32, #tpu.memory_space<vmem>>, vector<16xf32>,
    %get3A_1923 = vector.shape_cast %get3A_1922 : vector<16xf32> to vector<16xf32>
    %get3A_1924 = arith.constant 448 : index
    %get3A_1925 = tpu.vector_load %arg10[%get3A_1924] {strides = array<i32>} : memref<512xf32, #tpu.memory_space<vmem>>, vector<16xf32>,
    %get3A_1926 = vector.shape_cast %get3A_1925 : vector<16xf32> to vector<16xf32>
    %get3A_1927 = arith.constant 448 : index
    %get3A_1928 = tpu.vector_load %arg8[%get3A_1927] {strides = array<i32>} : memref<512xi32, #tpu.memory_space<vmem>>, vector<16xi32>,
    %get3A_1929 = vector.shape_cast %get3A_1928 : vector<16xi32> to vector<16xi32>
    %add3A_1930 = arith.constant 9.99999974E-6 : f32
    %add3A_1931 = vector.broadcast %add3A_1930 : f32 to vector<16xf32>
    %add3A_1932 = arith.addf %get3A_1926, %add3A_1931 : vector<16xf32>
    %bitcast_convert_type3A_1933 = tpu.bitcast %add3A_1932 : vector<16xf32> -> vector<16xi32>
    %shift_right_arithmetic3A_1934 = arith.constant 23 : i32
    %shift_right_arithmetic3A_1935 = vector.broadcast %shift_right_arithmetic3A_1934 : i32 to vector<16xi32>
    %shift_right_arithmetic3A_1936 = arith.shrsi %bitcast_convert_type3A_1933, %shift_right_arithmetic3A_1935 : vector<16xi32>
    %convert_element_type3A_1937 = arith.sitofp %shift_right_arithmetic3A_1936 : vector<16xi32> to vector<16xf32>
    %and3A_1938 = arith.constant 8388607 : i32
    %and3A_1939 = vector.broadcast %and3A_1938 : i32 to vector<16xi32>
    %and3A_1940 = arith.andi %bitcast_convert_type3A_1933, %and3A_1939 : vector<16xi32>
    %or3A_1941 = arith.constant 1065353216 : i32
    %or3A_1942 = vector.broadcast %or3A_1941 : i32 to vector<16xi32>
    %or3A_1943 = arith.ori %and3A_1940, %or3A_1942 : vector<16xi32>
    %bitcast_convert_type3A_1944 = tpu.bitcast %or3A_1943 : vector<16xi32> -> vector<16xf32>
    %sub3A_1945 = arith.constant 1.000000e+00 : f32
    %sub3A_1946 = vector.broadcast %sub3A_1945 : f32 to vector<16xf32>
    %sub3A_1947 = arith.subf %bitcast_convert_type3A_1944, %sub3A_1946 : vector<16xf32>
    %mul3A_1948 = arith.constant -0.117512941 : f32
    %mul3A_1949 = vector.broadcast %mul3A_1948 : f32 to vector<16xf32>
    %mul3A_1950 = arith.mulf %sub3A_1947, %mul3A_1949 : vector<16xf32>
    %add3A_1951 = arith.constant 0.451368868 : f32
    %add3A_1952 = vector.broadcast %add3A_1951 : f32 to vector<16xf32>
    %add3A_1953 = arith.addf %add3A_1952, %mul3A_1950 : vector<16xf32>
    %mul3A_1954 = arith.mulf %sub3A_1947, %add3A_1953 : vector<16xf32>
    %add3A_1955 = arith.constant -0.942601144 : f32
    %add3A_1956 = vector.broadcast %add3A_1955 : f32 to vector<16xf32>
    %add3A_1957 = arith.addf %add3A_1956, %mul3A_1954 : vector<16xf32>
    %mul3A_1958 = arith.mulf %sub3A_1947, %add3A_1957 : vector<16xf32>
    %add3A_1959 = arith.constant 1.99489772 : f32
    %add3A_1960 = vector.broadcast %add3A_1959 : f32 to vector<16xf32>
    %add3A_1961 = arith.addf %add3A_1960, %mul3A_1958 : vector<16xf32>
    %mul3A_1962 = arith.mulf %sub3A_1947, %add3A_1961 : vector<16xf32>
    %ne3A_1963 = arith.constant 0 : i32
    %ne3A_1964 = vector.broadcast %ne3A_1963 : i32 to vector<16xi32>
    %ne3A_1965 = arith.cmpi ne, %get3A_1929, %ne3A_1964 : vector<16xi32>
    %jit3A_1966 = arith.constant 1.000000e-01 : f32
    %jit3A_1967 = arith.constant 0.000000e+00 : f32
    %broadcast_in_dim3A_1968 = vector.broadcast %jit3A_1966 : f32 to vector<16xf32>
    %broadcast_in_dim3A_1969 = vector.broadcast %jit3A_1967 : f32 to vector<16xf32>
    %select_n3A_1970 = arith.select %ne3A_1965, %broadcast_in_dim3A_1968, %broadcast_in_dim3A_1969 : vector<16xi1>, vector<16xf32>
    %mul3A_1971 = arith.constant 1.000000e+02 : f32
    %mul3A_1972 = vector.broadcast %mul3A_1971 : f32 to vector<16xf32>
    %mul3A_1973 = arith.mulf %mul3A_1972, %get3A_1923 : vector<16xf32>
    %add3A_1974 = arith.constant 176.059387 : f32
    %add3A_1975 = vector.broadcast %add3A_1974 : f32 to vector<16xf32>
    %add3A_1976 = arith.addf %mul3A_1973, %add3A_1975 : vector<16xf32>
    %sub3A_1977 = arith.subf %add3A_1976, %select_n3A_1970 : vector<16xf32>
    %mul3A_1978 = arith.constant 1.38629436 : f32
    %mul3A_1979 = vector.broadcast %mul3A_1978 : f32 to vector<16xf32>
    %mul3A_1980 = arith.mulf %convert_element_type3A_1937, %mul3A_1979 : vector<16xf32>
    %sub3A_1981 = arith.subf %sub3A_1977, %mul3A_1980 : vector<16xf32>
    %sub3A_1982 = arith.subf %sub3A_1981, %mul3A_1962 : vector<16xf32>
    %swap3A_1983 = arith.constant 448 : index
    %swap3A_1984 = tpu.vector_load %arg10[%swap3A_1983] {strides = array<i32>} : memref<512xf32, #tpu.memory_space<vmem>>, vector<16xf32>,
    %swap3A_1985 = vector.shape_cast %swap3A_1984 : vector<16xf32> to vector<16xf32>
    %swap3A_1986 = vector.shape_cast %sub3A_1982 : vector<16xf32> to vector<16xf32>
    tpu.vector_store %arg10[%swap3A_1983], %swap3A_1986 {strides = array<i32>} : memref<512xf32, #tpu.memory_space<vmem>>, vector<16xf32>,
    %get3A_1987 = arith.constant 464 : index
    %get3A_1988 = tpu.vector_load %arg9[%get3A_1987] {strides = array<i32>} : memref<512xf32, #tpu.memory_space<vmem>>, vector<16xf32>,
    %get3A_1989 = vector.shape_cast %get3A_1988 : vector<16xf32> to vector<16xf32>
    %get3A_1990 = arith.constant 464 : index
    %get3A_1991 = tpu.vector_load %arg10[%get3A_1990] {strides = array<i32>} : memref<512xf32, #tpu.memory_space<vmem>>, vector<16xf32>,
    %get3A_1992 = vector.shape_cast %get3A_1991 : vector<16xf32> to vector<16xf32>
    %get3A_1993 = arith.constant 464 : index
    %get3A_1994 = tpu.vector_load %arg8[%get3A_1993] {strides = array<i32>} : memref<512xi32, #tpu.memory_space<vmem>>, vector<16xi32>,
    %get3A_1995 = vector.shape_cast %get3A_1994 : vector<16xi32> to vector<16xi32>
    %add3A_1996 = arith.constant 9.99999974E-6 : f32
    %add3A_1997 = vector.broadcast %add3A_1996 : f32 to vector<16xf32>
    %add3A_1998 = arith.addf %get3A_1992, %add3A_1997 : vector<16xf32>
    %bitcast_convert_type3A_1999 = tpu.bitcast %add3A_1998 : vector<16xf32> -> vector<16xi32>
    %shift_right_arithmetic3A_2000 = arith.constant 23 : i32
    %shift_right_arithmetic3A_2001 = vector.broadcast %shift_right_arithmetic3A_2000 : i32 to vector<16xi32>
    %shift_right_arithmetic3A_2002 = arith.shrsi %bitcast_convert_type3A_1999, %shift_right_arithmetic3A_2001 : vector<16xi32>
    %convert_element_type3A_2003 = arith.sitofp %shift_right_arithmetic3A_2002 : vector<16xi32> to vector<16xf32>
    %and3A_2004 = arith.constant 8388607 : i32
    %and3A_2005 = vector.broadcast %and3A_2004 : i32 to vector<16xi32>
    %and3A_2006 = arith.andi %bitcast_convert_type3A_1999, %and3A_2005 : vector<16xi32>
    %or3A_2007 = arith.constant 1065353216 : i32
    %or3A_2008 = vector.broadcast %or3A_2007 : i32 to vector<16xi32>
    %or3A_2009 = arith.ori %and3A_2006, %or3A_2008 : vector<16xi32>
    %bitcast_convert_type3A_2010 = tpu.bitcast %or3A_2009 : vector<16xi32> -> vector<16xf32>
    %sub3A_2011 = arith.constant 1.000000e+00 : f32
    %sub3A_2012 = vector.broadcast %sub3A_2011 : f32 to vector<16xf32>
    %sub3A_2013 = arith.subf %bitcast_convert_type3A_2010, %sub3A_2012 : vector<16xf32>
    %mul3A_2014 = arith.constant -0.117512941 : f32
    %mul3A_2015 = vector.broadcast %mul3A_2014 : f32 to vector<16xf32>
    %mul3A_2016 = arith.mulf %sub3A_2013, %mul3A_2015 : vector<16xf32>
    %add3A_2017 = arith.constant 0.451368868 : f32
    %add3A_2018 = vector.broadcast %add3A_2017 : f32 to vector<16xf32>
    %add3A_2019 = arith.addf %add3A_2018, %mul3A_2016 : vector<16xf32>
    %mul3A_2020 = arith.mulf %sub3A_2013, %add3A_2019 : vector<16xf32>
    %add3A_2021 = arith.constant -0.942601144 : f32
    %add3A_2022 = vector.broadcast %add3A_2021 : f32 to vector<16xf32>
    %add3A_2023 = arith.addf %add3A_2022, %mul3A_2020 : vector<16xf32>
    %mul3A_2024 = arith.mulf %sub3A_2013, %add3A_2023 : vector<16xf32>
    %add3A_2025 = arith.constant 1.99489772 : f32
    %add3A_2026 = vector.broadcast %add3A_2025 : f32 to vector<16xf32>
    %add3A_2027 = arith.addf %add3A_2026, %mul3A_2024 : vector<16xf32>
    %mul3A_2028 = arith.mulf %sub3A_2013, %add3A_2027 : vector<16xf32>
    %ne3A_2029 = arith.constant 0 : i32
    %ne3A_2030 = vector.broadcast %ne3A_2029 : i32 to vector<16xi32>
    %ne3A_2031 = arith.cmpi ne, %get3A_1995, %ne3A_2030 : vector<16xi32>
    %jit3A_2032 = arith.constant 1.000000e-01 : f32
    %jit3A_2033 = arith.constant 0.000000e+00 : f32
    %broadcast_in_dim3A_2034 = vector.broadcast %jit3A_2032 : f32 to vector<16xf32>
    %broadcast_in_dim3A_2035 = vector.broadcast %jit3A_2033 : f32 to vector<16xf32>
    %select_n3A_2036 = arith.select %ne3A_2031, %broadcast_in_dim3A_2034, %broadcast_in_dim3A_2035 : vector<16xi1>, vector<16xf32>
    %mul3A_2037 = arith.constant 1.000000e+02 : f32
    %mul3A_2038 = vector.broadcast %mul3A_2037 : f32 to vector<16xf32>
    %mul3A_2039 = arith.mulf %mul3A_2038, %get3A_1989 : vector<16xf32>
    %add3A_2040 = arith.constant 176.059387 : f32
    %add3A_2041 = vector.broadcast %add3A_2040 : f32 to vector<16xf32>
    %add3A_2042 = arith.addf %mul3A_2039, %add3A_2041 : vector<16xf32>
    %sub3A_2043 = arith.subf %add3A_2042, %select_n3A_2036 : vector<16xf32>
    %mul3A_2044 = arith.constant 1.38629436 : f32
    %mul3A_2045 = vector.broadcast %mul3A_2044 : f32 to vector<16xf32>
    %mul3A_2046 = arith.mulf %convert_element_type3A_2003, %mul3A_2045 : vector<16xf32>
    %sub3A_2047 = arith.subf %sub3A_2043, %mul3A_2046 : vector<16xf32>
    %sub3A_2048 = arith.subf %sub3A_2047, %mul3A_2028 : vector<16xf32>
    %swap3A_2049 = arith.constant 464 : index
    %swap3A_2050 = tpu.vector_load %arg10[%swap3A_2049] {strides = array<i32>} : memref<512xf32, #tpu.memory_space<vmem>>, vector<16xf32>,
    %swap3A_2051 = vector.shape_cast %swap3A_2050 : vector<16xf32> to vector<16xf32>
    %swap3A_2052 = vector.shape_cast %sub3A_2048 : vector<16xf32> to vector<16xf32>
    tpu.vector_store %arg10[%swap3A_2049], %swap3A_2052 {strides = array<i32>} : memref<512xf32, #tpu.memory_space<vmem>>, vector<16xf32>,
    %get3A_2053 = arith.constant 480 : index
    %get3A_2054 = tpu.vector_load %arg9[%get3A_2053] {strides = array<i32>} : memref<512xf32, #tpu.memory_space<vmem>>, vector<16xf32>,
    %get3A_2055 = vector.shape_cast %get3A_2054 : vector<16xf32> to vector<16xf32>
    %get3A_2056 = arith.constant 480 : index
    %get3A_2057 = tpu.vector_load %arg10[%get3A_2056] {strides = array<i32>} : memref<512xf32, #tpu.memory_space<vmem>>, vector<16xf32>,
    %get3A_2058 = vector.shape_cast %get3A_2057 : vector<16xf32> to vector<16xf32>
    %get3A_2059 = arith.constant 480 : index
    %get3A_2060 = tpu.vector_load %arg8[%get3A_2059] {strides = array<i32>} : memref<512xi32, #tpu.memory_space<vmem>>, vector<16xi32>,
    %get3A_2061 = vector.shape_cast %get3A_2060 : vector<16xi32> to vector<16xi32>
    %add3A_2062 = arith.constant 9.99999974E-6 : f32
    %add3A_2063 = vector.broadcast %add3A_2062 : f32 to vector<16xf32>
    %add3A_2064 = arith.addf %get3A_2058, %add3A_2063 : vector<16xf32>
    %bitcast_convert_type3A_2065 = tpu.bitcast %add3A_2064 : vector<16xf32> -> vector<16xi32>
    %shift_right_arithmetic3A_2066 = arith.constant 23 : i32
    %shift_right_arithmetic3A_2067 = vector.broadcast %shift_right_arithmetic3A_2066 : i32 to vector<16xi32>
    %shift_right_arithmetic3A_2068 = arith.shrsi %bitcast_convert_type3A_2065, %shift_right_arithmetic3A_2067 : vector<16xi32>
    %convert_element_type3A_2069 = arith.sitofp %shift_right_arithmetic3A_2068 : vector<16xi32> to vector<16xf32>
    %and3A_2070 = arith.constant 8388607 : i32
    %and3A_2071 = vector.broadcast %and3A_2070 : i32 to vector<16xi32>
    %and3A_2072 = arith.andi %bitcast_convert_type3A_2065, %and3A_2071 : vector<16xi32>
    %or3A_2073 = arith.constant 1065353216 : i32
    %or3A_2074 = vector.broadcast %or3A_2073 : i32 to vector<16xi32>
    %or3A_2075 = arith.ori %and3A_2072, %or3A_2074 : vector<16xi32>
    %bitcast_convert_type3A_2076 = tpu.bitcast %or3A_2075 : vector<16xi32> -> vector<16xf32>
    %sub3A_2077 = arith.constant 1.000000e+00 : f32
    %sub3A_2078 = vector.broadcast %sub3A_2077 : f32 to vector<16xf32>
    %sub3A_2079 = arith.subf %bitcast_convert_type3A_2076, %sub3A_2078 : vector<16xf32>
    %mul3A_2080 = arith.constant -0.117512941 : f32
    %mul3A_2081 = vector.broadcast %mul3A_2080 : f32 to vector<16xf32>
    %mul3A_2082 = arith.mulf %sub3A_2079, %mul3A_2081 : vector<16xf32>
    %add3A_2083 = arith.constant 0.451368868 : f32
    %add3A_2084 = vector.broadcast %add3A_2083 : f32 to vector<16xf32>
    %add3A_2085 = arith.addf %add3A_2084, %mul3A_2082 : vector<16xf32>
    %mul3A_2086 = arith.mulf %sub3A_2079, %add3A_2085 : vector<16xf32>
    %add3A_2087 = arith.constant -0.942601144 : f32
    %add3A_2088 = vector.broadcast %add3A_2087 : f32 to vector<16xf32>
    %add3A_2089 = arith.addf %add3A_2088, %mul3A_2086 : vector<16xf32>
    %mul3A_2090 = arith.mulf %sub3A_2079, %add3A_2089 : vector<16xf32>
    %add3A_2091 = arith.constant 1.99489772 : f32
    %add3A_2092 = vector.broadcast %add3A_2091 : f32 to vector<16xf32>
    %add3A_2093 = arith.addf %add3A_2092, %mul3A_2090 : vector<16xf32>
    %mul3A_2094 = arith.mulf %sub3A_2079, %add3A_2093 : vector<16xf32>
    %ne3A_2095 = arith.constant 0 : i32
    %ne3A_2096 = vector.broadcast %ne3A_2095 : i32 to vector<16xi32>
    %ne3A_2097 = arith.cmpi ne, %get3A_2061, %ne3A_2096 : vector<16xi32>
    %jit3A_2098 = arith.constant 1.000000e-01 : f32
    %jit3A_2099 = arith.constant 0.000000e+00 : f32
    %broadcast_in_dim3A_2100 = vector.broadcast %jit3A_2098 : f32 to vector<16xf32>
    %broadcast_in_dim3A_2101 = vector.broadcast %jit3A_2099 : f32 to vector<16xf32>
    %select_n3A_2102 = arith.select %ne3A_2097, %broadcast_in_dim3A_2100, %broadcast_in_dim3A_2101 : vector<16xi1>, vector<16xf32>
    %mul3A_2103 = arith.constant 1.000000e+02 : f32
    %mul3A_2104 = vector.broadcast %mul3A_2103 : f32 to vector<16xf32>
    %mul3A_2105 = arith.mulf %mul3A_2104, %get3A_2055 : vector<16xf32>
    %add3A_2106 = arith.constant 176.059387 : f32
    %add3A_2107 = vector.broadcast %add3A_2106 : f32 to vector<16xf32>
    %add3A_2108 = arith.addf %mul3A_2105, %add3A_2107 : vector<16xf32>
    %sub3A_2109 = arith.subf %add3A_2108, %select_n3A_2102 : vector<16xf32>
    %mul3A_2110 = arith.constant 1.38629436 : f32
    %mul3A_2111 = vector.broadcast %mul3A_2110 : f32 to vector<16xf32>
    %mul3A_2112 = arith.mulf %convert_element_type3A_2069, %mul3A_2111 : vector<16xf32>
    %sub3A_2113 = arith.subf %sub3A_2109, %mul3A_2112 : vector<16xf32>
    %sub3A_2114 = arith.subf %sub3A_2113, %mul3A_2094 : vector<16xf32>
    %swap3A_2115 = arith.constant 480 : index
    %swap3A_2116 = tpu.vector_load %arg10[%swap3A_2115] {strides = array<i32>} : memref<512xf32, #tpu.memory_space<vmem>>, vector<16xf32>,
    %swap3A_2117 = vector.shape_cast %swap3A_2116 : vector<16xf32> to vector<16xf32>
    %swap3A_2118 = vector.shape_cast %sub3A_2114 : vector<16xf32> to vector<16xf32>
    tpu.vector_store %arg10[%swap3A_2115], %swap3A_2118 {strides = array<i32>} : memref<512xf32, #tpu.memory_space<vmem>>, vector<16xf32>,
    %get3A_2119 = arith.constant 496 : index
    %get3A_2120 = tpu.vector_load %arg9[%get3A_2119] {strides = array<i32>} : memref<512xf32, #tpu.memory_space<vmem>>, vector<16xf32>,
    %get3A_2121 = vector.shape_cast %get3A_2120 : vector<16xf32> to vector<16xf32>
    %get3A_2122 = arith.constant 496 : index
    %get3A_2123 = tpu.vector_load %arg10[%get3A_2122] {strides = array<i32>} : memref<512xf32, #tpu.memory_space<vmem>>, vector<16xf32>,
    %get3A_2124 = vector.shape_cast %get3A_2123 : vector<16xf32> to vector<16xf32>
    %get3A_2125 = arith.constant 496 : index
    %get3A_2126 = tpu.vector_load %arg8[%get3A_2125] {strides = array<i32>} : memref<512xi32, #tpu.memory_space<vmem>>, vector<16xi32>,
    %get3A_2127 = vector.shape_cast %get3A_2126 : vector<16xi32> to vector<16xi32>
    %add3A_2128 = arith.constant 9.99999974E-6 : f32
    %add3A_2129 = vector.broadcast %add3A_2128 : f32 to vector<16xf32>
    %add3A_2130 = arith.addf %get3A_2124, %add3A_2129 : vector<16xf32>
    %bitcast_convert_type3A_2131 = tpu.bitcast %add3A_2130 : vector<16xf32> -> vector<16xi32>
    %shift_right_arithmetic3A_2132 = arith.constant 23 : i32
    %shift_right_arithmetic3A_2133 = vector.broadcast %shift_right_arithmetic3A_2132 : i32 to vector<16xi32>
    %shift_right_arithmetic3A_2134 = arith.shrsi %bitcast_convert_type3A_2131, %shift_right_arithmetic3A_2133 : vector<16xi32>
    %convert_element_type3A_2135 = arith.sitofp %shift_right_arithmetic3A_2134 : vector<16xi32> to vector<16xf32>
    %and3A_2136 = arith.constant 8388607 : i32
    %and3A_2137 = vector.broadcast %and3A_2136 : i32 to vector<16xi32>
    %and3A_2138 = arith.andi %bitcast_convert_type3A_2131, %and3A_2137 : vector<16xi32>
    %or3A_2139 = arith.constant 1065353216 : i32
    %or3A_2140 = vector.broadcast %or3A_2139 : i32 to vector<16xi32>
    %or3A_2141 = arith.ori %and3A_2138, %or3A_2140 : vector<16xi32>
    %bitcast_convert_type3A_2142 = tpu.bitcast %or3A_2141 : vector<16xi32> -> vector<16xf32>
    %sub3A_2143 = arith.constant 1.000000e+00 : f32
    %sub3A_2144 = vector.broadcast %sub3A_2143 : f32 to vector<16xf32>
    %sub3A_2145 = arith.subf %bitcast_convert_type3A_2142, %sub3A_2144 : vector<16xf32>
    %mul3A_2146 = arith.constant -0.117512941 : f32
    %mul3A_2147 = vector.broadcast %mul3A_2146 : f32 to vector<16xf32>
    %mul3A_2148 = arith.mulf %sub3A_2145, %mul3A_2147 : vector<16xf32>
    %add3A_2149 = arith.constant 0.451368868 : f32
    %add3A_2150 = vector.broadcast %add3A_2149 : f32 to vector<16xf32>
    %add3A_2151 = arith.addf %add3A_2150, %mul3A_2148 : vector<16xf32>
    %mul3A_2152 = arith.mulf %sub3A_2145, %add3A_2151 : vector<16xf32>
    %add3A_2153 = arith.constant -0.942601144 : f32
    %add3A_2154 = vector.broadcast %add3A_2153 : f32 to vector<16xf32>
    %add3A_2155 = arith.addf %add3A_2154, %mul3A_2152 : vector<16xf32>
    %mul3A_2156 = arith.mulf %sub3A_2145, %add3A_2155 : vector<16xf32>
    %add3A_2157 = arith.constant 1.99489772 : f32
    %add3A_2158 = vector.broadcast %add3A_2157 : f32 to vector<16xf32>
    %add3A_2159 = arith.addf %add3A_2158, %mul3A_2156 : vector<16xf32>
    %mul3A_2160 = arith.mulf %sub3A_2145, %add3A_2159 : vector<16xf32>
    %ne3A_2161 = arith.constant 0 : i32
    %ne3A_2162 = vector.broadcast %ne3A_2161 : i32 to vector<16xi32>
    %ne3A_2163 = arith.cmpi ne, %get3A_2127, %ne3A_2162 : vector<16xi32>
    %jit3A_2164 = arith.constant 1.000000e-01 : f32
    %jit3A_2165 = arith.constant 0.000000e+00 : f32
    %broadcast_in_dim3A_2166 = vector.broadcast %jit3A_2164 : f32 to vector<16xf32>
    %broadcast_in_dim3A_2167 = vector.broadcast %jit3A_2165 : f32 to vector<16xf32>
    %select_n3A_2168 = arith.select %ne3A_2163, %broadcast_in_dim3A_2166, %broadcast_in_dim3A_2167 : vector<16xi1>, vector<16xf32>
    %mul3A_2169 = arith.constant 1.000000e+02 : f32
    %mul3A_2170 = vector.broadcast %mul3A_2169 : f32 to vector<16xf32>
    %mul3A_2171 = arith.mulf %mul3A_2170, %get3A_2121 : vector<16xf32>
    %add3A_2172 = arith.constant 176.059387 : f32
    %add3A_2173 = vector.broadcast %add3A_2172 : f32 to vector<16xf32>
    %add3A_2174 = arith.addf %mul3A_2171, %add3A_2173 : vector<16xf32>
    %sub3A_2175 = arith.subf %add3A_2174, %select_n3A_2168 : vector<16xf32>
    %mul3A_2176 = arith.constant 1.38629436 : f32
    %mul3A_2177 = vector.broadcast %mul3A_2176 : f32 to vector<16xf32>
    %mul3A_2178 = arith.mulf %convert_element_type3A_2135, %mul3A_2177 : vector<16xf32>
    %sub3A_2179 = arith.subf %sub3A_2175, %mul3A_2178 : vector<16xf32>
    %sub3A_2180 = arith.subf %sub3A_2179, %mul3A_2160 : vector<16xf32>
    %swap3A_2181 = arith.constant 496 : index
    %swap3A_2182 = tpu.vector_load %arg10[%swap3A_2181] {strides = array<i32>} : memref<512xf32, #tpu.memory_space<vmem>>, vector<16xf32>,
    %swap3A_2183 = vector.shape_cast %swap3A_2182 : vector<16xf32> to vector<16xf32>
    %swap3A_2184 = vector.shape_cast %sub3A_2180 : vector<16xf32> to vector<16xf32>
    tpu.vector_store %arg10[%swap3A_2181], %swap3A_2184 {strides = array<i32>} : memref<512xf32, #tpu.memory_space<vmem>>, vector<16xf32>,
    %add3A_2185 = arith.constant 256 : i32
    %add3A_2186 = arith.addi %mul3A_2, %add3A_2185 : i32
    %dma_start3A_2187 = arith.constant 256 : i32
    %dma_start3A_2188 = tpu.memref_slice %arg10[%dma_start3A_2187] : memref<512xf32, #tpu.memory_space<vmem>> -> memref<256xf32, #tpu.memory_space<vmem>>
    %dma_start3A_2189 = tpu.memref_slice %arg6[%add3A_2186] : memref<16384xf32, #tpu.memory_space<hbm>> -> memref<256xf32, #tpu.memory_space<hbm>>
    %dma_start3A_2190 = tpu.memref_slice %arg6[%add3A_2186] : memref<16384xf32, #tpu.memory_space<hbm>> -> memref<256xf32, #tpu.memory_space<hbm>>
    %dma_start3A_2191 = arith.constant 256 : i32
    %dma_start3A_2192 = tpu.memref_slice %arg10[%dma_start3A_2191] : memref<512xf32, #tpu.memory_space<vmem>> -> memref<256xf32, #tpu.memory_space<vmem>>
    tpu.enqueue_dma source(%dma_start3A_2192 : memref<256xf32, #tpu.memory_space<vmem>>) target(%dma_start3A_2190 : memref<256xf32, #tpu.memory_space<hbm>>) target_semaphore(%arg12 : memref<!tpu.dma_semaphore, #tpu.memory_space<semaphore_mem>>)
    %dma_wait3A_2193 = arith.constant 0 : i32
    %dma_wait3A_2194 = tpu.memref_slice %arg10[%dma_wait3A_2193] : memref<512xf32, #tpu.memory_space<vmem>> -> memref<256xf32, #tpu.memory_space<vmem>>
    %dma_wait3A_2195 = tpu.memref_slice %arg6[%add3A_1104] : memref<16384xf32, #tpu.memory_space<hbm>> -> memref<256xf32, #tpu.memory_space<hbm>>
    %dma_wait3A_2196 = tpu.memref_slice %arg6[%add3A_1104] : memref<16384xf32, #tpu.memory_space<hbm>> -> memref<256xf32, #tpu.memory_space<hbm>>
    %dma_wait3A_2197 = arith.constant 0 : i32
    %dma_wait3A_2198 = tpu.memref_slice %arg10[%dma_wait3A_2197] : memref<512xf32, #tpu.memory_space<vmem>> -> memref<256xf32, #tpu.memory_space<vmem>>
    tpu.wait_dma2 semaphore(%arg12 : memref<!tpu.dma_semaphore, #tpu.memory_space<semaphore_mem>>) src(%dma_wait3A_2198 : memref<256xf32, #tpu.memory_space<vmem>>) dst(%dma_wait3A_2196 : memref<256xf32, #tpu.memory_space<hbm>>)
    %dma_wait3A_2199 = arith.constant 256 : i32
    %dma_wait3A_2200 = tpu.memref_slice %arg10[%dma_wait3A_2199] : memref<512xf32, #tpu.memory_space<vmem>> -> memref<256xf32, #tpu.memory_space<vmem>>
    %dma_wait3A_2201 = tpu.memref_slice %arg6[%add3A_2186] : memref<16384xf32, #tpu.memory_space<hbm>> -> memref<256xf32, #tpu.memory_space<hbm>>
    %dma_wait3A_2202 = tpu.memref_slice %arg6[%add3A_2186] : memref<16384xf32, #tpu.memory_space<hbm>> -> memref<256xf32, #tpu.memory_space<hbm>>
    %dma_wait3A_2203 = arith.constant 256 : i32
    %dma_wait3A_2204 = tpu.memref_slice %arg10[%dma_wait3A_2203] : memref<512xf32, #tpu.memory_space<vmem>> -> memref<256xf32, #tpu.memory_space<vmem>>
    tpu.wait_dma2 semaphore(%arg12 : memref<!tpu.dma_semaphore, #tpu.memory_space<semaphore_mem>>) src(%dma_wait3A_2204 : memref<256xf32, #tpu.memory_space<vmem>>) dst(%dma_wait3A_2202 : memref<256xf32, #tpu.memory_space<hbm>>)
    return
  }
}

</mosaic_0001>

<sc_bundles>
// kernel: kernel.3.cloned.1.call-start
scs
__scs_entry_jumppad:
0x0: {  	(pc) =	sbr.rel $0x88, $3  }
0x1: {  	(tag) =	ssettag $0x0;
	lr =	simm.s32 $0x1  }
0x2: {  	[smem:$0x3F9D] =	sst lr;
	_ =	strace $0xD0000000  }
0x3: {  	_ = 	snop  }
0x4: {  	_ = 	snop  }
0x5: {  	_ = 	snop  }
0x6: {  	_ = 	snop  }
0x7: {  	_ = 	snop  }
__scs_overlays_trampoline_lowered:
0x8: {  	[smem:$0x3FAC] =	sst s0  }
0x9: {  	[smem:$0x3FAD] =	sst s1  }
0xa: {  	[smem:$0x3FAE] =	sst s2  }
0xb: {  	[smem:$0x3FAF] =	sst s3  }
0xc: {  	[smem:$0x3FB0] =	sst s4  }
0xd: {  	[smem:$0x3FB1] =	sst s5  }
0xe: {  	[smem:$0x3FB2] =	sst s6  }
0xf: {  	[smem:$0x3FB3] =	sst s7  }
0x10: {  	[smem:$0x3FB4] =	sst s8  }
0x11: {  	[smem:$0x3FB5] =	sst s9;
	s0 =	simm.s32 @!p0 $0x0  }
0x12: {  	s1 =	sld [smem:$0x3F9B];
	s0 =	simm.s32 @p0 $0x1  }
0x13: {  	[smem:$0x3FB6] =	sst s0;
	s0 =	simm.s32 @!p1 $0x0  }
0x14: {  	s2 =	sld [smem:$0x3F9A];
	s0 =	simm.s32 @p1 $0x1  }
0x15: {  	[smem:$0x3FB7] =	sst s0;
	s0 =	simm.s32 @!p2 $0x0  }
0x16: {  	s3 =	sld [smem:$0x3FDB];
	s0 =	simm.s32 @p2 $0x1  }
0x17: {  	s4 =	simm.s32 $0x1BF5;
	[smem:$0x3FB9] =	sst s0  }
0x18: {  	s0 =	sld [smem:$0x3F9C];
	_ =	swait.ge [sflag:s4], $0x0  }
0x19: {  	s7 =	sld [smem:$0x3F9D]  }
0x1a: {  	s8 =	sadd.s32 $0xFFFFE003, lr  }
0x1b: {  	s9 =	sadd.s32 $0xFFFFFEF7, lr;
	s5 =	simm.s32 $0xFFFFFFFF;
	p2 =	slt.u32 s8, $0xFFFFF086  }
0x1c: {  	p1 =	slt.u32 s9, $0xF7A;
	s5 =	simm.s32 @!p2 $0x0  }
0x1d: {  	s5 =	simm.s32 @p1 $0x1;
	p0 =	seq.s32 s7, s2  }
0x1e: {  	s7 =	smul.u32 @!p0 $0xF7A, s2;
	p2 =	seq.s32 @!p0 s5, $0x0  }
0x1f: {  	s9 =	smul.u32 $0xF7A, s1;
	s8 =	simm.s32 @!p0 $0x1BF5;
	p2 =	por !p2, p0  }
0x20: {  	[sflag:s8] =	ssyncset.s32 @!p0 $0xFFFFF086;
	s6 =	sadd.s32 @!p0 s3, s7;
	s7 =	simm.s32 @!p0 $0x108  }
0x21: {  	s3 =	sadd.s32 s3, s9;
	s6 =	sadd.s32 @!p0 $0x88, s6;
	s7 =	simm.s32 @p2 $0x1082  }
0x22: {  	[simem:s7], [sflag:s8] =	dma.local @!p0 [hbm:s6], $0xF7A  }
0x23: {  	s9 =	sor.u32 $0xD0000000, s2;
	s6 =	simm.s32 $0x108;
	_ =	swait.ge @!p0 [sflag:s8], $0x0  }
0x24: {  	s3 =	sadd.s32 $0x88, s3;
	s6 =	simm.s32 @!p1 $0x1082;
	[sflag:s4] =	ssyncset.s32 $0xFFFFF086  }
0x25: {  	[simem:s6], [sflag:s4] =	dma.local [hbm:s3], $0xF7A  }
0x26: {  	[smem:$0x3F9D] =	sst s1;
	(tag) =	ssettag s2;
	_ =	strace s9  }
0x27: {  	s1 =	sld [smem:$0x3FAD]  }
0x28: {  	s2 =	sld [smem:$0x3FAE]  }
0x29: {  	s4 =	sld [smem:$0x3FB0]  }
0x2a: {  	p0 =	seq.s32 s5, $0x0;
	s5 =	sld [smem:$0x3FB1]  }
0x2b: {  	s6 =	sld [smem:$0x3FB2]  }
0x2c: {  	s7 =	sld [smem:$0x3FB3]  }
0x2d: {  	s3 =	simm.s32 $0x108;
	s8 =	sld [smem:$0x3FB4]  }
0x2e: {  	s3 =	simm.s32 @!p0 $0x1082;
	s9 =	sld [smem:$0x3FB5]  }
0x2f: {  	lr =	sadd.s32 s0, s3;
	s0 =	sld [smem:$0x3FAC]  }
0x30: {  	s3 =	sld [smem:$0x3FAF]  }
0x31: {  	[smem:$0x3FB8] =	sst s10  }
0x32: {  	s10 =	sld [smem:$0x3FB6];
	_ =	sdelay $0x3  }
0x33: {  	p0 =	seq.s32 s10, $0x1;
	s10 =	sld [smem:$0x3FB8];
	_ =	sdelay $0x3  }
0x34: {  	[smem:$0x3FB8] =	sst s10  }
0x35: {  	s10 =	sld [smem:$0x3FB7];
	_ =	sdelay $0x3  }
0x36: {  	p1 =	seq.s32 s10, $0x1;
	s10 =	sld [smem:$0x3FB8];
	_ =	sdelay $0x3  }
0x37: {  	[smem:$0x3FB8] =	sst s10  }
0x38: {  	s10 =	sld [smem:$0x3FB9]  }
0x39: {  	_ = 	snop;
	(pc) =	sbr.ind lr, $3  }
0x3a: {  	_ = 	snop  }
0x3b: {  	_ = 	snop  }
0x3c: {  	p2 =	seq.s32 s10, $0x1;
	s10 =	sld [smem:$0x3FB8]  }
0x3d: {  	_ =	shalt  }
0x3e: {  	_ =	shalt  }
0x3f: {  	_ =	shalt  }
0x40: {  	_ =	shalt  }
0x41: {  	_ =	shalt  }
0x42: {  	_ =	shalt  }
0x43: {  	_ =	shalt  }
0x44: {  	_ =	shalt  }
0x45: {  	_ =	shalt  }
0x46: {  	_ =	shalt  }
0x47: {  	_ =	shalt  }
0x48: {  	_ =	shalt  }
0x49: {  	_ =	shalt  }
0x4a: {  	_ =	shalt  }
0x4b: {  	_ =	shalt  }
0x4c: {  	_ =	shalt  }
0x4d: {  	_ =	shalt  }
0x4e: {  	_ =	shalt  }
0x4f: {  	_ =	shalt  }
0x50: {  	_ =	shalt  }
0x51: {  	_ =	shalt  }
0x52: {  	_ =	shalt  }
0x53: {  	_ =	shalt  }
0x54: {  	_ =	shalt  }
0x55: {  	_ =	shalt  }
0x56: {  	_ =	shalt  }
0x57: {  	_ =	shalt  }
0x58: {  	_ =	shalt  }
0x59: {  	_ =	shalt  }
0x5a: {  	_ =	shalt  }
0x5b: {  	_ =	shalt  }
0x5c: {  	_ =	shalt  }
0x5d: {  	_ =	shalt  }
0x5e: {  	_ =	shalt  }
0x5f: {  	_ =	shalt  }
0x60: {  	_ =	shalt  }
0x61: {  	_ =	shalt  }
0x62: {  	_ =	shalt  }
0x63: {  	_ =	shalt  }
0x64: {  	_ =	shalt  }
0x65: {  	_ =	shalt  }
0x66: {  	_ =	shalt  }
0x67: {  	_ =	shalt  }
0x68: {  	_ =	shalt  }
0x69: {  	_ =	shalt  }
0x6a: {  	_ =	shalt  }
0x6b: {  	_ =	shalt  }
0x6c: {  	_ =	shalt  }
0x6d: {  	_ =	shalt  }
0x6e: {  	_ =	shalt  }
0x6f: {  	_ =	shalt  }
0x70: {  	_ =	shalt  }
0x71: {  	_ =	shalt  }
0x72: {  	_ =	shalt  }
0x73: {  	_ =	shalt  }
0x74: {  	_ =	shalt  }
0x75: {  	_ =	shalt  }
0x76: {  	_ =	shalt  }
0x77: {  	_ =	shalt  }
0x78: {  	_ =	shalt  }
0x79: {  	_ =	shalt  }
0x7a: {  	_ =	shalt  }
0x7b: {  	_ =	shalt  }
0x7c: {  	_ =	shalt  }
0x7d: {  	_ =	shalt  }
0x7e: {  	_ =	shalt  }
0x7f: {  	_ =	shalt  }
0x80: {  	_ =	shalt  }
0x81: {  	_ =	shalt  }
0x82: {  	_ =	shalt  }
0x83: {  	_ =	shalt  }
0x84: {  	_ =	shalt  }
0x85: {  	_ =	shalt  }
0x86: {  	_ =	shalt  }
0x87: {  	_ =	shalt  }
.Lfunc_end0:
.L_simem_size_0:
called_computation_lowered:
.L_overlay_start_0:
0x88: {  	s2 =	sld [smem:$0x3FD9]  }
0x89: {  	s3 =	sld [smem:$0x3FFE];
	_ =	sdelay $0x1  }
0x8a: {  	s1 =	srdreg.scid  }
0x8b: {  	s0 =	sand.u32 $0x1, s1  }
0x8c: {  	s18 =	sshll.u32 s0, $0xA;
	s2 =	sadd.s32 s3, s2  }
0x8d: {  	s2 =	sadd.s32 s2, s18  }
0x8e: {  	[smem:$0x3FC4] =	sst s2  }
0x8f: {  	_ = 	snop  }
0x90: {  	s2 =	sld [smem:$0x3FC9]  }
0x91: {  	s19 =	sld [smem:$0x3FC8]  }
0x92: {  	s4 =	sld [smem:$0x3FC7]  }
0x93: {  	s5 =	sld [smem:$0x3FC6]  }
0x94: {  	s6 =	sld [smem:$0x3FD0];
	(tm) =	ssettm $0x1  }
0x95: {  	s7 =	sld [smem:$0x3FFB];
	_ =	sdelay $0x3  }
0x96: {  	_ =	strace s7  }
0x97: {  	s7 =	sld [smem:$0x3FFC];
	_ =	sdelay $0x3  }
0x98: {  	_ =	strace s7  }
0x99: {  	s7 =	sld [smem:$0x3FFD];
	_ =	sdelay $0x3  }
0x9a: {  	_ =	strace s7  }
0x9b: {  	_ =	strace $0x8FFFFFFF  }
0x9c: {  	s20 =	sld [smem:$0x3FDB];
	_ =	sdelay $0x1  }
0x9d: {  	s8 =	simm.s32 $_scs_section_size  }
0x9e: {  	s9 =	simm.s32 $_size__tile_overlayer_lowered;
	s10 =	simm.s32 $_tile_overlayer_lowered  }
0x9f: {  	s23 =	simm.s32 $0x1BFF;
	s22 =	sshll.u32 s10, $0x1;
	s7 =	sadd.s32 s8, s20  }
0xa0: {  	s11 =	simm.s32 $0x0;
	s21 =	sshll.u32 s9, $0x1;
	s9 =	sadd.s32 s22, s7  }
0xa1: {  	[timem:s11], [sflag:s23] =	dma.local [hbm:s9], s21  }
0xa2: {  	_ =	swait.ge [sflag:s23], s21  }
0xa3: {  	s8 =	ssub.s32 $0x0, s21;
	[sflag:s23] =	ssyncset.done $0x0  }
0xa4: {  	[sflag:s23] =	ssyncadd.s32 s8;
	_ =	sdelay $0x1  }
0xa5: {  	s24 =	simm.s32 $0x1B8B  }
0xa6: {  	_ =	swait.ge [sflag:s24], $0x1  }
0xa7: {  	[sflag:s24] =	ssyncset.done $0x0  }
0xa8: {  	s25 =	simm.s32 $0x1B8E;
	[sflag:s24] =	ssyncadd.s32 $0xFFFFFFFF  }
0xa9: {  	s26 =	simm.s32 $execute0_lowered;
	[smem:$0x3FD2] =	sst s25  }
0xaa: {  	s8 =	sshll.u32 s26, $0x1;
	_ =	strace $0x80000046;
	[dreg:$0x1] =	wrdreg $0xFFFFFFFF  }
0xab: {  	s28 =	simm.s32 $_size_execute0_lowered;
	s7 =	sadd.s32 s7, s8;
	[dreg:$0x0] =	wrdreg $0x0  }
0xac: {  	s8 =	sshll.u32 s28, $0x1;
	[dreg:$0x2] =	wrdreg s7  }
0xad: {  	[dreg:$0x3] =	wrdreg s8  }
0xae: {  	[dreg:$0x4] =	wrdreg $0xC0  }
0xaf: {  	_ =	task [dreg:s11], $0x5FFFF  }
0xb0: {  	[dreg:$0x1] =	wrdreg $0xFFFFFFFF  }
0xb1: {  	[dreg:$0x0] =	wrdreg $0x60  }
0xb2: {  	[dreg:$0x2] =	wrdreg s2  }
0xb3: {  	[dreg:$0x3] =	wrdreg s19  }
0xb4: {  	[dreg:$0x4] =	wrdreg s4  }
0xb5: {  	[dreg:$0x5] =	wrdreg s5  }
0xb6: {  	[dreg:$0x6] =	wrdreg s6  }
0xb7: {  	[dreg:$0x7] =	wrdreg $0x9  }
0xb8: {  	_ =	task.clear_ibuf [dreg:s11], $0x8FFFF;
	_ =	strace $0x90000046  }
0xb9: {  	s29 =	simm.s32 $0x9;
	_ =	strace $0x80000048  }
0xba: {  	_ =	swait.ge [sflag:s29], $0x1  }
0xbb: {  	[sflag:s29] =	ssyncadd.s32 $0xFFFFFFFF  }
0xbc: {  	_ =	strace $0x90000048  }
0xbd: {  	_ =	sfence  }
0xbe: {  	s30 =	sld [smem:$0x0];
	_ =	sdelay $0x2  }
0xbf: {  	s31 =	sshll.u32 s1, $0xD;
	s1 =	sshrl.u32 s1, $0x2  }
0xc0: {  	s3 =	sand.u32 $0x4000, s31;
	s1 =	sadd.s32 s1, s30  }
0xc1: {  	s0 =	sor.u32 s3, s0;
	s1 =	sshll.u32 s1, $0x11  }
0xc2: {  	s0 =	sor.u32 s1, s0  }
0xc3: {  	s0 =	sadd.s32 $0x8F2B, s0  }
0xc4: {  	[sflag:s0] =	ssyncadd.remote.s32 $0x1  }
0xc5: {  	_ =	sfence.sel $0xFFFF  }
0xc6: {  	[dreg:$0x0] =	wrdreg $0xFFFFFFFF;
	(pc) =	sbr.abs _section_cstart, $3  }
0xc7: {  	[dreg:$0x1] =	wrdreg $0xFFFFFFFF  }
0xc8: {  	_ =	task.clear_ibuf [dreg:s11], $0x2FFFF;
	_ =	strace $0x9FFFFFFF  }
0xc9: {  	(tm) =	ssettm $0x7FFFFFFF  }
tec
execute0_lowered:
.L_overlay_start_1:
0x0: {  	(tag) =	ssettag $0x1  }
0x1: {  	s6 =	rddreg [dreg:$0x0]  }
0x2: {  	s7 =	rddreg [dreg:$0x1]  }
0x3: {  	s1 =	rddreg [dreg:$0x2]  }
0x4: {  	s2 =	rddreg [dreg:$0x3]  }
0x5: {  	s5 =	rddreg [dreg:$0x4]  }
0x6: {  	s0 =	rddreg [dreg:$0x5];
	s8 =	srdreg.scid  }
0x7: {  	s4 =	simm.s32 $0x0;
	s3 =	stileid.u32;
	s12 =	simm.s32 $0x400  }
0x8: {  	s13 =	simm.s32 $0x600;
	s14 =	simm.s32 $0x500;
	s15 =	simm.s32 $0x700  }
0x9: {  	s16 =	simm.s32 $0x200;
	s17 =	simm.s32 $0x1;
	s18 =	simm.s32 $0x3  }
0xa: {  	s19 =	simm.s32 $0x4;
	s20 =	simm.s32 $0x2;
	s8 =	sand.u32 $0x1, s8  }
0xb: {  	s10 =	sshll.u32 s3, $0x7;
	[smem:$0x7FF] =	sst s4;
	s9 =	ssub.s32 $0x2, s8  }
0xc: {  	s8 =	sshll.u32 s8, $0x6;
	_ =	strace $0x80000047;
	s11 =	sshrl.u32 s9, $0x1  }
0xd: {  	s8 =	sor.u32 s8, s10;
	s10 =	simm.s32 $0x5;
	s9 =	ssub.s32 s9, s11  }
0xe: {  	s5 =	sadd.s32 s5, s8;
	s6 =	sadd.s32 s6, s8;
	s7 =	sadd.s32 s7, s8  }
0xf: {  	v0 =	vimm.f32 $1.000000010e-01;
	s11 =	simm.s32 $0x100;
	s8 =	sadd.s32 $0x20, s5;
	s9 =	smax.u32 s9, $0x1  }
.LBB2_1:
0x10: {  	[tilespmem:s4], [sflag:$0x5] =	stream.linear.gather [hbm4b:s6+s4], $0x200, $0x38;
	[tilespmem:$0x800] =	vst v63  }
0x11: {  	_ =	swait.ge [sflag:s10], $0x200  }
0x12: {  	[sflag:s10] =	ssyncset.done $0x0  }
0x13: {  	[sflag:s10] =	ssyncadd.s32 $0xFFFFFE00  }
0x14: {  	[tilespmem:s12], [sflag:$0x3] =	stream.indirect.gather [hbm4b:s2+s11], $0x1, s4, s11, $0xb8;
	[tilespmem:$0x800] =	vst v63  }
0x15: {  	_ = 	snop  }
0x16: {  	[tilespmem:s13], [sflag:$0x3] =	stream.indirect.gather [hbm4b:s1+s11], $0x1, s4, s11, $0xb8;
	[tilespmem:$0x800] =	vst v63  }
0x17: {  	_ = 	snop  }
0x18: {  	[tilespmem:s14], [sflag:$0x4] =	stream.indirect.gather [hbm4b:s2+s11], $0x1, s11, s11, $0xb8;
	[tilespmem:$0x800] =	vst v63  }
0x19: {  	_ = 	snop  }
0x1a: {  	[tilespmem:s15], [sflag:$0x4] =	stream.indirect.gather [hbm4b:s1+s11], $0x1, s11, s11, $0xb8;
	[tilespmem:$0x800] =	vst v63  }
0x1b: {  	_ = 	snop  }
0x1c: {  	[tilespmem:s16], [sflag:$0x1] =	stream.linear.gather [hbm4b:s7+s4], $0x200, $0x38;
	[tilespmem:$0x800] =	vst v63  }
0x1d: {  	_ =	swait.ge [sflag:s17], $0x200  }
0x1e: {  	[sflag:s17] =	ssyncset.done $0x0  }
0x1f: {  	[sflag:s17] =	ssyncadd.s32 $0xFFFFFE00  }
0x20: {  	_ =	swait.ge [sflag:s18], $0x100  }
0x21: {  	[sflag:s18] =	ssyncset.done $0x0  }
0x22: {  	[sflag:s18] =	ssyncadd.s32 $0xFFFFFF00  }
0x23: {  	_ =	swait.ge [sflag:s18], $0x100  }
0x24: {  	[sflag:s18] =	ssyncset.done $0x0  }
0x25: {  	[sflag:s18] =	ssyncadd.s32 $0xFFFFFF00  }
0x26: {  	v1 =	vld [tilespmem:$0x600]  }
0x27: {  	v2 =	vld [tilespmem:$0x610]  }
0x28: {  	v6 =	vld [tilespmem:$0x620]  }
0x29: {  	v7 =	vld [tilespmem:$0x400]  }
0x2a: {  	v8 =	vld [tilespmem:$0x200]  }
0x2b: {  	v10 =	vld [tilespmem:$0x410]  }
0x2c: {  	v11 =	vld [tilespmem:$0x210]  }
0x2d: {  	v13 =	vld [tilespmem:$0x630]  }
0x2e: {  	v14 =	vld [tilespmem:$0x420]  }
0x2f: {  	v40 =	vld [tilespmem:$0x220]  }
0x30: {  	v45 =	vld [tilespmem:$0x430]  }
0x31: {  	v47 =	vld [tilespmem:$0x230]  }
0x32: {  	v53 =	vld [tilespmem:$0x660]  }
0x33: {  	v15 =	vld [tilespmem:$0x440]  }
0x34: {  	v16 =	vld [tilespmem:$0x240]  }
0x35: {  	v62 =	vld [tilespmem:$0x450]  }
0x36: {  	v17 =	vld [tilespmem:$0x670]  }
0x37: {  	v63 =	vld [tilespmem:$0x250];
	v1 =	vadd.f32 $9.999999740e-06, v1  }
0x38: {  	v30 =	vld [tilespmem:$0x260];
	v2 =	vadd.f32 $9.999999740e-06, v2;
	v6 =	vadd.f32 $9.999999740e-06, v6;
	v7 =	vmul.f32 $1.000000000e+02, v7  }
0x39: {  	vm0 =	veq.s32 v8, $0x0;
	v10 =	vmul.f32 $1.000000000e+02, v10;
	vm9 =	veq.s32 v11, $0x0  }
0x3a: {  	v34 =	vadd.f32 $9.999999740e-06, v13;
	v42 =	vmul.f32 $1.000000000e+02, v14;
	vm10 =	veq.s32 v40, $0x0  }
0x3b: {  	v51 =	vmul.f32 $1.000000000e+02, v45;
	vm11 =	veq.s32 v47, $0x0;
	v14 =	vadd.f32 $9.999999740e-06, v53  }
0x3c: {  	v60 =	vmul.f32 $1.000000000e+02, v15;
	vm12 =	veq.s32 v16, $0x0;
	v26 =	vmul.f32 $1.000000000e+02, v62  }
0x3d: {  	v27 =	vadd.f32 $9.999999740e-06, v17;
	vm13 =	veq.s32 v63, $0x0;
	vm14 =	veq.s32 v30, $0x0  }
0x3e: {  	v32 =	vsel vm0, $0x0, v0;
	v35 =	vsel vm9, $0x0, v0;
	v46 =	vsel vm10, $0x0, v0  }
0x3f: {  	v55 =	vsel vm11, $0x0, v0;
	v18 =	vsel vm12, $0x0, v0;
	v3 =	vand.u32 $0x7FFFFF, v1  }
0x40: {  	v5 =	vand.u32 $0x7FFFFF, v2;
	v1 =	vshra.s32 v1, $0x17;
	v12 =	vand.u32 $0x7FFFFF, v6  }
0x41: {  	v7 =	vadd.f32 $1.760593870e+02, v7;
	v2 =	vshra.s32 v2, $0x17;
	v10 =	vadd.f32 $1.760593870e+02, v10  }
0x42: {  	v36 =	vand.u32 $0x7FFFFF, v34;
	v41 =	vshra.s32 v6, $0x17;
	v6 =	vadd.f32 $1.760593870e+02, v42  }
0x43: {  	v11 =	vshra.s32 v34, $0x17;
	v61 =	vand.u32 $0x7FFFFF, v14;
	v17 =	vand.u32 $0x7FFFFF, v27  }
0x44: {  	v3 =	vor.u32 $0x3F800000, v3;
	v5 =	vor.u32 $0x3F800000, v5;
	v1 =	vcvt.s32.f32 v1  }
0x45: {  	v31 =	vor.u32 $0x3F800000, v12;
	v2 =	vcvt.s32.f32 v2;
	v13 =	vor.u32 $0x3F800000, v36  }
0x46: {  	v28 =	vld [tilespmem:$0x680];
	v11 =	vcvt.s32.f32 v11;
	v3 =	vadd.f32 $-1.000000000e+00, v3;
	v5 =	vadd.f32 $-1.000000000e+00, v5  }
0x47: {  	v40 =	vld [tilespmem:$0x270];
	v15 =	vor.u32 $0x3F800000, v61;
	v8 =	vadd.f32 $-1.000000000e+00, v31;
	v7 =	vsub.f32 v7, v32  }
0x48: {  	v17 =	vor.u32 $0x3F800000, v17;
	v10 =	vsub.f32 v10, v35;
	v37 =	vadd.f32 $-1.000000000e+00, v13  }
0x49: {  	v38 =	vld [tilespmem:$0x640];
	v36 =	vshra.s32 v14, $0x17;
	v6 =	vsub.f32 v6, v46;
	v15 =	vadd.f32 $-1.000000000e+00, v15  }
0x4a: {  	v42 =	vld [tilespmem:$0x690];
	v17 =	vadd.f32 $-1.000000000e+00, v17;
	v1 =	vmul.f32 $1.386294360e+00, v1;
	v2 =	vmul.f32 $1.386294360e+00, v2  }
0x4b: {  	v35 =	vadd.f32 $9.999999740e-06, v28;
	v4 =	vmul.f32 $1.175129410e-01, v3;
	v9 =	vmul.f32 $1.175129410e-01, v5  }
0x4c: {  	v56 =	vmul.f32 $1.386294360e+00, v11;
	vm15 =	veq.s32 v40, $0x0;
	v1 =	vsub.f32 v7, v1  }
0x4d: {  	v61 =	vld [tilespmem:$0x290];
	v33 =	vmul.f32 $1.175129410e-01, v8;
	v4 =	vsub.f32 $4.513688680e-01, v4;
	v9 =	vsub.f32 $4.513688680e-01, v9  }
0x4e: {  	v13 =	vmul.f32 $1.175129410e-01, v37;
	v39 =	vsub.f32 v10, v2;
	v7 =	vadd.f32 $9.999999740e-06, v38  }
0x4f: {  	v46 =	vld [tilespmem:$0x480];
	v47 =	vadd.f32 $9.999999740e-06, v42;
	v4 =	vmul.f32 v4, v3;
	v9 =	vmul.f32 v9, v5  }
0x50: {  	v20 =	vmul.f32 $1.175129410e-01, v15;
	v12 =	vsub.f32 $4.513688680e-01, v33;
	v43 =	vsub.f32 $4.513688680e-01, v13  }
0x51: {  	v34 =	vmul.f32 $1.175129410e-01, v17;
	v38 =	vld [tilespmem:$0x470];
	v4 =	vadd.f32 $-9.426011440e-01, v4;
	v9 =	vadd.f32 $-9.426011440e-01, v9  }
0x52: {  	v24 =	vsub.f32 $4.513688680e-01, v20;
	vm5 =	veq.s32 v61, $0x0;
	v48 =	vand.u32 $0x7FFFFF, v7  }
0x53: {  	v28 =	vld [tilespmem:$0x4A0];
	v7 =	vshra.s32 v7, $0x17;
	v4 =	vmul.f32 v4, v3;
	v9 =	vmul.f32 v9, v5  }
0x54: {  	v61 =	vld [tilespmem:$0x2E0];
	v20 =	vand.u32 $0x7FFFFF, v47;
	v53 =	vmul.f32 $1.000000000e+02, v46;
	v58 =	vcvt.s32.f32 v7  }
0x55: {  	v12 =	vmul.f32 v12, v8;
	v4 =	vadd.f32 $1.994897720e+00, v4;
	v9 =	vadd.f32 $1.994897720e+00, v9  }
0x56: {  	v44 =	vld [tilespmem:$0x650];
	v50 =	vor.u32 $0x3F800000, v48;
	v19 =	vmul.f32 $1.386294360e+00, v58;
	v45 =	vmul.f32 $1.000000000e+02, v38  }
0x57: {  	v12 =	vadd.f32 $-9.426011440e-01, v12;
	v3 =	vmul.f32 v4, v3;
	v5 =	vmul.f32 v9, v5  }
0x58: {  	v58 =	vadd.f32 $1.760593870e+02, v53;
	v38 =	vmul.f32 $1.000000000e+02, v28;
	v9 =	vmul.f32 v43, v37  }
0x59: {  	vm10 =	veq.s32 v61, $0x0;
	v2 =	vsub.f32 v1, v3;
	v1 =	vsub.f32 v39, v5  }
0x5a: {  	v3 =	vmul.f32 v12, v8;
	v5 =	vcvt.s32.f32 v41;
	v49 =	vadd.f32 $-9.426011440e-01, v9  }
0x5b: {  	v9 =	vadd.f32 $-1.000000000e+00, v50;
	v12 =	vadd.f32 $9.999999740e-06, v44;
	v39 =	vand.u32 $0x7FFFFF, v35  }
0x5c: {  	v41 =	vsel vm14, $0x0, v0;
	v16 =	vor.u32 $0x3F800000, v39;
	v3 =	vadd.f32 $1.994897720e+00, v3  }
0x5d: {  	v5 =	vmul.f32 $1.386294360e+00, v5;
	v52 =	vmul.f32 $1.175129410e-01, v9;
	v54 =	vand.u32 $0x7FFFFF, v12  }
0x5e: {  	v48 =	vld [tilespmem:$0x6A0];
	v25 =	vshra.s32 v12, $0x17;
	v12 =	vcvt.s32.f32 v36;
	v16 =	vadd.f32 $-1.000000000e+00, v16  }
0x5f: {  	v39 =	vld [tilespmem:$0x2B0];
	v13 =	vor.u32 $0x3F800000, v54;
	v3 =	vmul.f32 v3, v8;
	v5 =	vsub.f32 v6, v5  }
0x60: {  	v8 =	vmul.f32 v49, v37;
	v6 =	vadd.f32 $1.760593870e+02, v51;
	v10 =	vsub.f32 $4.513688680e-01, v52  }
0x61: {  	v29 =	vld [tilespmem:$0x460];
	v13 =	vadd.f32 $-1.000000000e+00, v13;
	v12 =	vmul.f32 $1.386294360e+00, v12;
	v51 =	vor.u32 $0x3F800000, v20  }
0x62: {  	v44 =	vmul.f32 $1.175129410e-01, v16;
	v49 =	vld [tilespmem:$0x280];
	v52 =	vadd.f32 $-1.000000000e+00, v51;
	v4 =	vsub.f32 v6, v55  }
0x63: {  	v8 =	vadd.f32 $1.994897720e+00, v8;
	v10 =	vmul.f32 v10, v9;
	v57 =	vmul.f32 $1.175129410e-01, v13  }
0x64: {  	v55 =	vadd.f32 $9.999999740e-06, v48;
	vm7 =	veq.s32 v39, $0x0;
	v6 =	vsub.f32 v4, v56  }
0x65: {  	v54 =	vmul.f32 $1.175129410e-01, v52;
	v59 =	vadd.f32 $-9.426011440e-01, v10;
	v11 =	vsub.f32 $4.513688680e-01, v57  }
0x66: {  	v51 =	vld [tilespmem:$0x2C0];
	v8 =	vmul.f32 v8, v37;
	v10 =	vadd.f32 $1.760593870e+02, v60;
	v4 =	vsub.f32 v5, v3  }
0x67: {  	v37 =	vmul.f32 $1.000000000e+02, v29;
	vm4 =	veq.s32 v49, $0x0;
	v14 =	vsub.f32 $4.513688680e-01, v54  }
0x68: {  	v7 =	vmul.f32 v59, v9;
	v11 =	vmul.f32 v11, v13;
	v10 =	vsub.f32 v10, v18  }
0x69: {  	v3 =	vsub.f32 v6, v8;
	v8 =	vmul.f32 v24, v15;
	v18 =	vsel vm13, $0x0, v0  }
0x6a: {  	v56 =	vld [tilespmem:$0x6B0];
	v59 =	vsel vm4, $0x0, v0;
	v7 =	vadd.f32 $1.994897720e+00, v7;
	v11 =	vadd.f32 $-9.426011440e-01, v11  }
0x6b: {  	vm8 =	veq.s32 v51, $0x0;
	v22 =	vsub.f32 v10, v19;
	v10 =	vadd.f32 $1.760593870e+02, v26  }
0x6c: {  	v62 =	vmul.f32 v14, v52;
	v8 =	vadd.f32 $-9.426011440e-01, v8;
	v21 =	vmul.f32 v7, v9  }
0x6d: {  	v23 =	vmul.f32 v11, v13;
	v9 =	vcvt.s32.f32 v25;
	v10 =	vsub.f32 v10, v18  }
0x6e: {  	v32 =	vmul.f32 v8, v15;
	v11 =	vshra.s32 v27, $0x17;
	v18 =	vsel vm15, $0x0, v0  }
0x6f: {  	v25 =	vadd.f32 $9.999999740e-06, v56;
	v56 =	vsel vm8, $0x0, v0;
	v11 =	vcvt.s32.f32 v11  }
0x70: {  	v7 =	vadd.f32 $1.994897720e+00, v23;
	v9 =	vmul.f32 $1.386294360e+00, v9;
	v5 =	vsub.f32 v22, v21  }
0x71: {  	v21 =	vand.u32 $0x7FFFFF, v55;
	v27 =	vand.u32 $0x7FFFFF, v25;
	v22 =	vsel vm5, $0x0, v0  }
0x72: {  	v11 =	vmul.f32 $1.386294360e+00, v11;
	v21 =	vor.u32 $0x3F800000, v21;
	v20 =	vor.u32 $0x3F800000, v27  }
0x73: {  	v31 =	vmul.f32 v7, v13;
	v33 =	vsub.f32 v10, v9;
	v7 =	vadd.f32 $1.994897720e+00, v32  }
0x74: {  	v24 =	vld [tilespmem:$0x6D0];
	v9 =	vsub.f32 $4.513688680e-01, v34;
	v13 =	vadd.f32 $1.760593870e+02, v37;
	v10 =	vshra.s32 v35, $0x17  }
0x75: {  	v23 =	vld [tilespmem:$0x2A0];
	v63 =	vadd.f32 $-1.000000000e+00, v21;
	v30 =	vadd.f32 $-1.000000000e+00, v20;
	v34 =	vshra.s32 v55, $0x17  }
0x76: {  	v20 =	vadd.f32 $1.760593870e+02, v38;
	v10 =	vcvt.s32.f32 v10;
	v9 =	vmul.f32 v9, v17  }
0x77: {  	v6 =	vsub.f32 v33, v31;
	v43 =	vsub.f32 v13, v41;
	v7 =	vmul.f32 v7, v15  }
0x78: {  	v55 =	vld [tilespmem:$0x4D0];
	v13 =	vsub.f32 $4.513688680e-01, v44;
	v15 =	vshra.s32 v47, $0x17;
	v26 =	vmul.f32 $1.175129410e-01, v63  }
0x79: {  	v32 =	vmul.f32 $1.175129410e-01, v30;
	v47 =	vadd.f32 $9.999999740e-06, v24;
	v10 =	vmul.f32 $1.386294360e+00, v10  }
0x7a: {  	v60 =	vld [tilespmem:$0x490];
	v15 =	vcvt.s32.f32 v15;
	vm6 =	veq.s32 v23, $0x0;
	v9 =	vadd.f32 $-9.426011440e-01, v9  }
0x7b: {  	v31 =	vld [tilespmem:$0x6C0];
	v8 =	vsub.f32 v43, v12;
	v12 =	vadd.f32 $1.760593870e+02, v45;
	v13 =	vmul.f32 v13, v16  }
0x7c: {  	v19 =	vsub.f32 $4.513688680e-01, v26;
	v36 =	vsub.f32 $4.513688680e-01, v32;
	v40 =	vsel vm6, $0x0, v0  }
0x7d: {  	v43 =	vsel vm7, $0x0, v0;
	v15 =	vmul.f32 $1.386294360e+00, v15;
	v20 =	vsub.f32 v20, v40  }
0x7e: {  	v14 =	vmul.f32 $1.000000000e+02, v55;
	v12 =	vsub.f32 v12, v18;
	v7 =	vsub.f32 v8, v7  }
0x7f: {  	v53 =	vld [tilespmem:$0x6F0];
	v9 =	vmul.f32 v9, v17;
	v50 =	vadd.f32 $-9.426011440e-01, v13;
	v13 =	vsub.f32 v58, v59  }
0x80: {  	v18 =	vmul.f32 $1.000000000e+02, v60;
	v37 =	vadd.f32 $9.999999740e-06, v31;
	v14 =	vadd.f32 $1.760593870e+02, v14  }
0x81: {  	v19 =	vmul.f32 v19, v63;
	v9 =	vadd.f32 $1.994897720e+00, v9;
	v11 =	vsub.f32 v12, v11  }
0x82: {  	v8 =	vmul.f32 v50, v16;
	v10 =	vsub.f32 v13, v10;
	v29 =	vadd.f32 $1.760593870e+02, v18  }
0x83: {  	v33 =	vadd.f32 $-9.426011440e-01, v19;
	v13 =	vshra.s32 v25, $0x17;
	v50 =	vand.u32 $0x7FFFFF, v47  }
0x84: {  	v60 =	vld [tilespmem:$0x4E0];
	v18 =	vadd.f32 $9.999999740e-06, v53;
	v41 =	vand.u32 $0x7FFFFF, v37;
	v13 =	vcvt.s32.f32 v13  }
0x85: {  	v19 =	vshra.s32 v37, $0x17;
	v9 =	vmul.f32 v9, v17;
	v57 =	vadd.f32 $1.994897720e+00, v8  }
0x86: {  	v12 =	vmul.f32 v33, v63;
	v17 =	vmul.f32 v36, v30;
	v23 =	vor.u32 $0x3F800000, v41  }
0x87: {  	v19 =	vcvt.s32.f32 v19;
	v25 =	vand.u32 $0x7FFFFF, v18;
	v23 =	vadd.f32 $-1.000000000e+00, v23  }
0x88: {  	v35 =	vld [tilespmem:$0x4B0];
	v13 =	vmul.f32 $1.386294360e+00, v13;
	v25 =	vor.u32 $0x3F800000, v25;
	v8 =	vsub.f32 v11, v9  }
0x89: {  	v33 =	vmul.f32 $1.000000000e+02, v60;
	v11 =	vadd.f32 $-9.426011440e-01, v62;
	v9 =	vsub.f32 v29, v22  }
0x8a: {  	v16 =	vmul.f32 v57, v16;
	v12 =	vadd.f32 $1.994897720e+00, v12;
	v17 =	vadd.f32 $-9.426011440e-01, v17  }
0x8b: {  	v27 =	vld [tilespmem:$0x4F0];
	v19 =	vmul.f32 $1.386294360e+00, v19;
	v25 =	vadd.f32 $-1.000000000e+00, v25;
	v42 =	vmul.f32 $1.175129410e-01, v23  }
0x8c: {  	v11 =	vmul.f32 v11, v52;
	v9 =	vsub.f32 v9, v15;
	v15 =	vcvt.s32.f32 v34  }
0x8d: {  	v10 =	vsub.f32 v10, v16;
	v16 =	vmul.f32 $1.000000000e+02, v35;
	v17 =	vmul.f32 v17, v30  }
0x8e: {  	v36 =	vsel vm10, $0x0, v0;
	v57 =	vld [tilespmem:$0x2D0];
	v12 =	vmul.f32 v12, v63;
	v26 =	vmul.f32 $1.175129410e-01, v25  }
0x8f: {  	v44 =	vld [tilespmem:$0x6E0];
	v34 =	vshra.s32 v18, $0x17;
	v21 =	vsub.f32 $4.513688680e-01, v42;
	v15 =	vmul.f32 $1.386294360e+00, v15  }
0x90: {  	v35 =	vmul.f32 $1.000000000e+02, v27;
	v11 =	vadd.f32 $1.994897720e+00, v11;
	v16 =	vadd.f32 $1.760593870e+02, v16  }
0x91: {  	v46 =	vld [tilespmem:$0x4C0];
	[tilespmem:$0x650] =	vst v6;
	v6 =	vcvt.s32.f32 v34;
	v17 =	vadd.f32 $1.994897720e+00, v17;
	v45 =	vsub.f32 v20, v15  }
0x92: {  	v26 =	vsub.f32 $4.513688680e-01, v26;
	v37 =	vadd.f32 $1.760593870e+02, v35;
	v48 =	vmul.f32 v21, v23  }
0x93: {  	vm9 =	veq.s32 v57, $0x0;
	v49 =	vsub.f32 v45, v12;
	v12 =	vor.u32 $0x3F800000, v50  }
0x94: {  	v11 =	vmul.f32 v11, v52;
	v52 =	vadd.f32 $9.999999740e-06, v44;
	v12 =	vadd.f32 $-1.000000000e+00, v12  }
0x95: {  	v6 =	vmul.f32 $1.386294360e+00, v6;
	v16 =	vsub.f32 v16, v43;
	v17 =	vmul.f32 v17, v30  }
0x96: {  	v15 =	vmul.f32 $1.000000000e+02, v46;
	v22 =	vand.u32 $0x7FFFFF, v52;
	v54 =	vmul.f32 $1.175129410e-01, v12  }
0x97: {  	v20 =	vshra.s32 v47, $0x17;
	v62 =	vsel vm9, $0x0, v0;
	v22 =	vor.u32 $0x3F800000, v22  }
0x98: {  	v31 =	vmul.f32 v26, v25;
	v22 =	vadd.f32 $-1.000000000e+00, v22;
	v21 =	vsub.f32 $4.513688680e-01, v54  }
0x99: {  	[tilespmem:$0x610] =	vst v1;
	v20 =	vcvt.s32.f32 v20;
	v1 =	vsub.f32 v14, v62;
	v13 =	vsub.f32 v16, v13  }
0x9a: {  	[tilespmem:$0x620] =	vst v4;
	v9 =	vsub.f32 v9, v11;
	v58 =	vmul.f32 $1.175129410e-01, v22;
	v21 =	vmul.f32 v21, v12  }
0x9b: {  	v30 =	vld [tilespmem:$0x2F0];
	v16 =	vadd.f32 $-9.426011440e-01, v48;
	v15 =	vadd.f32 $1.760593870e+02, v15;
	v28 =	vshra.s32 v52, $0x17  }
0x9c: {  	v63 =	vmul.f32 $1.386294360e+00, v20;
	v24 =	vsub.f32 $4.513688680e-01, v58;
	v21 =	vadd.f32 $-9.426011440e-01, v21  }
0x9d: {  	[tilespmem:$0x630] =	vst v3;
	v4 =	vadd.f32 $-9.426011440e-01, v31;
	v3 =	vcvt.s32.f32 v28;
	v16 =	vmul.f32 v16, v23  }
0x9e: {  	v13 =	vsub.f32 v13, v17;
	v24 =	vmul.f32 v24, v22;
	v59 =	vmul.f32 v21, v12  }
0x9f: {  	[tilespmem:$0x600] =	vst v2;
	v15 =	vsub.f32 v15, v56;
	v4 =	vmul.f32 v4, v25;
	v1 =	vsub.f32 v1, v63  }
0xa0: {  	[tilespmem:$0x640] =	vst v5;
	vm11 =	veq.s32 v30, $0x0;
	v24 =	vadd.f32 $-9.426011440e-01, v24;
	v2 =	vadd.f32 $1.994897720e+00, v59  }
0xa1: {  	[tilespmem:$0x660] =	vst v7;
	v16 =	vadd.f32 $1.994897720e+00, v16;
	v15 =	vsub.f32 v15, v19;
	v38 =	vsel vm11, $0x0, v0  }
0xa2: {  	[tilespmem:$0x670] =	vst v8;
	v29 =	vmul.f32 v24, v22;
	v2 =	vmul.f32 v2, v12;
	v12 =	vadd.f32 $1.760593870e+02, v33  }
0xa3: {  	[tilespmem:$0x680] =	vst v10;
	v3 =	vmul.f32 $1.386294360e+00, v3;
	v4 =	vadd.f32 $1.994897720e+00, v4;
	v8 =	vsub.f32 v37, v38  }
0xa4: {  	[tilespmem:$0x690] =	vst v9;
	v16 =	vmul.f32 v16, v23;
	v32 =	vadd.f32 $1.994897720e+00, v29;
	v7 =	vsub.f32 v12, v36  }
0xa5: {  	[tilespmem:$0x6A0] =	vst v49;
	v40 =	vsub.f32 v8, v6;
	v1 =	vsub.f32 v1, v2;
	v2 =	vmul.f32 v4, v25  }
0xa6: {  	[tilespmem:$0x6B0] =	vst v13;
	v39 =	vsub.f32 v15, v16;
	v5 =	vmul.f32 v32, v22;
	v3 =	vsub.f32 v7, v3  }
0xa7: {  	[tilespmem:$0x6D0] =	vst v1;
	v1 =	vsub.f32 v40, v2  }
0xa8: {  	[tilespmem:$0x6C0] =	vst v39;
	v3 =	vsub.f32 v3, v5  }
0xa9: {  	[tilespmem:$0x6F0] =	vst v1  }
0xaa: {  	[tilespmem:$0x6E0] =	vst v3  }
0xab: {  	[hbm4b:s5+s4] =	stream.linear.scatter [tilespmem:s13], [sflag:$0x2], $0x100, $0x38;
	[tilespmem:$0x800] =	vst v63  }
0xac: {  	_ =	swait.ge [sflag:s19], $0x100  }
0xad: {  	[sflag:s19] =	ssyncset.done $0x0  }
0xae: {  	[sflag:s19] =	ssyncadd.s32 $0xFFFFFF00  }
0xaf: {  	_ =	swait.ge [sflag:s19], $0x100  }
0xb0: {  	[sflag:s19] =	ssyncset.done $0x0  }
0xb1: {  	[sflag:s19] =	ssyncadd.s32 $0xFFFFFF00  }
0xb2: {  	v1 =	vld [tilespmem:$0x700]  }
0xb3: {  	v2 =	vld [tilespmem:$0x710]  }
0xb4: {  	v43 =	vld [tilespmem:$0x720]  }
0xb5: {  	v44 =	vld [tilespmem:$0x500]  }
0xb6: {  	v45 =	vld [tilespmem:$0x300]  }
0xb7: {  	v47 =	vld [tilespmem:$0x730]  }
0xb8: {  	v50 =	vld [tilespmem:$0x510]  }
0xb9: {  	v51 =	vld [tilespmem:$0x310]  }
0xba: {  	v56 =	vld [tilespmem:$0x740]  }
0xbb: {  	v57 =	vld [tilespmem:$0x520]  }
0xbc: {  	v59 =	vld [tilespmem:$0x320]  }
0xbd: {  	v20 =	vld [tilespmem:$0x330]  }
0xbe: {  	v22 =	vld [tilespmem:$0x750]  }
0xbf: {  	v29 =	vld [tilespmem:$0x540]  }
0xc0: {  	v31 =	vld [tilespmem:$0x760]  }
0xc1: {  	v32 =	vld [tilespmem:$0x340]  }
0xc2: {  	v40 =	vld [tilespmem:$0x550];
	v1 =	vadd.f32 $9.999999740e-06, v1;
	v2 =	vadd.f32 $9.999999740e-06, v2  }
0xc3: {  	v6 =	vadd.f32 $9.999999740e-06, v43;
	v7 =	vmul.f32 $1.000000000e+02, v44;
	vm12 =	veq.s32 v45, $0x0  }
0xc4: {  	v10 =	vadd.f32 $9.999999740e-06, v47;
	v12 =	vmul.f32 $1.000000000e+02, v50;
	vm13 =	veq.s32 v51, $0x0  }
0xc5: {  	v13 =	vadd.f32 $9.999999740e-06, v56;
	v63 =	vmul.f32 $1.000000000e+02, v57;
	vm14 =	veq.s32 v59, $0x0  }
0xc6: {  	vm15 =	veq.s32 v20, $0x0;
	v26 =	vadd.f32 $9.999999740e-06, v22;
	v37 =	vmul.f32 $1.000000000e+02, v29  }
0xc7: {  	v38 =	vadd.f32 $9.999999740e-06, v31;
	vm4 =	veq.s32 v32, $0x0;
	v45 =	vmul.f32 $1.000000000e+02, v40  }
0xc8: {  	v49 =	vsel vm12, $0x0, v0;
	v11 =	vsel vm13, $0x0, v0;
	v24 =	vsel vm14, $0x0, v0  }
0xc9: {  	v39 =	vld [tilespmem:$0x770];
	v27 =	vsel vm15, $0x0, v0;
	v3 =	vand.u32 $0x7FFFFF, v1;
	v42 =	vand.u32 $0x7FFFFF, v2  }
0xca: {  	v1 =	vshra.s32 v1, $0x17;
	v48 =	vand.u32 $0x7FFFFF, v6;
	v7 =	vadd.f32 $1.760593870e+02, v7  }
0xcb: {  	v2 =	vshra.s32 v2, $0x17;
	v55 =	vand.u32 $0x7FFFFF, v10;
	v58 =	vadd.f32 $1.760593870e+02, v12  }
0xcc: {  	v6 =	vshra.s32 v6, $0x17;
	v21 =	vand.u32 $0x7FFFFF, v13;
	v10 =	vshra.s32 v10, $0x17  }
0xcd: {  	v28 =	vand.u32 $0x7FFFFF, v26;
	v36 =	vshra.s32 v13, $0x17;
	v43 =	vand.u32 $0x7FFFFF, v38  }
0xce: {  	v14 =	vshra.s32 v26, $0x17;
	v13 =	vadd.f32 $9.999999740e-06, v39;
	v3 =	vor.u32 $0x3F800000, v3  }
0xcf: {  	v5 =	vor.u32 $0x3F800000, v42;
	v1 =	vcvt.s32.f32 v1;
	v8 =	vor.u32 $0x3F800000, v48  }
0xd0: {  	v51 =	vld [tilespmem:$0x360];
	v2 =	vcvt.s32.f32 v2;
	v62 =	vcvt.s32.f32 v6;
	v6 =	vadd.f32 $1.760593870e+02, v63  }
0xd1: {  	v31 =	vld [tilespmem:$0x580];
	v23 =	vor.u32 $0x3F800000, v21;
	v10 =	vcvt.s32.f32 v10;
	v17 =	vor.u32 $0x3F800000, v28  }
0xd2: {  	v59 =	vld [tilespmem:$0x790];
	v44 =	vor.u32 $0x3F800000, v43;
	v3 =	vadd.f32 $-1.000000000e+00, v3;
	v5 =	vadd.f32 $-1.000000000e+00, v5  }
0xd3: {  	v32 =	vld [tilespmem:$0x380];
	v14 =	vcvt.s32.f32 v14;
	v8 =	vadd.f32 $-1.000000000e+00, v8;
	v7 =	vsub.f32 v7, v49  }
0xd4: {  	v12 =	vadd.f32 $-1.000000000e+00, v23;
	v30 =	vadd.f32 $-1.000000000e+00, v17;
	v48 =	vand.u32 $0x7FFFFF, v13  }
0xd5: {  	v1 =	vmul.f32 $1.386294360e+00, v1;
	v2 =	vmul.f32 $1.386294360e+00, v2;
	v6 =	vsub.f32 v6, v24  }
0xd6: {  	v10 =	vmul.f32 $1.386294360e+00, v10;
	vm6 =	veq.s32 v51, $0x0;
	v39 =	vmul.f32 $1.000000000e+02, v31  }
0xd7: {  	v42 =	vld [tilespmem:$0x350];
	v29 =	vadd.f32 $9.999999740e-06, v59;
	v41 =	vmul.f32 $1.175129410e-01, v3;
	v46 =	vmul.f32 $1.175129410e-01, v5  }
0xd8: {  	vm8 =	veq.s32 v32, $0x0;
	v52 =	vmul.f32 $1.175129410e-01, v8;
	v25 =	vmul.f32 $1.175129410e-01, v12  }
0xd9: {  	v34 =	vmul.f32 $1.175129410e-01, v30;
	v43 =	vsel vm8, $0x0, v0;
	v1 =	vsub.f32 v7, v1  }
0xda: {  	v49 =	vld [tilespmem:$0x560];
	v19 =	vand.u32 $0x7FFFFF, v29;
	v4 =	vsub.f32 $4.513688680e-01, v41;
	v9 =	vsub.f32 $4.513688680e-01, v46  }
0xdb: {  	v31 =	vld [tilespmem:$0x5C0];
	v54 =	vsub.f32 $4.513688680e-01, v52;
	v16 =	vsub.f32 $4.513688680e-01, v25;
	v41 =	vsel vm4, $0x0, v0  }
0xdc: {  	v47 =	vld [tilespmem:$0x780];
	vm5 =	veq.s32 v42, $0x0;
	v52 =	vmul.f32 $1.386294360e+00, v14;
	v19 =	vor.u32 $0x3F800000, v19  }
0xdd: {  	v51 =	vld [tilespmem:$0x3A0];
	v50 =	vsel vm5, $0x0, v0;
	v4 =	vmul.f32 v4, v3;
	v9 =	vmul.f32 v9, v5  }
0xde: {  	v40 =	vld [tilespmem:$0x590];
	v19 =	vadd.f32 $-1.000000000e+00, v19;
	v7 =	vmul.f32 v54, v8;
	v16 =	vmul.f32 v16, v12  }
0xdf: {  	v42 =	vld [tilespmem:$0x390];
	v56 =	vmul.f32 $1.000000000e+02, v49;
	v4 =	vadd.f32 $-9.426011440e-01, v4;
	v9 =	vadd.f32 $-9.426011440e-01, v9  }
0xe0: {  	v21 =	vmul.f32 $1.000000000e+02, v31;
	v7 =	vadd.f32 $-9.426011440e-01, v7;
	v33 =	vadd.f32 $-9.426011440e-01, v16  }
0xe1: {  	v4 =	vmul.f32 v4, v3;
	v53 =	vmul.f32 v9, v5;
	v9 =	vor.u32 $0x3F800000, v55  }
0xe2: {  	v61 =	vld [tilespmem:$0x530];
	vm10 =	veq.s32 v51, $0x0;
	v16 =	vadd.f32 $9.999999740e-06, v47;
	v9 =	vadd.f32 $-1.000000000e+00, v9  }
0xe3: {  	v47 =	vmul.f32 $1.000000000e+02, v40;
	v40 =	vadd.f32 $1.760593870e+02, v21;
	v4 =	vadd.f32 $1.994897720e+00, v4  }
0xe4: {  	vm9 =	veq.s32 v42, $0x0;
	v7 =	vmul.f32 v7, v8;
	v60 =	vmul.f32 $1.175129410e-01, v9  }
0xe5: {  	v42 =	vld [tilespmem:$0x5D0];
	v57 =	vand.u32 $0x7FFFFF, v16;
	v3 =	vmul.f32 v4, v3;
	v4 =	vadd.f32 $1.994897720e+00, v53  }
0xe6: {  	v35 =	vmul.f32 v33, v12;
	v17 =	vor.u32 $0x3F800000, v57;
	v15 =	vsub.f32 $4.513688680e-01, v60  }
0xe7: {  	v5 =	vmul.f32 v4, v5;
	v4 =	vsub.f32 v58, v11;
	v11 =	vmul.f32 $1.000000000e+02, v61  }
0xe8: {  	v7 =	vadd.f32 $1.994897720e+00, v7;
	v17 =	vadd.f32 $-1.000000000e+00, v17;
	v15 =	vmul.f32 v15, v9  }
0xe9: {  	v58 =	vld [tilespmem:$0x570];
	v2 =	vsub.f32 v4, v2;
	v4 =	vmul.f32 $1.386294360e+00, v62;
	v11 =	vadd.f32 $1.760593870e+02, v11  }
0xea: {  	v7 =	vmul.f32 v7, v8;
	v23 =	vmul.f32 $1.000000000e+02, v42;
	v61 =	vld [tilespmem:$0x370];
	v15 =	vadd.f32 $-9.426011440e-01, v15  }
0xeb: {  	v62 =	vmul.f32 $1.175129410e-01, v17;
	v11 =	vsub.f32 v11, v27;
	v6 =	vsub.f32 v6, v4  }
0xec: {  	v60 =	vsel vm6, $0x0, v0;
	v4 =	vsub.f32 v1, v3;
	v3 =	vsub.f32 v2, v5  }
0xed: {  	v5 =	vsub.f32 $4.513688680e-01, v34;
	v26 =	vsub.f32 $4.513688680e-01, v62;
	v27 =	vshra.s32 v13, $0x17  }
0xee: {  	v13 =	vshra.s32 v29, $0x17;
	v15 =	vmul.f32 v15, v9;
	v28 =	vmul.f32 $1.000000000e+02, v58  }
0xef: {  	v62 =	vld [tilespmem:$0x3B0];
	vm7 =	veq.s32 v61, $0x0;
	v13 =	vcvt.s32.f32 v13;
	v10 =	vsub.f32 v11, v10  }
0xf0: {  	v2 =	vsub.f32 v6, v7;
	v7 =	vcvt.s32.f32 v36;
	v6 =	vadd.f32 $1.994897720e+00, v35  }
0xf1: {  	v5 =	vmul.f32 v5, v30;
	v20 =	vsel vm7, $0x0, v0;
	v36 =	vmul.f32 $1.175129410e-01, v19  }
0xf2: {  	v15 =	vadd.f32 $1.994897720e+00, v15;
	v13 =	vmul.f32 $1.386294360e+00, v13;
	v6 =	vmul.f32 v6, v12  }
0xf3: {  	v5 =	vadd.f32 $-9.426011440e-01, v5;
	v7 =	vmul.f32 $1.386294360e+00, v7;
	v12 =	vadd.f32 $-1.000000000e+00, v44  }
0xf4: {  	v44 =	vld [tilespmem:$0x7B0];
	v9 =	vmul.f32 v15, v9;
	v15 =	vor.u32 $0x3F800000, v48;
	vm11 =	veq.s32 v62, $0x0  }
0xf5: {  	v5 =	vmul.f32 v5, v30;
	v46 =	vmul.f32 $1.175129410e-01, v12;
	v15 =	vadd.f32 $-1.000000000e+00, v15  }
0xf6: {  	v32 =	vsel vm11, $0x0, v0;
	v1 =	vsub.f32 v10, v9;
	v9 =	vadd.f32 $1.760593870e+02, v37  }
0xf7: {  	v10 =	vshra.s32 v38, $0x17;
	v38 =	vshra.s32 v16, $0x17;
	v11 =	vsub.f32 $4.513688680e-01, v46  }
0xf8: {  	v5 =	vadd.f32 $1.994897720e+00, v5;
	v53 =	vmul.f32 $1.175129410e-01, v15;
	v9 =	vsub.f32 v9, v41  }
0xf9: {  	v48 =	vld [tilespmem:$0x5A0];
	v54 =	vcvt.s32.f32 v10;
	v49 =	vadd.f32 $9.999999740e-06, v44;
	v11 =	vmul.f32 v11, v12  }
0xfa: {  	v5 =	vmul.f32 v5, v30;
	v14 =	vsub.f32 $4.513688680e-01, v53;
	v30 =	vld [tilespmem:$0x7A0];
	v7 =	vsub.f32 v9, v7  }
0xfb: {  	v9 =	vadd.f32 $1.760593870e+02, v45;
	v22 =	vand.u32 $0x7FFFFF, v49;
	v55 =	vadd.f32 $-9.426011440e-01, v11  }
0xfc: {  	v11 =	vadd.f32 $1.760593870e+02, v56;
	v14 =	vmul.f32 v14, v15;
	v53 =	vor.u32 $0x3F800000, v22  }
0xfd: {  	v8 =	vsub.f32 v9, v50;
	v9 =	vmul.f32 $1.386294360e+00, v54;
	v6 =	vsub.f32 v7, v6  }
0xfe: {  	v59 =	vld [tilespmem:$0x5B0];
	v54 =	vadd.f32 $-1.000000000e+00, v53;
	v10 =	vmul.f32 v55, v12;
	v11 =	vsub.f32 v11, v60  }
0xff: {  	v50 =	vld [tilespmem:$0x7C0];
	v14 =	vadd.f32 $-9.426011440e-01, v14;
	v55 =	vmul.f32 $1.000000000e+02, v48;
	v8 =	vsub.f32 v8, v52  }
0x100: {  	v37 =	vadd.f32 $9.999999740e-06, v30;
	v56 =	vmul.f32 $1.175129410e-01, v54;
	v10 =	vadd.f32 $1.994897720e+00, v10  }
0x101: {  	v53 =	vld [tilespmem:$0x5F0];
	v24 =	vsub.f32 v11, v9;
	v25 =	vmul.f32 v14, v15;
	v11 =	vcvt.s32.f32 v27  }
0x102: {  	v14 =	vcvt.s32.f32 v38;
	v5 =	vsub.f32 v8, v5;
	v41 =	vand.u32 $0x7FFFFF, v37  }
0x103: {  	v16 =	vsub.f32 $4.513688680e-01, v56;
	v63 =	vmul.f32 v10, v12;
	v9 =	vadd.f32 $1.994897720e+00, v25  }
0x104: {  	v58 =	vld [tilespmem:$0x7D0];
	v10 =	vmul.f32 v26, v17;
	v12 =	vadd.f32 $1.760593870e+02, v28;
	v11 =	vmul.f32 $1.386294360e+00, v11  }
0x105: {  	v18 =	vor.u32 $0x3F800000, v41;
	v14 =	vmul.f32 $1.386294360e+00, v14;
	v57 =	vadd.f32 $9.999999740e-06, v50  }
0x106: {  	v28 =	vmul.f32 $1.000000000e+02, v59;
	v59 =	vmul.f32 $1.000000000e+02, v53;
	v18 =	vadd.f32 $-1.000000000e+00, v18  }
0x107: {  	v16 =	vmul.f32 v16, v54;
	v10 =	vadd.f32 $-9.426011440e-01, v10;
	v12 =	vsub.f32 v12, v20  }
0x108: {  	v7 =	vsub.f32 v24, v63;
	v33 =	vmul.f32 v9, v15;
	v15 =	vadd.f32 $1.760593870e+02, v39  }
0x109: {  	v20 =	vsel vm9, $0x0, v0;
	v60 =	vand.u32 $0x7FFFFF, v57;
	v63 =	vadd.f32 $9.999999740e-06, v58  }
0x10a: {  	[tilespmem:$0x740] =	vst v6;
	v50 =	vld [tilespmem:$0x3F0];
	v30 =	vadd.f32 $1.760593870e+02, v28;
	v6 =	vadd.f32 $1.760593870e+02, v59;
	v46 =	vmul.f32 $1.175129410e-01, v18  }
0x10b: {  	v61 =	vor.u32 $0x3F800000, v60;
	v16 =	vadd.f32 $-9.426011440e-01, v16;
	v35 =	vsub.f32 v12, v11  }
0x10c: {  	v34 =	vmul.f32 v10, v17;
	v11 =	vsub.f32 $4.513688680e-01, v36;
	v45 =	vsub.f32 v15, v43  }
0x10d: {  	v12 =	vshra.s32 v37, $0x17;
	v29 =	vand.u32 $0x7FFFFF, v63;
	v15 =	vsub.f32 $4.513688680e-01, v46  }
0x10e: {  	v12 =	vcvt.s32.f32 v12;
	v16 =	vmul.f32 v16, v54;
	v22 =	vor.u32 $0x3F800000, v29  }
0x10f: {  	vm15 =	veq.s32 v50, $0x0;
	v9 =	vadd.f32 $1.994897720e+00, v34;
	v8 =	vsub.f32 v35, v33  }
0x110: {  	v43 =	vld [tilespmem:$0x3D0];
	v11 =	vmul.f32 v11, v19;
	v10 =	vsub.f32 v45, v14;
	v14 =	vadd.f32 $1.760593870e+02, v47  }
0x111: {  	v22 =	vadd.f32 $-1.000000000e+00, v22;
	v15 =	vmul.f32 v15, v18;
	v12 =	vmul.f32 $1.386294360e+00, v12  }
0x112: {  	v16 =	vadd.f32 $1.994897720e+00, v16;
	v9 =	vmul.f32 v9, v17;
	v11 =	vadd.f32 $-9.426011440e-01, v11  }
0x113: {  	v14 =	vsub.f32 v14, v20;
	v20 =	vsel vm10, $0x0, v0;
	v17 =	vshra.s32 v49, $0x17  }
0x114: {  	v34 =	vmul.f32 $1.175129410e-01, v22;
	v49 =	vadd.f32 $1.760593870e+02, v23;
	v52 =	vadd.f32 $-9.426011440e-01, v15  }
0x115: {  	v33 =	vld [tilespmem:$0x3C0];
	v15 =	vadd.f32 $1.760593870e+02, v55;
	v17 =	vcvt.s32.f32 v17;
	vm13 =	veq.s32 v43, $0x0  }
0x116: {  	v45 =	vld [tilespmem:$0x5E0];
	v11 =	vmul.f32 v11, v19;
	v9 =	vsub.f32 v10, v9;
	v13 =	vsub.f32 v14, v13  }
0x117: {  	v47 =	vld [tilespmem:$0x3E0];
	v10 =	vmul.f32 v52, v18;
	v15 =	vsub.f32 v15, v20;
	v20 =	vadd.f32 $-1.000000000e+00, v61  }
0x118: {  	v38 =	vld [tilespmem:$0x7F0];
	v14 =	vmul.f32 v16, v54;
	v37 =	vsub.f32 $4.513688680e-01, v34;
	v11 =	vadd.f32 $1.994897720e+00, v11  }
0x119: {  	v17 =	vmul.f32 $1.386294360e+00, v17;
	v10 =	vadd.f32 $1.994897720e+00, v10;
	v27 =	vmul.f32 $1.175129410e-01, v20  }
0x11a: {  	v36 =	vld [tilespmem:$0x7E0];
	vm12 =	veq.s32 v33, $0x0;
	v52 =	vsel vm13, $0x0, v0;
	v11 =	vmul.f32 v11, v19  }
0x11b: {  	v24 =	vmul.f32 $1.000000000e+02, v45;
	v10 =	vmul.f32 v10, v18;
	v18 =	vsub.f32 $4.513688680e-01, v27  }
0x11c: {  	vm14 =	veq.s32 v47, $0x0;
	v11 =	vsub.f32 v13, v11;
	v13 =	vsub.f32 v30, v32  }
0x11d: {  	[tilespmem:$0x710] =	vst v3;
	v61 =	vsel vm15, $0x0, v0;
	v3 =	vsub.f32 v49, v52;
	v18 =	vmul.f32 v18, v20  }
0x11e: {  	v16 =	vmul.f32 v37, v22;
	v13 =	vsub.f32 v13, v17;
	v17 =	vadd.f32 $9.999999740e-06, v38  }
0x11f: {  	v41 =	vsel vm12, $0x0, v0;
	v35 =	vadd.f32 $-9.426011440e-01, v18;
	v18 =	vadd.f32 $9.999999740e-06, v36  }
0x120: {  	v6 =	vsub.f32 v6, v61;
	v12 =	vsub.f32 v15, v12;
	v46 =	vand.u32 $0x7FFFFF, v17  }
0x121: {  	v15 =	vshra.s32 v63, $0x17;
	v44 =	vand.u32 $0x7FFFFF, v18;
	v25 =	vor.u32 $0x3F800000, v46  }
0x122: {  	v19 =	vshra.s32 v57, $0x17;
	v21 =	vor.u32 $0x3F800000, v44;
	v25 =	vadd.f32 $-1.000000000e+00, v25  }
0x123: {  	v16 =	vadd.f32 $-9.426011440e-01, v16;
	v39 =	vcvt.s32.f32 v19;
	v21 =	vadd.f32 $-1.000000000e+00, v21  }
0x124: {  	v15 =	vcvt.s32.f32 v15;
	v19 =	vsub.f32 v40, v41;
	v51 =	vmul.f32 $1.175129410e-01, v25  }
0x125: {  	v13 =	vsub.f32 v13, v14;
	v14 =	vmul.f32 $1.386294360e+00, v39;
	v48 =	vmul.f32 $1.175129410e-01, v21  }
0x126: {  	v56 =	vadd.f32 $1.760593870e+02, v24;
	v16 =	vmul.f32 v16, v22;
	v55 =	vsub.f32 $4.513688680e-01, v51  }
0x127: {  	v54 =	vmul.f32 $1.386294360e+00, v15;
	v14 =	vsub.f32 v19, v14;
	v19 =	vsub.f32 $4.513688680e-01, v48  }
0x128: {  	[tilespmem:$0x720] =	vst v2;
	v10 =	vsub.f32 v12, v10;
	v16 =	vadd.f32 $1.994897720e+00, v16;
	v57 =	vmul.f32 v55, v25  }
0x129: {  	[tilespmem:$0x730] =	vst v1;
	v1 =	vsub.f32 v3, v54;
	v3 =	vsel vm14, $0x0, v0;
	v2 =	vmul.f32 v19, v21  }
0x12a: {  	[tilespmem:$0x700] =	vst v4;
	v3 =	vsub.f32 v56, v3;
	v4 =	vadd.f32 $-9.426011440e-01, v57  }
0x12b: {  	[tilespmem:$0x750] =	vst v5;
	v60 =	vshra.s32 v17, $0x17;
	v12 =	vmul.f32 v35, v20;
	v2 =	vadd.f32 $-9.426011440e-01, v2  }
0x12c: {  	[tilespmem:$0x760] =	vst v7;
	v58 =	vshra.s32 v18, $0x17;
	v7 =	vcvt.s32.f32 v60;
	v4 =	vmul.f32 v4, v25  }
0x12d: {  	[tilespmem:$0x770] =	vst v8;
	v5 =	vcvt.s32.f32 v58;
	v12 =	vadd.f32 $1.994897720e+00, v12;
	v2 =	vmul.f32 v2, v21  }
0x12e: {  	[tilespmem:$0x780] =	vst v9;
	v16 =	vmul.f32 v16, v22;
	v7 =	vmul.f32 $1.386294360e+00, v7;
	v4 =	vadd.f32 $1.994897720e+00, v4  }
0x12f: {  	[tilespmem:$0x790] =	vst v11;
	v5 =	vmul.f32 $1.386294360e+00, v5;
	v12 =	vmul.f32 v12, v20;
	v2 =	vadd.f32 $1.994897720e+00, v2  }
0x130: {  	[tilespmem:$0x7A0] =	vst v10;
	v1 =	vsub.f32 v1, v16;
	v63 =	vsub.f32 v6, v7;
	v4 =	vmul.f32 v4, v25  }
0x131: {  	[tilespmem:$0x7B0] =	vst v13;
	v3 =	vsub.f32 v3, v5;
	v62 =	vsub.f32 v14, v12;
	v2 =	vmul.f32 v2, v21  }
0x132: {  	[tilespmem:$0x7D0] =	vst v1;
	v1 =	vsub.f32 v63, v4  }
0x133: {  	[tilespmem:$0x7C0] =	vst v62;
	v2 =	vsub.f32 v3, v2  }
0x134: {  	[tilespmem:$0x7F0] =	vst v1  }
0x135: {  	[tilespmem:$0x7E0] =	vst v2  }
0x136: {  	[hbm4b:s8+s4] =	stream.linear.scatter [tilespmem:s15], [sflag:$0x2], $0x100, $0x38;
	[tilespmem:$0x800] =	vst v63  }
0x137: {  	p0 =	sne.s32 s9, $0x1;
	_ =	swait.ge [sflag:s20], $0x100  }
.Ltmp0:
0x138: {  	[sflag:s20] =	ssyncset.done $0x0;
	(pc) =	sbr.rel @p0 .LBB2_1-.Ltmp0, $4  }
0x139: {  	[sflag:s20] =	ssyncadd.s32 $0xFFFFFF00  }
0x13a: {  	_ =	swait.ge [sflag:s20], $0x100  }
0x13b: {  	[sflag:s20] =	ssyncset.done $0x0  }
0x13c: {  	s9 =	sadd.s32 $0xFFFFFFFF, s9;
	[sflag:s20] =	ssyncadd.s32 $0xFFFFFF00  }
0x13d: {  	_ =	sfence.sel $0x180000  }
0x13e: {  	[bflag:$0x0] =	sbarrier.arrive $0xFFFF  }
0x13f: {  	p0 =	sne.s32 s3, $0x0;
	_ =	strace $0x90000047  }
0x140: {  	s0 =	sadd.s32 @!p0 $0x100000, s0;
	[bflag:$0x2] =	sbarrier.arrive $0xFFFF  }
0x141: {  	[sflag:s0] =	ssyncadd.tile.s32 @!p0 $0x1;
	_ =	shalt  }
.Lfunc_end2:
_tile_overlayer_lowered:
.L_overlay_start_2:
0x142: {  	(tag) =	ssettag $0x2  }
0x143: {  	s0 =	rddreg [dreg:$0x0];
	s2 =	stileid.u32  }
0x144: {  	s1 =	rddreg [dreg:$0x1];
	p0 =	sne.s32 s2, $0x0  }
0x145: {  	s3 =	rddreg [dreg:$0x2];
	[bflag:$0x3] =	sbarrier.arrive $0xFFFF;
	s2 =	simm.s32 @!p0 $0x1C05  }
0x146: {  	[timem:s3], [sflag:s2] =	dma.local @!p0 [hbm:s0], s1  }
0x147: {  	s0 =	simm.s32 @!p0 $0x5  }
0x148: {  	_ =	swait.ge @!p0 [sflag:s0], s1  }
0x149: {  	s1 =	ssub.s32 @!p0 $0x0, s1;
	[sflag:s0] =	ssyncset.done @!p0 $0x0  }
0x14a: {  	[sflag:s0] =	ssyncadd.s32 @!p0 s1  }
0x14b: {  	[bflag:$0x3] =	sbarrier.arrive $0xFFFF  }
0x14c: {  	_ =	shalt  }

</sc_bundles>
